<compile_context>
chip_gen: v7x
topology: tpu7x:2x2x1
jax: 0.10.2.dev20260603
libtpu: 0.0.44.dev20260713+nightly
codegen_flags: <defaults>
</compile_context>

<pallas_src>
import functools

import numpy as np
import jax
import jax.numpy as jnp
from jax import lax
from jax.experimental import pallas as pl
from jax.experimental.pallas import tpu as pltpu
from jax.experimental.pallas import tpu_sc as plsc

N = 10000
NPAD = 10240
IN_DIM = 128
H = 4
D = 32
HD = H * D
OUT_DIM = 128

NW = 32
K = 128
CH_PER_W = 159
EPW = CH_PER_W * K
EPAD = NW * EPW
E2 = 2 * 320000 + N

_ROWS_PER_SUB = NPAD // 16
_COPIES = _ROWS_PER_SUB // K

_S4 = np.zeros((4, HD), np.float32)
for _h in range(4):
    _S4[_h, _h * D:(_h + 1) * D] = 1.0


def _stage1_body(x_ref, wlt_ref, mcat_ref, proj_ref, alph_ref):
    xb = x_ref[...]
    proj = jnp.dot(xb, wlt_ref[...], preferred_element_type=jnp.float32)
    proj_ref[...] = proj
    alph_ref[...] = jnp.dot(proj, mcat_ref[...],
                            preferred_element_type=jnp.float32)


def _stage1(xpad, wlt, mcat):
    B = 1024
    grid = NPAD // B
    return pl.pallas_call(
        _stage1_body,
        grid=(grid,),
        in_specs=[
            pl.BlockSpec((B, IN_DIM), lambda i: (i, 0)),
            pl.BlockSpec((IN_DIM, HD), lambda i: (0, 0)),
            pl.BlockSpec((IN_DIM, 16), lambda i: (0, 0)),
        ],
        out_specs=[
            pl.BlockSpec((B, HD), lambda i: (i, 0)),
            pl.BlockSpec((B, 16), lambda i: (i, 0)),
        ],
        out_shape=[
            jax.ShapeDtypeStruct((NPAD, HD), jnp.float32),
            jax.ShapeDtypeStruct((NPAD, 16), jnp.float32),
        ],
    )(xpad, wlt, mcat)


_sc_mesh = plsc.VectorSubcoreMesh(core_axis_name="c", subcore_axis_name="s")
_sc_params = pltpu.CompilerParams(needs_layout_passes=False)


@functools.partial(
    pl.kernel,
    out_type=[
        jax.ShapeDtypeStruct((EPAD * 4,), jnp.float32),
        jax.ShapeDtypeStruct((2, 16, H, NPAD), jnp.float32),
    ],
    mesh=_sc_mesh,
    compiler_params=_sc_params,
    scratch_types=[
        pltpu.VMEM((4 * NPAD,), jnp.float32),
        pltpu.VMEM((4 * NPAD,), jnp.float32),
        pltpu.VMEM((H, NPAD), jnp.float32),
        pltpu.VMEM((K,), jnp.int32),
        pltpu.VMEM((K,), jnp.int32),
        pltpu.VMEM((K * 4,), jnp.float32),
    ],
)
def _score_kernel(asrc_hbm, adst_hbm, src_hbm, dst_hbm,
                  w_hbm, denout_hbm,
                  asrc_v, adst_v, den_v, src_v, dst_v, w_v):
    c = lax.axis_index("c")
    s = lax.axis_index("s")
    wid = s * 2 + c

    pltpu.sync_copy(asrc_hbm, asrc_v)
    pltpu.sync_copy(adst_hbm, adst_v)

    zero16 = jnp.zeros((16,), jnp.float32)

    def _zden(i, carry):
        for h in range(H):
            den_v[h, pl.ds(i * 16, 16)] = zero16
        return carry

    lax.fori_loop(0, NPAD // 16, _zden, 0)

    iota16 = lax.iota(jnp.int32, 16)

    def _chunk(ch, carry):
        base = wid * EPW + ch * K
        pltpu.sync_copy(src_hbm.at[pl.ds(base, K)], src_v)
        pltpu.sync_copy(dst_hbm.at[pl.ds(base, K)], dst_v)
        for g in range(K // 16):
            src16 = src_v[pl.ds(g * 16, 16)]
            dst16 = dst_v[pl.ds(g * 16, 16)]
            e16 = g * 16 + iota16
            for h in range(H):
                a = plsc.load_gather(asrc_v, [src16 * 4 + h])
                b = plsc.load_gather(adst_v, [dst16 * 4 + h])
                sc = a + b
                sc = jnp.where(sc >= 0.0, sc, 0.2 * sc)
                w = jnp.exp(sc)
                plsc.store_scatter(w_v, [e16 * 4 + h], w)
                plsc.addupdate_scatter(
                    den_v, [jnp.full((16,), h, jnp.int32), dst16], w)
        pltpu.sync_copy(w_v, w_hbm.at[pl.ds(base * 4, K * 4)])
        return carry

    lax.fori_loop(0, CH_PER_W, _chunk, 0)
    pltpu.sync_copy(den_v, denout_hbm.at[c, s])


@functools.partial(
    pl.kernel,
    out_type=jax.ShapeDtypeStruct((2, NPAD, HD), jnp.float32),
    mesh=_sc_mesh,
    compiler_params=_sc_params,
    scratch_types=[
        pltpu.VMEM((K,), jnp.int32),
        pltpu.VMEM((K,), jnp.int32),
        pltpu.VMEM((K * 4 + 16,), jnp.float32),
        pltpu.VMEM((K, HD), jnp.float32),
        pltpu.VMEM((K, HD), jnp.float32),
        pltpu.VMEM_SHARED((NPAD, HD), jnp.float32),
        pltpu.SemaphoreType.DMA,
    ],
)
def _message_kernel(proj_hbm, src_hbm, dst_hbm, w_hbm, accout_hbm,
                    src_v, dst_v, w_v, rows_v, out_v, acc, sem):
    c = lax.axis_index("c")
    s = lax.axis_index("s")
    wid = s * 2 + c

    zero16 = jnp.zeros((16,), jnp.float32)

    def _zout(r, carry):
        for j in range(HD // 16):
            out_v[r, pl.ds(j * 16, 16)] = zero16
        return carry

    lax.fori_loop(0, K, _zout, 0)
    for j in range(_COPIES):
        pltpu.sync_copy(out_v, acc.at[pl.ds(s * _ROWS_PER_SUB + j * K, K), :])
    plsc.subcore_barrier()

    def _chunk(ch, carry):
        base = wid * EPW + ch * K
        pltpu.sync_copy(src_hbm.at[pl.ds(base, K)], src_v)
        pltpu.sync_copy(dst_hbm.at[pl.ds(base, K)], dst_v)
        pltpu.sync_copy(w_hbm.at[pl.ds(base * 4, K * 4)],
                        w_v.at[pl.ds(0, K * 4)])
        pltpu.async_copy(proj_hbm.at[src_v], rows_v, sem).wait()

        def _edge(e, carry2):
            wvec = w_v[pl.ds(e * 4, 16)]
            for h in range(H):
                wv = wvec[h]
                for j in range(2):
                    off = h * D + j * 16
                    out_v[e, pl.ds(off, 16)] = rows_v[e, pl.ds(off, 16)] * wv
            return carry2

        lax.fori_loop(0, K, _edge, 0)
        pltpu.sync_copy(out_v, acc.at[dst_v], add=True)
        return carry

    lax.fori_loop(0, CH_PER_W, _chunk, 0)
    plsc.subcore_barrier()
    for j in range(_COPIES):
        rs = s * _ROWS_PER_SUB + j * K
        pltpu.sync_copy(acc.at[pl.ds(rs, K), :],
                        accout_hbm.at[c, pl.ds(rs, K), :])


def _stage3_body(acc_ref, den_ref, s4_ref, bias_ref, wft_ref, bfin_ref,
                 out_ref):
    m = acc_ref[0] + acc_ref[1]
    denp = jnp.sum(den_ref[...], axis=0)
    den = lax.dot_general(denp, s4_ref[...], (((0,), (0,)), ((), ())),
                          preferred_element_type=jnp.float32)
    y = m / den + bias_ref[...]
    y = jnp.where(y > 0.0, y, jnp.exp(y) - 1.0)
    out_ref[...] = jnp.dot(y, wft_ref[...],
                           preferred_element_type=jnp.float32) + bfin_ref[...]


def _stage3(accout, den3, s4, bias2, wft, bfin2):
    B = 1024
    grid = NPAD // B
    return pl.pallas_call(
        _stage3_body,
        grid=(grid,),
        in_specs=[
            pl.BlockSpec((2, B, HD), lambda i: (0, i, 0)),
            pl.BlockSpec((NW, H, B), lambda i: (0, 0, i)),
            pl.BlockSpec((H, HD), lambda i: (0, 0)),
            pl.BlockSpec((1, HD), lambda i: (0, 0)),
            pl.BlockSpec((HD, OUT_DIM), lambda i: (0, 0)),
            pl.BlockSpec((1, OUT_DIM), lambda i: (0, 0)),
        ],
        out_specs=pl.BlockSpec((B, OUT_DIM), lambda i: (i, 0)),
        out_shape=jax.ShapeDtypeStruct((NPAD, OUT_DIM), jnp.float32),
    )(accout, den3, s4, bias2, wft, bfin2)


def kernel(x, edge_index, W_lin, attn_src, attn_dst, bias, W_fin, b_fin):
    xpad = jnp.pad(x, ((0, NPAD - N), (0, 0)))
    wlt = W_lin.T
    s4 = jnp.asarray(_S4)
    mcat = jnp.concatenate(
        [s4.T * attn_src.reshape(-1)[:, None],
         s4.T * attn_dst.reshape(-1)[:, None],
         jnp.zeros((HD, 8), jnp.float32)], axis=1)

    proj, alph = _stage1(xpad, wlt, mcat)
    asrc_flat = alph[:, 0:4].reshape(-1)
    adst_flat = alph[:, 4:8].reshape(-1)

    src0 = edge_index[0]
    dst0 = edge_index[1]
    loop = jnp.arange(N, dtype=jnp.int32)
    padlen = EPAD - E2
    src = jnp.concatenate(
        [src0, dst0, loop, jnp.zeros((padlen,), jnp.int32)])
    dst = jnp.concatenate(
        [dst0, src0, loop, jnp.full((padlen,), N, jnp.int32)])

    w_flat, denout = _score_kernel(asrc_flat, adst_flat, src, dst)
    accout = _message_kernel(proj, src, dst, w_flat)
    den3 = denout.reshape(NW, H, NPAD)

    out = _stage3(accout, den3, s4, bias.reshape(1, HD),
                  W_fin.T, b_fin.reshape(1, OUT_DIM))
    return out[:N]

# --- scband reference (transcript-rebuilt; emitter-appended) ---
"""Pipeline reference for scband-gatmodel-55490977464422 (READ-ONLY COPY).

The authoritative reference and input builder live on the scoring server;
editing this copy changes nothing except your own understanding.
"""

import jax, jax.numpy as jnp
import numpy as np

N = 10000
E = 320000
IN_DIM = 128
H = 4
D = 32
OUT_DIM = 128


def setup_inputs(seed: int = 0) -> dict:
    key = jax.random.key(seed)
    ks = jax.random.split(key, 8)
    x = jax.random.normal(ks[0], (N, IN_DIM), dtype=jnp.float32)
    edge_index = jax.random.randint(ks[1], (2, E), 0, N, dtype=jnp.int32)
    W_lin = jax.random.normal(ks[2], (H * D, IN_DIM), dtype=jnp.float32) * (1.0 / np.sqrt(IN_DIM))
    attn_src = jax.random.normal(ks[3], (H, D), dtype=jnp.float32) * (1.0 / np.sqrt(D))
    attn_dst = jax.random.normal(ks[4], (H, D), dtype=jnp.float32) * (1.0 / np.sqrt(D))
    bias = jnp.zeros((H * D,), dtype=jnp.float32)
    W_fin = jax.random.normal(ks[5], (OUT_DIM, H * D), dtype=jnp.float32) * (1.0 / np.sqrt(H * D))
    b_fin = jnp.zeros((OUT_DIM,), dtype=jnp.float32)
    return {"x": x, "edge_index": edge_index, "W_lin": W_lin, "attn_src": attn_src,
            "attn_dst": attn_dst, "bias": bias, "W_fin": W_fin, "b_fin": b_fin}


def reference(x, edge_index, W_lin, attn_src, attn_dst, bias, W_fin, b_fin):
    src0 = edge_index[0]
    dst0 = edge_index[1]
    loop = jnp.arange(N, dtype=src0.dtype)
    # make_bidirectional + add_self_loops
    src = jnp.concatenate([src0, dst0, loop])
    dst = jnp.concatenate([dst0, src0, loop])
    proj = (x @ W_lin.T).reshape(N, H, D)
    src_proj = proj[src]  # [E', H, D] gather
    dst_proj = proj[dst]
    scores = (src_proj * attn_src[None, :, :]).sum(-1) + (dst_proj * attn_dst[None, :, :]).sum(-1)  # [E', H]
    scores = jnp.where(scores >= 0, scores, 0.2 * scores)  # leaky_relu(0.2)
    # segment softmax over dst
    smax = jax.ops.segment_max(scores, dst, num_segments=N)
    ex = jnp.exp(scores - smax[dst])
    den = jax.ops.segment_sum(ex, dst, num_segments=N)
    attn = ex / jnp.maximum(den, 1e-12)[dst]
    messages = src_proj * attn[:, :, None]
    out = jax.ops.segment_sum(messages, dst, num_segments=N)  # scatter-add
    out = out.reshape(N, H * D) + bias
    out = jnp.where(out > 0, out, jnp.expm1(out))  # elu
    return out @ W_fin.T + b_fin

if __name__ == "__main__":
    import jax
    _d = setup_inputs()
    print(jax.jit(kernel)(*tuple(_d.values())))

</pallas_src>

<mosaic_0001>
#map = affine_map<(d0, d1) -> (0, 0)>
#map1 = affine_map<(d0, d1) -> (0)>
#map2 = affine_map<(d0, d1) -> (0, 0, 0)>
module attributes {stable_mosaic.version = 14 : i64} {
  func.func @_message_kernel(%arg0: i32, %arg1: i32, %arg2: memref<10240x128xf32, #tpu.memory_space<hbm>>, %arg3: memref<651264xi32, #tpu.memory_space<hbm>>, %arg4: memref<651264xi32, #tpu.memory_space<hbm>>, %arg5: memref<2605056xf32, #tpu.memory_space<hbm>>, %arg6: memref<2x10240x128xf32, #tpu.memory_space<hbm>>, %arg7: memref<128xi32, #tpu.memory_space<vmem>>, %arg8: memref<128xi32, #tpu.memory_space<vmem>>, %arg9: memref<528xf32, #tpu.memory_space<vmem>>, %arg10: memref<128x128xf32, #tpu.memory_space<vmem>>, %arg11: memref<128x128xf32, #tpu.memory_space<vmem>>, %arg12: memref<10240x128xf32, #tpu.memory_space<vmem_shared>>, %arg13: memref<!tpu.dma_semaphore, #tpu.memory_space<semaphore_mem>>) attributes {dimension_semantics = [#tpu.dimension_semantics<core_parallel>, #tpu.dimension_semantics<subcore_parallel>], iteration_bounds = array<i64: 2, 16>, scalar_prefetch = 0 : i64, scratch_operands = 7 : i64, tpu.core_type = #tpu.core_type<sc_vector_subcore>, window_params = [{transform_indices = #map}, {transform_indices = #map1}, {transform_indices = #map1}, {transform_indices = #map1}, {transform_indices = #map2}]} {
    %mul3A = arith.constant 2 : i32
    %mul3A_0 = arith.muli %arg1, %mul3A : i32
    %add3A = arith.addi %mul3A_0, %arg0 : i32
    %broadcast_in_dim3A = arith.constant 0.000000e+00 : f32
    %broadcast_in_dim3A_1 = vector.broadcast %broadcast_in_dim3A : f32 to vector<16xf32>
    %scan3A = arith.constant 0 : i32
    %scan3A_2 = arith.constant 0 : i32
    %scan3A_3 = arith.constant 128 : i32
    %scan3A_4 = arith.addi %scan3A_2, %scan3A_3 : i32
    %scan3A_5 = arith.constant 1 : i32
    scf.for %scan3A_54 = %scan3A_2 to %scan3A_4 step %scan3A_5  : i32 {
      %swap3A = arith.index_cast %scan3A_54 : i32 to index
      %swap3A_55 = arith.constant 0 : index
      %swap3A_56 = tpu.vector_load %arg11[%swap3A, %swap3A_55] {strides = array<i32>} : memref<128x128xf32, #tpu.memory_space<vmem>>, vector<16xf32>,
      tpu.vector_store %arg11[%swap3A, %swap3A_55], %broadcast_in_dim3A_1 {strides = array<i32>} : memref<128x128xf32, #tpu.memory_space<vmem>>, vector<16xf32>,
      %swap3A_57 = arith.index_cast %scan3A_54 : i32 to index
      %swap3A_58 = arith.constant 16 : index
      %swap3A_59 = tpu.vector_load %arg11[%swap3A_57, %swap3A_58] {strides = array<i32>} : memref<128x128xf32, #tpu.memory_space<vmem>>, vector<16xf32>,
      tpu.vector_store %arg11[%swap3A_57, %swap3A_58], %broadcast_in_dim3A_1 {strides = array<i32>} : memref<128x128xf32, #tpu.memory_space<vmem>>, vector<16xf32>,
      %swap3A_60 = arith.index_cast %scan3A_54 : i32 to index
      %swap3A_61 = arith.constant 32 : index
      %swap3A_62 = tpu.vector_load %arg11[%swap3A_60, %swap3A_61] {strides = array<i32>} : memref<128x128xf32, #tpu.memory_space<vmem>>, vector<16xf32>,
      tpu.vector_store %arg11[%swap3A_60, %swap3A_61], %broadcast_in_dim3A_1 {strides = array<i32>} : memref<128x128xf32, #tpu.memory_space<vmem>>, vector<16xf32>,
      %swap3A_63 = arith.index_cast %scan3A_54 : i32 to index
      %swap3A_64 = arith.constant 48 : index
      %swap3A_65 = tpu.vector_load %arg11[%swap3A_63, %swap3A_64] {strides = array<i32>} : memref<128x128xf32, #tpu.memory_space<vmem>>, vector<16xf32>,
      tpu.vector_store %arg11[%swap3A_63, %swap3A_64], %broadcast_in_dim3A_1 {strides = array<i32>} : memref<128x128xf32, #tpu.memory_space<vmem>>, vector<16xf32>,
      %swap3A_66 = arith.index_cast %scan3A_54 : i32 to index
      %swap3A_67 = arith.constant 64 : index
      %swap3A_68 = tpu.vector_load %arg11[%swap3A_66, %swap3A_67] {strides = array<i32>} : memref<128x128xf32, #tpu.memory_space<vmem>>, vector<16xf32>,
      tpu.vector_store %arg11[%swap3A_66, %swap3A_67], %broadcast_in_dim3A_1 {strides = array<i32>} : memref<128x128xf32, #tpu.memory_space<vmem>>, vector<16xf32>,
      %swap3A_69 = arith.index_cast %scan3A_54 : i32 to index
      %swap3A_70 = arith.constant 80 : index
      %swap3A_71 = tpu.vector_load %arg11[%swap3A_69, %swap3A_70] {strides = array<i32>} : memref<128x128xf32, #tpu.memory_space<vmem>>, vector<16xf32>,
      tpu.vector_store %arg11[%swap3A_69, %swap3A_70], %broadcast_in_dim3A_1 {strides = array<i32>} : memref<128x128xf32, #tpu.memory_space<vmem>>, vector<16xf32>,
      %swap3A_72 = arith.index_cast %scan3A_54 : i32 to index
      %swap3A_73 = arith.constant 96 : index
      %swap3A_74 = tpu.vector_load %arg11[%swap3A_72, %swap3A_73] {strides = array<i32>} : memref<128x128xf32, #tpu.memory_space<vmem>>, vector<16xf32>,
      tpu.vector_store %arg11[%swap3A_72, %swap3A_73], %broadcast_in_dim3A_1 {strides = array<i32>} : memref<128x128xf32, #tpu.memory_space<vmem>>, vector<16xf32>,
      %swap3A_75 = arith.index_cast %scan3A_54 : i32 to index
      %swap3A_76 = arith.constant 112 : index
      %swap3A_77 = tpu.vector_load %arg11[%swap3A_75, %swap3A_76] {strides = array<i32>} : memref<128x128xf32, #tpu.memory_space<vmem>>, vector<16xf32>,
      tpu.vector_store %arg11[%swap3A_75, %swap3A_76], %broadcast_in_dim3A_1 {strides = array<i32>} : memref<128x128xf32, #tpu.memory_space<vmem>>, vector<16xf32>,
    }
    %scan3A_6 = arith.constant 128 : i32
    %mul3A_7 = arith.constant 640 : i32
    %mul3A_8 = arith.muli %arg1, %mul3A_7 : i32
    %add3A_9 = arith.constant 0 : i32
    %add3A_10 = arith.addi %mul3A_8, %add3A_9 : i32
    "tpu.region"() ({
      %run_scoped3A = tpu.sem_alloc : memref<!tpu.dma_semaphore, #tpu.memory_space<semaphore_mem>>
      %dma_start3A = arith.constant 0 : i32
      %dma_start3A_54 = tpu.memref_slice %arg12[%add3A_10, %dma_start3A] : memref<10240x128xf32, #tpu.memory_space<vmem_shared>> -> memref<128x128xf32, #tpu.memory_space<vmem_shared>>
      %dma_start3A_55 = arith.constant 0 : i32
      %dma_start3A_56 = tpu.memref_slice %arg12[%add3A_10, %dma_start3A_55] : memref<10240x128xf32, #tpu.memory_space<vmem_shared>> -> memref<128x128xf32, #tpu.memory_space<vmem_shared>>
      tpu.enqueue_dma source(%arg11 : memref<128x128xf32, #tpu.memory_space<vmem>>) target(%dma_start3A_56 : memref<128x128xf32, #tpu.memory_space<vmem_shared>>) target_semaphore(%run_scoped3A : memref<!tpu.dma_semaphore, #tpu.memory_space<semaphore_mem>>)
      %dma_wait3A = arith.constant 0 : i32
      %dma_wait3A_57 = tpu.memref_slice %arg12[%add3A_10, %dma_wait3A] : memref<10240x128xf32, #tpu.memory_space<vmem_shared>> -> memref<128x128xf32, #tpu.memory_space<vmem_shared>>
      %dma_wait3A_58 = arith.constant 0 : i32
      %dma_wait3A_59 = tpu.memref_slice %arg12[%add3A_10, %dma_wait3A_58] : memref<10240x128xf32, #tpu.memory_space<vmem_shared>> -> memref<128x128xf32, #tpu.memory_space<vmem_shared>>
      tpu.wait_dma2 semaphore(%run_scoped3A : memref<!tpu.dma_semaphore, #tpu.memory_space<semaphore_mem>>) src(%arg11 : memref<128x128xf32, #tpu.memory_space<vmem>>) dst(%dma_wait3A_59 : memref<128x128xf32, #tpu.memory_space<vmem_shared>>)
      tpu.yield
    }) : () -> ()
    %mul3A_11 = arith.constant 640 : i32
    %mul3A_12 = arith.muli %arg1, %mul3A_11 : i32
    %add3A_13 = arith.constant 128 : i32
    %add3A_14 = arith.addi %mul3A_12, %add3A_13 : i32
    "tpu.region"() ({
      %run_scoped3A = tpu.sem_alloc : memref<!tpu.dma_semaphore, #tpu.memory_space<semaphore_mem>>
      %dma_start3A = arith.constant 0 : i32
      %dma_start3A_54 = tpu.memref_slice %arg12[%add3A_14, %dma_start3A] : memref<10240x128xf32, #tpu.memory_space<vmem_shared>> -> memref<128x128xf32, #tpu.memory_space<vmem_shared>>
      %dma_start3A_55 = arith.constant 0 : i32
      %dma_start3A_56 = tpu.memref_slice %arg12[%add3A_14, %dma_start3A_55] : memref<10240x128xf32, #tpu.memory_space<vmem_shared>> -> memref<128x128xf32, #tpu.memory_space<vmem_shared>>
      tpu.enqueue_dma source(%arg11 : memref<128x128xf32, #tpu.memory_space<vmem>>) target(%dma_start3A_56 : memref<128x128xf32, #tpu.memory_space<vmem_shared>>) target_semaphore(%run_scoped3A : memref<!tpu.dma_semaphore, #tpu.memory_space<semaphore_mem>>)
      %dma_wait3A = arith.constant 0 : i32
      %dma_wait3A_57 = tpu.memref_slice %arg12[%add3A_14, %dma_wait3A] : memref<10240x128xf32, #tpu.memory_space<vmem_shared>> -> memref<128x128xf32, #tpu.memory_space<vmem_shared>>
      %dma_wait3A_58 = arith.constant 0 : i32
      %dma_wait3A_59 = tpu.memref_slice %arg12[%add3A_14, %dma_wait3A_58] : memref<10240x128xf32, #tpu.memory_space<vmem_shared>> -> memref<128x128xf32, #tpu.memory_space<vmem_shared>>
      tpu.wait_dma2 semaphore(%run_scoped3A : memref<!tpu.dma_semaphore, #tpu.memory_space<semaphore_mem>>) src(%arg11 : memref<128x128xf32, #tpu.memory_space<vmem>>) dst(%dma_wait3A_59 : memref<128x128xf32, #tpu.memory_space<vmem_shared>>)
      tpu.yield
    }) : () -> ()
    %mul3A_15 = arith.constant 640 : i32
    %mul3A_16 = arith.muli %arg1, %mul3A_15 : i32
    %add3A_17 = arith.constant 256 : i32
    %add3A_18 = arith.addi %mul3A_16, %add3A_17 : i32
    "tpu.region"() ({
      %run_scoped3A = tpu.sem_alloc : memref<!tpu.dma_semaphore, #tpu.memory_space<semaphore_mem>>
      %dma_start3A = arith.constant 0 : i32
      %dma_start3A_54 = tpu.memref_slice %arg12[%add3A_18, %dma_start3A] : memref<10240x128xf32, #tpu.memory_space<vmem_shared>> -> memref<128x128xf32, #tpu.memory_space<vmem_shared>>
      %dma_start3A_55 = arith.constant 0 : i32
      %dma_start3A_56 = tpu.memref_slice %arg12[%add3A_18, %dma_start3A_55] : memref<10240x128xf32, #tpu.memory_space<vmem_shared>> -> memref<128x128xf32, #tpu.memory_space<vmem_shared>>
      tpu.enqueue_dma source(%arg11 : memref<128x128xf32, #tpu.memory_space<vmem>>) target(%dma_start3A_56 : memref<128x128xf32, #tpu.memory_space<vmem_shared>>) target_semaphore(%run_scoped3A : memref<!tpu.dma_semaphore, #tpu.memory_space<semaphore_mem>>)
      %dma_wait3A = arith.constant 0 : i32
      %dma_wait3A_57 = tpu.memref_slice %arg12[%add3A_18, %dma_wait3A] : memref<10240x128xf32, #tpu.memory_space<vmem_shared>> -> memref<128x128xf32, #tpu.memory_space<vmem_shared>>
      %dma_wait3A_58 = arith.constant 0 : i32
      %dma_wait3A_59 = tpu.memref_slice %arg12[%add3A_18, %dma_wait3A_58] : memref<10240x128xf32, #tpu.memory_space<vmem_shared>> -> memref<128x128xf32, #tpu.memory_space<vmem_shared>>
      tpu.wait_dma2 semaphore(%run_scoped3A : memref<!tpu.dma_semaphore, #tpu.memory_space<semaphore_mem>>) src(%arg11 : memref<128x128xf32, #tpu.memory_space<vmem>>) dst(%dma_wait3A_59 : memref<128x128xf32, #tpu.memory_space<vmem_shared>>)
      tpu.yield
    }) : () -> ()
    %mul3A_19 = arith.constant 640 : i32
    %mul3A_20 = arith.muli %arg1, %mul3A_19 : i32
    %add3A_21 = arith.constant 384 : i32
    %add3A_22 = arith.addi %mul3A_20, %add3A_21 : i32
    "tpu.region"() ({
      %run_scoped3A = tpu.sem_alloc : memref<!tpu.dma_semaphore, #tpu.memory_space<semaphore_mem>>
      %dma_start3A = arith.constant 0 : i32
      %dma_start3A_54 = tpu.memref_slice %arg12[%add3A_22, %dma_start3A] : memref<10240x128xf32, #tpu.memory_space<vmem_shared>> -> memref<128x128xf32, #tpu.memory_space<vmem_shared>>
      %dma_start3A_55 = arith.constant 0 : i32
      %dma_start3A_56 = tpu.memref_slice %arg12[%add3A_22, %dma_start3A_55] : memref<10240x128xf32, #tpu.memory_space<vmem_shared>> -> memref<128x128xf32, #tpu.memory_space<vmem_shared>>
      tpu.enqueue_dma source(%arg11 : memref<128x128xf32, #tpu.memory_space<vmem>>) target(%dma_start3A_56 : memref<128x128xf32, #tpu.memory_space<vmem_shared>>) target_semaphore(%run_scoped3A : memref<!tpu.dma_semaphore, #tpu.memory_space<semaphore_mem>>)
      %dma_wait3A = arith.constant 0 : i32
      %dma_wait3A_57 = tpu.memref_slice %arg12[%add3A_22, %dma_wait3A] : memref<10240x128xf32, #tpu.memory_space<vmem_shared>> -> memref<128x128xf32, #tpu.memory_space<vmem_shared>>
      %dma_wait3A_58 = arith.constant 0 : i32
      %dma_wait3A_59 = tpu.memref_slice %arg12[%add3A_22, %dma_wait3A_58] : memref<10240x128xf32, #tpu.memory_space<vmem_shared>> -> memref<128x128xf32, #tpu.memory_space<vmem_shared>>
      tpu.wait_dma2 semaphore(%run_scoped3A : memref<!tpu.dma_semaphore, #tpu.memory_space<semaphore_mem>>) src(%arg11 : memref<128x128xf32, #tpu.memory_space<vmem>>) dst(%dma_wait3A_59 : memref<128x128xf32, #tpu.memory_space<vmem_shared>>)
      tpu.yield
    }) : () -> ()
    %mul3A_23 = arith.constant 640 : i32
    %mul3A_24 = arith.muli %arg1, %mul3A_23 : i32
    %add3A_25 = arith.constant 512 : i32
    %add3A_26 = arith.addi %mul3A_24, %add3A_25 : i32
    "tpu.region"() ({
      %run_scoped3A = tpu.sem_alloc : memref<!tpu.dma_semaphore, #tpu.memory_space<semaphore_mem>>
      %dma_start3A = arith.constant 0 : i32
      %dma_start3A_54 = tpu.memref_slice %arg12[%add3A_26, %dma_start3A] : memref<10240x128xf32, #tpu.memory_space<vmem_shared>> -> memref<128x128xf32, #tpu.memory_space<vmem_shared>>
      %dma_start3A_55 = arith.constant 0 : i32
      %dma_start3A_56 = tpu.memref_slice %arg12[%add3A_26, %dma_start3A_55] : memref<10240x128xf32, #tpu.memory_space<vmem_shared>> -> memref<128x128xf32, #tpu.memory_space<vmem_shared>>
      tpu.enqueue_dma source(%arg11 : memref<128x128xf32, #tpu.memory_space<vmem>>) target(%dma_start3A_56 : memref<128x128xf32, #tpu.memory_space<vmem_shared>>) target_semaphore(%run_scoped3A : memref<!tpu.dma_semaphore, #tpu.memory_space<semaphore_mem>>)
      %dma_wait3A = arith.constant 0 : i32
      %dma_wait3A_57 = tpu.memref_slice %arg12[%add3A_26, %dma_wait3A] : memref<10240x128xf32, #tpu.memory_space<vmem_shared>> -> memref<128x128xf32, #tpu.memory_space<vmem_shared>>
      %dma_wait3A_58 = arith.constant 0 : i32
      %dma_wait3A_59 = tpu.memref_slice %arg12[%add3A_26, %dma_wait3A_58] : memref<10240x128xf32, #tpu.memory_space<vmem_shared>> -> memref<128x128xf32, #tpu.memory_space<vmem_shared>>
      tpu.wait_dma2 semaphore(%run_scoped3A : memref<!tpu.dma_semaphore, #tpu.memory_space<semaphore_mem>>) src(%arg11 : memref<128x128xf32, #tpu.memory_space<vmem>>) dst(%dma_wait3A_59 : memref<128x128xf32, #tpu.memory_space<vmem_shared>>)
      tpu.yield
    }) : () -> ()
    %barrier3A = arith.constant 0 : index
    tpu.barrier barrier_id(%barrier3A)
    %scan3A_27 = arith.constant 0 : i32
    %scan3A_28 = arith.constant 0 : i32
    %scan3A_29 = arith.constant 159 : i32
    %scan3A_30 = arith.addi %scan3A_28, %scan3A_29 : i32
    %scan3A_31 = arith.constant 1 : i32
    scf.for %scan3A_54 = %scan3A_28 to %scan3A_30 step %scan3A_31  : i32 {
      %mul3A_55 = arith.constant 20352 : i32
      %mul3A_56 = arith.muli %add3A, %mul3A_55 : i32
      %mul3A_57 = arith.constant 128 : i32
      %mul3A_58 = arith.muli %scan3A_54, %mul3A_57 : i32
      %add3A_59 = arith.addi %mul3A_56, %mul3A_58 : i32
      "tpu.region"() ({
        %run_scoped3A = tpu.sem_alloc : memref<!tpu.dma_semaphore, #tpu.memory_space<semaphore_mem>>
        %dma_start3A_72 = tpu.memref_slice %arg3[%add3A_59] : memref<651264xi32, #tpu.memory_space<hbm>> -> memref<128xi32, #tpu.memory_space<hbm>>
        %dma_start3A_73 = tpu.memref_slice %arg3[%add3A_59] : memref<651264xi32, #tpu.memory_space<hbm>> -> memref<128xi32, #tpu.memory_space<hbm>>
        tpu.enqueue_dma source(%dma_start3A_73 : memref<128xi32, #tpu.memory_space<hbm>>) target(%arg7 : memref<128xi32, #tpu.memory_space<vmem>>) target_semaphore(%run_scoped3A : memref<!tpu.dma_semaphore, #tpu.memory_space<semaphore_mem>>)
        %dma_wait3A_74 = tpu.memref_slice %arg3[%add3A_59] : memref<651264xi32, #tpu.memory_space<hbm>> -> memref<128xi32, #tpu.memory_space<hbm>>
        %dma_wait3A_75 = tpu.memref_slice %arg3[%add3A_59] : memref<651264xi32, #tpu.memory_space<hbm>> -> memref<128xi32, #tpu.memory_space<hbm>>
        tpu.wait_dma2 semaphore(%run_scoped3A : memref<!tpu.dma_semaphore, #tpu.memory_space<semaphore_mem>>) src(%dma_wait3A_75 : memref<128xi32, #tpu.memory_space<hbm>>) dst(%arg7 : memref<128xi32, #tpu.memory_space<vmem>>)
        tpu.yield
      }) : () -> ()
      "tpu.region"() ({
        %run_scoped3A = tpu.sem_alloc : memref<!tpu.dma_semaphore, #tpu.memory_space<semaphore_mem>>
        %dma_start3A_72 = tpu.memref_slice %arg4[%add3A_59] : memref<651264xi32, #tpu.memory_space<hbm>> -> memref<128xi32, #tpu.memory_space<hbm>>
        %dma_start3A_73 = tpu.memref_slice %arg4[%add3A_59] : memref<651264xi32, #tpu.memory_space<hbm>> -> memref<128xi32, #tpu.memory_space<hbm>>
        tpu.enqueue_dma source(%dma_start3A_73 : memref<128xi32, #tpu.memory_space<hbm>>) target(%arg8 : memref<128xi32, #tpu.memory_space<vmem>>) target_semaphore(%run_scoped3A : memref<!tpu.dma_semaphore, #tpu.memory_space<semaphore_mem>>)
        %dma_wait3A_74 = tpu.memref_slice %arg4[%add3A_59] : memref<651264xi32, #tpu.memory_space<hbm>> -> memref<128xi32, #tpu.memory_space<hbm>>
        %dma_wait3A_75 = tpu.memref_slice %arg4[%add3A_59] : memref<651264xi32, #tpu.memory_space<hbm>> -> memref<128xi32, #tpu.memory_space<hbm>>
        tpu.wait_dma2 semaphore(%run_scoped3A : memref<!tpu.dma_semaphore, #tpu.memory_space<semaphore_mem>>) src(%dma_wait3A_75 : memref<128xi32, #tpu.memory_space<hbm>>) dst(%arg8 : memref<128xi32, #tpu.memory_space<vmem>>)
        tpu.yield
      }) : () -> ()
      %mul3A_60 = arith.constant 4 : i32
      %mul3A_61 = arith.muli %add3A_59, %mul3A_60 : i32
      "tpu.region"() ({
        %run_scoped3A = tpu.sem_alloc : memref<!tpu.dma_semaphore, #tpu.memory_space<semaphore_mem>>
        %dma_start3A_72 = arith.constant 0 : i32
        %dma_start3A_73 = tpu.memref_slice %arg9[%dma_start3A_72] : memref<528xf32, #tpu.memory_space<vmem>> -> memref<512xf32, #tpu.memory_space<vmem>>
        %dma_start3A_74 = tpu.memref_slice %arg5[%mul3A_61] : memref<2605056xf32, #tpu.memory_space<hbm>> -> memref<512xf32, #tpu.memory_space<hbm>>
        %dma_start3A_75 = arith.constant 0 : i32
        %dma_start3A_76 = tpu.memref_slice %arg9[%dma_start3A_75] : memref<528xf32, #tpu.memory_space<vmem>> -> memref<512xf32, #tpu.memory_space<vmem>>
        %dma_start3A_77 = tpu.memref_slice %arg5[%mul3A_61] : memref<2605056xf32, #tpu.memory_space<hbm>> -> memref<512xf32, #tpu.memory_space<hbm>>
        tpu.enqueue_dma source(%dma_start3A_77 : memref<512xf32, #tpu.memory_space<hbm>>) target(%dma_start3A_76 : memref<512xf32, #tpu.memory_space<vmem>>) target_semaphore(%run_scoped3A : memref<!tpu.dma_semaphore, #tpu.memory_space<semaphore_mem>>)
        %dma_wait3A_78 = arith.constant 0 : i32
        %dma_wait3A_79 = tpu.memref_slice %arg9[%dma_wait3A_78] : memref<528xf32, #tpu.memory_space<vmem>> -> memref<512xf32, #tpu.memory_space<vmem>>
        %dma_wait3A_80 = tpu.memref_slice %arg5[%mul3A_61] : memref<2605056xf32, #tpu.memory_space<hbm>> -> memref<512xf32, #tpu.memory_space<hbm>>
        %dma_wait3A_81 = arith.constant 0 : i32
        %dma_wait3A_82 = tpu.memref_slice %arg9[%dma_wait3A_81] : memref<528xf32, #tpu.memory_space<vmem>> -> memref<512xf32, #tpu.memory_space<vmem>>
        %dma_wait3A_83 = tpu.memref_slice %arg5[%mul3A_61] : memref<2605056xf32, #tpu.memory_space<hbm>> -> memref<512xf32, #tpu.memory_space<hbm>>
        tpu.wait_dma2 semaphore(%run_scoped3A : memref<!tpu.dma_semaphore, #tpu.memory_space<semaphore_mem>>) src(%dma_wait3A_83 : memref<512xf32, #tpu.memory_space<hbm>>) dst(%dma_wait3A_82 : memref<512xf32, #tpu.memory_space<vmem>>)
        tpu.yield
      }) : () -> ()
      %dma_start3A = arith.constant 0 : i32
      %dma_start3A_62 = arith.constant 0 : i32
      %dma_start3A_63 = tpu.memref_slice %arg2[%dma_start3A, %dma_start3A_62] : memref<10240x128xf32, #tpu.memory_space<hbm>> -> memref<10240x128xf32, #tpu.memory_space<hbm>>
      tpu.enqueue_indirect_dma source(%dma_start3A_63 : memref<10240x128xf32, #tpu.memory_space<hbm>>) target(%arg10 : memref<128x128xf32, #tpu.memory_space<vmem>>) offsets(%arg7 : memref<128xi32, #tpu.memory_space<vmem>>) semaphore(%arg13 : memref<!tpu.dma_semaphore, #tpu.memory_space<semaphore_mem>>)
      %dma_wait3A = arith.constant 0 : i32
      %dma_wait3A_64 = arith.constant 0 : i32
      %dma_wait3A_65 = tpu.memref_slice %arg2[%dma_wait3A, %dma_wait3A_64] : memref<10240x128xf32, #tpu.memory_space<hbm>> -> memref<10240x128xf32, #tpu.memory_space<hbm>>
      tpu.wait_indirect_dma semaphore(%arg13 : memref<!tpu.dma_semaphore, #tpu.memory_space<semaphore_mem>>) src(%dma_wait3A_65 : memref<10240x128xf32, #tpu.memory_space<hbm>>) dst(%arg10 : memref<128x128xf32, #tpu.memory_space<vmem>>)
      %scan3A_66 = arith.constant 0 : i32
      %scan3A_67 = arith.constant 0 : i32
      %scan3A_68 = arith.constant 128 : i32
      %scan3A_69 = arith.addi %scan3A_67, %scan3A_68 : i32
      %scan3A_70 = arith.constant 1 : i32
      scf.for %scan3A_72 = %scan3A_67 to %scan3A_69 step %scan3A_70  : i32 {
        %mul3A_73 = arith.constant 4 : i32
        %mul3A_74 = arith.muli %scan3A_72, %mul3A_73 : i32
        %get3A = arith.index_cast %mul3A_74 : i32 to index
        %get3A_75 = tpu.vector_load %arg9[%get3A] {strides = array<i32>} : memref<528xf32, #tpu.memory_space<vmem>>, vector<16xf32>,
        %slice3A = vector.extract_strided_slice %get3A_75 {offsets = [0], sizes = [1], strides = [1]} : vector<16xf32> to vector<1xf32>
        %squeeze3A = vector.extract %slice3A[0] : f32 from vector<1xf32>
        %get3A_76 = arith.index_cast %scan3A_72 : i32 to index
        %get3A_77 = arith.constant 0 : index
        %get3A_78 = tpu.vector_load %arg10[%get3A_76, %get3A_77] {strides = array<i32>} : memref<128x128xf32, #tpu.memory_space<vmem>>, vector<16xf32>,
        %mul3A_79 = vector.broadcast %squeeze3A : f32 to vector<16xf32>
        %mul3A_80 = arith.mulf %get3A_78, %mul3A_79 : vector<16xf32>
        %swap3A = arith.index_cast %scan3A_72 : i32 to index
        %swap3A_81 = arith.constant 0 : index
        %swap3A_82 = tpu.vector_load %arg11[%swap3A, %swap3A_81] {strides = array<i32>} : memref<128x128xf32, #tpu.memory_space<vmem>>, vector<16xf32>,
        tpu.vector_store %arg11[%swap3A, %swap3A_81], %mul3A_80 {strides = array<i32>} : memref<128x128xf32, #tpu.memory_space<vmem>>, vector<16xf32>,
        %get3A_83 = arith.index_cast %scan3A_72 : i32 to index
        %get3A_84 = arith.constant 16 : index
        %get3A_85 = tpu.vector_load %arg10[%get3A_83, %get3A_84] {strides = array<i32>} : memref<128x128xf32, #tpu.memory_space<vmem>>, vector<16xf32>,
        %mul3A_86 = vector.broadcast %squeeze3A : f32 to vector<16xf32>
        %mul3A_87 = arith.mulf %get3A_85, %mul3A_86 : vector<16xf32>
        %swap3A_88 = arith.index_cast %scan3A_72 : i32 to index
        %swap3A_89 = arith.constant 16 : index
        %swap3A_90 = tpu.vector_load %arg11[%swap3A_88, %swap3A_89] {strides = array<i32>} : memref<128x128xf32, #tpu.memory_space<vmem>>, vector<16xf32>,
        tpu.vector_store %arg11[%swap3A_88, %swap3A_89], %mul3A_87 {strides = array<i32>} : memref<128x128xf32, #tpu.memory_space<vmem>>, vector<16xf32>,
        %slice3A_91 = vector.extract_strided_slice %get3A_75 {offsets = [1], sizes = [1], strides = [1]} : vector<16xf32> to vector<1xf32>
        %squeeze3A_92 = vector.extract %slice3A_91[0] : f32 from vector<1xf32>
        %get3A_93 = arith.index_cast %scan3A_72 : i32 to index
        %get3A_94 = arith.constant 32 : index
        %get3A_95 = tpu.vector_load %arg10[%get3A_93, %get3A_94] {strides = array<i32>} : memref<128x128xf32, #tpu.memory_space<vmem>>, vector<16xf32>,
        %mul3A_96 = vector.broadcast %squeeze3A_92 : f32 to vector<16xf32>
        %mul3A_97 = arith.mulf %get3A_95, %mul3A_96 : vector<16xf32>
        %swap3A_98 = arith.index_cast %scan3A_72 : i32 to index
        %swap3A_99 = arith.constant 32 : index
        %swap3A_100 = tpu.vector_load %arg11[%swap3A_98, %swap3A_99] {strides = array<i32>} : memref<128x128xf32, #tpu.memory_space<vmem>>, vector<16xf32>,
        tpu.vector_store %arg11[%swap3A_98, %swap3A_99], %mul3A_97 {strides = array<i32>} : memref<128x128xf32, #tpu.memory_space<vmem>>, vector<16xf32>,
        %get3A_101 = arith.index_cast %scan3A_72 : i32 to index
        %get3A_102 = arith.constant 48 : index
        %get3A_103 = tpu.vector_load %arg10[%get3A_101, %get3A_102] {strides = array<i32>} : memref<128x128xf32, #tpu.memory_space<vmem>>, vector<16xf32>,
        %mul3A_104 = vector.broadcast %squeeze3A_92 : f32 to vector<16xf32>
        %mul3A_105 = arith.mulf %get3A_103, %mul3A_104 : vector<16xf32>
        %swap3A_106 = arith.index_cast %scan3A_72 : i32 to index
        %swap3A_107 = arith.constant 48 : index
        %swap3A_108 = tpu.vector_load %arg11[%swap3A_106, %swap3A_107] {strides = array<i32>} : memref<128x128xf32, #tpu.memory_space<vmem>>, vector<16xf32>,
        tpu.vector_store %arg11[%swap3A_106, %swap3A_107], %mul3A_105 {strides = array<i32>} : memref<128x128xf32, #tpu.memory_space<vmem>>, vector<16xf32>,
        %slice3A_109 = vector.extract_strided_slice %get3A_75 {offsets = [2], sizes = [1], strides = [1]} : vector<16xf32> to vector<1xf32>
        %squeeze3A_110 = vector.extract %slice3A_109[0] : f32 from vector<1xf32>
        %get3A_111 = arith.index_cast %scan3A_72 : i32 to index
        %get3A_112 = arith.constant 64 : index
        %get3A_113 = tpu.vector_load %arg10[%get3A_111, %get3A_112] {strides = array<i32>} : memref<128x128xf32, #tpu.memory_space<vmem>>, vector<16xf32>,
        %mul3A_114 = vector.broadcast %squeeze3A_110 : f32 to vector<16xf32>
        %mul3A_115 = arith.mulf %get3A_113, %mul3A_114 : vector<16xf32>
        %swap3A_116 = arith.index_cast %scan3A_72 : i32 to index
        %swap3A_117 = arith.constant 64 : index
        %swap3A_118 = tpu.vector_load %arg11[%swap3A_116, %swap3A_117] {strides = array<i32>} : memref<128x128xf32, #tpu.memory_space<vmem>>, vector<16xf32>,
        tpu.vector_store %arg11[%swap3A_116, %swap3A_117], %mul3A_115 {strides = array<i32>} : memref<128x128xf32, #tpu.memory_space<vmem>>, vector<16xf32>,
        %get3A_119 = arith.index_cast %scan3A_72 : i32 to index
        %get3A_120 = arith.constant 80 : index
        %get3A_121 = tpu.vector_load %arg10[%get3A_119, %get3A_120] {strides = array<i32>} : memref<128x128xf32, #tpu.memory_space<vmem>>, vector<16xf32>,
        %mul3A_122 = vector.broadcast %squeeze3A_110 : f32 to vector<16xf32>
        %mul3A_123 = arith.mulf %get3A_121, %mul3A_122 : vector<16xf32>
        %swap3A_124 = arith.index_cast %scan3A_72 : i32 to index
        %swap3A_125 = arith.constant 80 : index
        %swap3A_126 = tpu.vector_load %arg11[%swap3A_124, %swap3A_125] {strides = array<i32>} : memref<128x128xf32, #tpu.memory_space<vmem>>, vector<16xf32>,
        tpu.vector_store %arg11[%swap3A_124, %swap3A_125], %mul3A_123 {strides = array<i32>} : memref<128x128xf32, #tpu.memory_space<vmem>>, vector<16xf32>,
        %slice3A_127 = vector.extract_strided_slice %get3A_75 {offsets = [3], sizes = [1], strides = [1]} : vector<16xf32> to vector<1xf32>
        %squeeze3A_128 = vector.extract %slice3A_127[0] : f32 from vector<1xf32>
        %get3A_129 = arith.index_cast %scan3A_72 : i32 to index
        %get3A_130 = arith.constant 96 : index
        %get3A_131 = tpu.vector_load %arg10[%get3A_129, %get3A_130] {strides = array<i32>} : memref<128x128xf32, #tpu.memory_space<vmem>>, vector<16xf32>,
        %mul3A_132 = vector.broadcast %squeeze3A_128 : f32 to vector<16xf32>
        %mul3A_133 = arith.mulf %get3A_131, %mul3A_132 : vector<16xf32>
        %swap3A_134 = arith.index_cast %scan3A_72 : i32 to index
        %swap3A_135 = arith.constant 96 : index
        %swap3A_136 = tpu.vector_load %arg11[%swap3A_134, %swap3A_135] {strides = array<i32>} : memref<128x128xf32, #tpu.memory_space<vmem>>, vector<16xf32>,
        tpu.vector_store %arg11[%swap3A_134, %swap3A_135], %mul3A_133 {strides = array<i32>} : memref<128x128xf32, #tpu.memory_space<vmem>>, vector<16xf32>,
        %get3A_137 = arith.index_cast %scan3A_72 : i32 to index
        %get3A_138 = arith.constant 112 : index
        %get3A_139 = tpu.vector_load %arg10[%get3A_137, %get3A_138] {strides = array<i32>} : memref<128x128xf32, #tpu.memory_space<vmem>>, vector<16xf32>,
        %mul3A_140 = vector.broadcast %squeeze3A_128 : f32 to vector<16xf32>
        %mul3A_141 = arith.mulf %get3A_139, %mul3A_140 : vector<16xf32>
        %swap3A_142 = arith.index_cast %scan3A_72 : i32 to index
        %swap3A_143 = arith.constant 112 : index
        %swap3A_144 = tpu.vector_load %arg11[%swap3A_142, %swap3A_143] {strides = array<i32>} : memref<128x128xf32, #tpu.memory_space<vmem>>, vector<16xf32>,
        tpu.vector_store %arg11[%swap3A_142, %swap3A_143], %mul3A_141 {strides = array<i32>} : memref<128x128xf32, #tpu.memory_space<vmem>>, vector<16xf32>,
      }
      %scan3A_71 = arith.constant 128 : i32
      "tpu.region"() ({
        %run_scoped3A = tpu.sem_alloc : memref<!tpu.dma_semaphore, #tpu.memory_space<semaphore_mem>>
        %dma_start3A_72 = arith.constant 0 : i32
        %dma_start3A_73 = arith.constant 0 : i32
        %dma_start3A_74 = tpu.memref_slice %arg12[%dma_start3A_72, %dma_start3A_73] : memref<10240x128xf32, #tpu.memory_space<vmem_shared>> -> memref<10240x128xf32, #tpu.memory_space<vmem_shared>>
        tpu.enqueue_indirect_dma source(%arg11 : memref<128x128xf32, #tpu.memory_space<vmem>>) target(%dma_start3A_74 : memref<10240x128xf32, #tpu.memory_space<vmem_shared>>) offsets(%arg8 : memref<128xi32, #tpu.memory_space<vmem>>) semaphore(%run_scoped3A : memref<!tpu.dma_semaphore, #tpu.memory_space<semaphore_mem>>) {add = true}
        %dma_wait3A_75 = arith.constant 0 : i32
        %dma_wait3A_76 = arith.constant 0 : i32
        %dma_wait3A_77 = tpu.memref_slice %arg12[%dma_wait3A_75, %dma_wait3A_76] : memref<10240x128xf32, #tpu.memory_space<vmem_shared>> -> memref<10240x128xf32, #tpu.memory_space<vmem_shared>>
        tpu.wait_indirect_dma semaphore(%run_scoped3A : memref<!tpu.dma_semaphore, #tpu.memory_space<semaphore_mem>>) src(%arg11 : memref<128x128xf32, #tpu.memory_space<vmem>>) dst(%dma_wait3A_77 : memref<10240x128xf32, #tpu.memory_space<vmem_shared>>)
        tpu.yield
      }) : () -> ()
    }
    %scan3A_32 = arith.constant 159 : i32
    %barrier3A_33 = arith.constant 0 : index
    tpu.barrier barrier_id(%barrier3A_33)
    %mul3A_34 = arith.constant 640 : i32
    %mul3A_35 = arith.muli %arg1, %mul3A_34 : i32
    %add3A_36 = arith.constant 0 : i32
    %add3A_37 = arith.addi %mul3A_35, %add3A_36 : i32
    "tpu.region"() ({
      %run_scoped3A = tpu.sem_alloc : memref<!tpu.dma_semaphore, #tpu.memory_space<semaphore_mem>>
      %dma_start3A = arith.constant 0 : i32
      %dma_start3A_54 = tpu.memref_slice %arg6[%arg0, %add3A_37, %dma_start3A] : memref<2x10240x128xf32, #tpu.memory_space<hbm>> -> memref<1x128x128xf32, #tpu.memory_space<hbm>>
      %dma_start3A_55 = tpu.memref_squeeze %dma_start3A_54 : memref<1x128x128xf32, #tpu.memory_space<hbm>> -> memref<128x128xf32, #tpu.memory_space<hbm>>
      %dma_start3A_56 = arith.constant 0 : i32
      %dma_start3A_57 = tpu.memref_slice %arg12[%add3A_37, %dma_start3A_56] : memref<10240x128xf32, #tpu.memory_space<vmem_shared>> -> memref<128x128xf32, #tpu.memory_space<vmem_shared>>
      tpu.enqueue_dma source(%dma_start3A_57 : memref<128x128xf32, #tpu.memory_space<vmem_shared>>) target(%dma_start3A_55 : memref<128x128xf32, #tpu.memory_space<hbm>>) target_semaphore(%run_scoped3A : memref<!tpu.dma_semaphore, #tpu.memory_space<semaphore_mem>>)
      %dma_wait3A = arith.constant 0 : i32
      %dma_wait3A_58 = tpu.memref_slice %arg6[%arg0, %add3A_37, %dma_wait3A] : memref<2x10240x128xf32, #tpu.memory_space<hbm>> -> memref<1x128x128xf32, #tpu.memory_space<hbm>>
      %dma_wait3A_59 = tpu.memref_squeeze %dma_wait3A_58 : memref<1x128x128xf32, #tpu.memory_space<hbm>> -> memref<128x128xf32, #tpu.memory_space<hbm>>
      %dma_wait3A_60 = arith.constant 0 : i32
      %dma_wait3A_61 = tpu.memref_slice %arg12[%add3A_37, %dma_wait3A_60] : memref<10240x128xf32, #tpu.memory_space<vmem_shared>> -> memref<128x128xf32, #tpu.memory_space<vmem_shared>>
      tpu.wait_dma2 semaphore(%run_scoped3A : memref<!tpu.dma_semaphore, #tpu.memory_space<semaphore_mem>>) src(%dma_wait3A_61 : memref<128x128xf32, #tpu.memory_space<vmem_shared>>) dst(%dma_wait3A_59 : memref<128x128xf32, #tpu.memory_space<hbm>>)
      tpu.yield
    }) : () -> ()
    %mul3A_38 = arith.constant 640 : i32
    %mul3A_39 = arith.muli %arg1, %mul3A_38 : i32
    %add3A_40 = arith.constant 128 : i32
    %add3A_41 = arith.addi %mul3A_39, %add3A_40 : i32
    "tpu.region"() ({
      %run_scoped3A = tpu.sem_alloc : memref<!tpu.dma_semaphore, #tpu.memory_space<semaphore_mem>>
      %dma_start3A = arith.constant 0 : i32
      %dma_start3A_54 = tpu.memref_slice %arg6[%arg0, %add3A_41, %dma_start3A] : memref<2x10240x128xf32, #tpu.memory_space<hbm>> -> memref<1x128x128xf32, #tpu.memory_space<hbm>>
      %dma_start3A_55 = tpu.memref_squeeze %dma_start3A_54 : memref<1x128x128xf32, #tpu.memory_space<hbm>> -> memref<128x128xf32, #tpu.memory_space<hbm>>
      %dma_start3A_56 = arith.constant 0 : i32
      %dma_start3A_57 = tpu.memref_slice %arg12[%add3A_41, %dma_start3A_56] : memref<10240x128xf32, #tpu.memory_space<vmem_shared>> -> memref<128x128xf32, #tpu.memory_space<vmem_shared>>
      tpu.enqueue_dma source(%dma_start3A_57 : memref<128x128xf32, #tpu.memory_space<vmem_shared>>) target(%dma_start3A_55 : memref<128x128xf32, #tpu.memory_space<hbm>>) target_semaphore(%run_scoped3A : memref<!tpu.dma_semaphore, #tpu.memory_space<semaphore_mem>>)
      %dma_wait3A = arith.constant 0 : i32
      %dma_wait3A_58 = tpu.memref_slice %arg6[%arg0, %add3A_41, %dma_wait3A] : memref<2x10240x128xf32, #tpu.memory_space<hbm>> -> memref<1x128x128xf32, #tpu.memory_space<hbm>>
      %dma_wait3A_59 = tpu.memref_squeeze %dma_wait3A_58 : memref<1x128x128xf32, #tpu.memory_space<hbm>> -> memref<128x128xf32, #tpu.memory_space<hbm>>
      %dma_wait3A_60 = arith.constant 0 : i32
      %dma_wait3A_61 = tpu.memref_slice %arg12[%add3A_41, %dma_wait3A_60] : memref<10240x128xf32, #tpu.memory_space<vmem_shared>> -> memref<128x128xf32, #tpu.memory_space<vmem_shared>>
      tpu.wait_dma2 semaphore(%run_scoped3A : memref<!tpu.dma_semaphore, #tpu.memory_space<semaphore_mem>>) src(%dma_wait3A_61 : memref<128x128xf32, #tpu.memory_space<vmem_shared>>) dst(%dma_wait3A_59 : memref<128x128xf32, #tpu.memory_space<hbm>>)
      tpu.yield
    }) : () -> ()
    %mul3A_42 = arith.constant 640 : i32
    %mul3A_43 = arith.muli %arg1, %mul3A_42 : i32
    %add3A_44 = arith.constant 256 : i32
    %add3A_45 = arith.addi %mul3A_43, %add3A_44 : i32
    "tpu.region"() ({
      %run_scoped3A = tpu.sem_alloc : memref<!tpu.dma_semaphore, #tpu.memory_space<semaphore_mem>>
      %dma_start3A = arith.constant 0 : i32
      %dma_start3A_54 = tpu.memref_slice %arg6[%arg0, %add3A_45, %dma_start3A] : memref<2x10240x128xf32, #tpu.memory_space<hbm>> -> memref<1x128x128xf32, #tpu.memory_space<hbm>>
      %dma_start3A_55 = tpu.memref_squeeze %dma_start3A_54 : memref<1x128x128xf32, #tpu.memory_space<hbm>> -> memref<128x128xf32, #tpu.memory_space<hbm>>
      %dma_start3A_56 = arith.constant 0 : i32
      %dma_start3A_57 = tpu.memref_slice %arg12[%add3A_45, %dma_start3A_56] : memref<10240x128xf32, #tpu.memory_space<vmem_shared>> -> memref<128x128xf32, #tpu.memory_space<vmem_shared>>
      tpu.enqueue_dma source(%dma_start3A_57 : memref<128x128xf32, #tpu.memory_space<vmem_shared>>) target(%dma_start3A_55 : memref<128x128xf32, #tpu.memory_space<hbm>>) target_semaphore(%run_scoped3A : memref<!tpu.dma_semaphore, #tpu.memory_space<semaphore_mem>>)
      %dma_wait3A = arith.constant 0 : i32
      %dma_wait3A_58 = tpu.memref_slice %arg6[%arg0, %add3A_45, %dma_wait3A] : memref<2x10240x128xf32, #tpu.memory_space<hbm>> -> memref<1x128x128xf32, #tpu.memory_space<hbm>>
      %dma_wait3A_59 = tpu.memref_squeeze %dma_wait3A_58 : memref<1x128x128xf32, #tpu.memory_space<hbm>> -> memref<128x128xf32, #tpu.memory_space<hbm>>
      %dma_wait3A_60 = arith.constant 0 : i32
      %dma_wait3A_61 = tpu.memref_slice %arg12[%add3A_45, %dma_wait3A_60] : memref<10240x128xf32, #tpu.memory_space<vmem_shared>> -> memref<128x128xf32, #tpu.memory_space<vmem_shared>>
      tpu.wait_dma2 semaphore(%run_scoped3A : memref<!tpu.dma_semaphore, #tpu.memory_space<semaphore_mem>>) src(%dma_wait3A_61 : memref<128x128xf32, #tpu.memory_space<vmem_shared>>) dst(%dma_wait3A_59 : memref<128x128xf32, #tpu.memory_space<hbm>>)
      tpu.yield
    }) : () -> ()
    %mul3A_46 = arith.constant 640 : i32
    %mul3A_47 = arith.muli %arg1, %mul3A_46 : i32
    %add3A_48 = arith.constant 384 : i32
    %add3A_49 = arith.addi %mul3A_47, %add3A_48 : i32
    "tpu.region"() ({
      %run_scoped3A = tpu.sem_alloc : memref<!tpu.dma_semaphore, #tpu.memory_space<semaphore_mem>>
      %dma_start3A = arith.constant 0 : i32
      %dma_start3A_54 = tpu.memref_slice %arg6[%arg0, %add3A_49, %dma_start3A] : memref<2x10240x128xf32, #tpu.memory_space<hbm>> -> memref<1x128x128xf32, #tpu.memory_space<hbm>>
      %dma_start3A_55 = tpu.memref_squeeze %dma_start3A_54 : memref<1x128x128xf32, #tpu.memory_space<hbm>> -> memref<128x128xf32, #tpu.memory_space<hbm>>
      %dma_start3A_56 = arith.constant 0 : i32
      %dma_start3A_57 = tpu.memref_slice %arg12[%add3A_49, %dma_start3A_56] : memref<10240x128xf32, #tpu.memory_space<vmem_shared>> -> memref<128x128xf32, #tpu.memory_space<vmem_shared>>
      tpu.enqueue_dma source(%dma_start3A_57 : memref<128x128xf32, #tpu.memory_space<vmem_shared>>) target(%dma_start3A_55 : memref<128x128xf32, #tpu.memory_space<hbm>>) target_semaphore(%run_scoped3A : memref<!tpu.dma_semaphore, #tpu.memory_space<semaphore_mem>>)
      %dma_wait3A = arith.constant 0 : i32
      %dma_wait3A_58 = tpu.memref_slice %arg6[%arg0, %add3A_49, %dma_wait3A] : memref<2x10240x128xf32, #tpu.memory_space<hbm>> -> memref<1x128x128xf32, #tpu.memory_space<hbm>>
      %dma_wait3A_59 = tpu.memref_squeeze %dma_wait3A_58 : memref<1x128x128xf32, #tpu.memory_space<hbm>> -> memref<128x128xf32, #tpu.memory_space<hbm>>
      %dma_wait3A_60 = arith.constant 0 : i32
      %dma_wait3A_61 = tpu.memref_slice %arg12[%add3A_49, %dma_wait3A_60] : memref<10240x128xf32, #tpu.memory_space<vmem_shared>> -> memref<128x128xf32, #tpu.memory_space<vmem_shared>>
      tpu.wait_dma2 semaphore(%run_scoped3A : memref<!tpu.dma_semaphore, #tpu.memory_space<semaphore_mem>>) src(%dma_wait3A_61 : memref<128x128xf32, #tpu.memory_space<vmem_shared>>) dst(%dma_wait3A_59 : memref<128x128xf32, #tpu.memory_space<hbm>>)
      tpu.yield
    }) : () -> ()
    %mul3A_50 = arith.constant 640 : i32
    %mul3A_51 = arith.muli %arg1, %mul3A_50 : i32
    %add3A_52 = arith.constant 512 : i32
    %add3A_53 = arith.addi %mul3A_51, %add3A_52 : i32
    "tpu.region"() ({
      %run_scoped3A = tpu.sem_alloc : memref<!tpu.dma_semaphore, #tpu.memory_space<semaphore_mem>>
      %dma_start3A = arith.constant 0 : i32
      %dma_start3A_54 = tpu.memref_slice %arg6[%arg0, %add3A_53, %dma_start3A] : memref<2x10240x128xf32, #tpu.memory_space<hbm>> -> memref<1x128x128xf32, #tpu.memory_space<hbm>>
      %dma_start3A_55 = tpu.memref_squeeze %dma_start3A_54 : memref<1x128x128xf32, #tpu.memory_space<hbm>> -> memref<128x128xf32, #tpu.memory_space<hbm>>
      %dma_start3A_56 = arith.constant 0 : i32
      %dma_start3A_57 = tpu.memref_slice %arg12[%add3A_53, %dma_start3A_56] : memref<10240x128xf32, #tpu.memory_space<vmem_shared>> -> memref<128x128xf32, #tpu.memory_space<vmem_shared>>
      tpu.enqueue_dma source(%dma_start3A_57 : memref<128x128xf32, #tpu.memory_space<vmem_shared>>) target(%dma_start3A_55 : memref<128x128xf32, #tpu.memory_space<hbm>>) target_semaphore(%run_scoped3A : memref<!tpu.dma_semaphore, #tpu.memory_space<semaphore_mem>>)
      %dma_wait3A = arith.constant 0 : i32
      %dma_wait3A_58 = tpu.memref_slice %arg6[%arg0, %add3A_53, %dma_wait3A] : memref<2x10240x128xf32, #tpu.memory_space<hbm>> -> memref<1x128x128xf32, #tpu.memory_space<hbm>>
      %dma_wait3A_59 = tpu.memref_squeeze %dma_wait3A_58 : memref<1x128x128xf32, #tpu.memory_space<hbm>> -> memref<128x128xf32, #tpu.memory_space<hbm>>
      %dma_wait3A_60 = arith.constant 0 : i32
      %dma_wait3A_61 = tpu.memref_slice %arg12[%add3A_53, %dma_wait3A_60] : memref<10240x128xf32, #tpu.memory_space<vmem_shared>> -> memref<128x128xf32, #tpu.memory_space<vmem_shared>>
      tpu.wait_dma2 semaphore(%run_scoped3A : memref<!tpu.dma_semaphore, #tpu.memory_space<semaphore_mem>>) src(%dma_wait3A_61 : memref<128x128xf32, #tpu.memory_space<vmem_shared>>) dst(%dma_wait3A_59 : memref<128x128xf32, #tpu.memory_space<hbm>>)
      tpu.yield
    }) : () -> ()
    return
  }
}

#map = affine_map<(d0, d1) -> (0)>
#map1 = affine_map<(d0, d1) -> (0, 0, 0, 0)>
module attributes {stable_mosaic.version = 14 : i64} {
  func.func @_score_kernel(%arg0: i32, %arg1: i32, %arg2: memref<40960xf32, #tpu.memory_space<hbm>>, %arg3: memref<40960xf32, #tpu.memory_space<hbm>>, %arg4: memref<651264xi32, #tpu.memory_space<hbm>>, %arg5: memref<651264xi32, #tpu.memory_space<hbm>>, %arg6: memref<2605056xf32, #tpu.memory_space<hbm>>, %arg7: memref<2x16x4x10240xf32, #tpu.memory_space<hbm>>, %arg8: memref<40960xf32, #tpu.memory_space<vmem>>, %arg9: memref<40960xf32, #tpu.memory_space<vmem>>, %arg10: memref<4x10240xf32, #tpu.memory_space<vmem>>, %arg11: memref<128xi32, #tpu.memory_space<vmem>>, %arg12: memref<128xi32, #tpu.memory_space<vmem>>, %arg13: memref<512xf32, #tpu.memory_space<vmem>>) attributes {dimension_semantics = [#tpu.dimension_semantics<core_parallel>, #tpu.dimension_semantics<subcore_parallel>], iteration_bounds = array<i64: 2, 16>, scalar_prefetch = 0 : i64, scratch_operands = 6 : i64, tpu.core_type = #tpu.core_type<sc_vector_subcore>, window_params = [{transform_indices = #map}, {transform_indices = #map}, {transform_indices = #map}, {transform_indices = #map}, {transform_indices = #map}, {transform_indices = #map1}]} {
    %mul3A = arith.constant 2 : i32
    %mul3A_0 = arith.muli %arg1, %mul3A : i32
    %add3A = arith.addi %mul3A_0, %arg0 : i32
    "tpu.region"() ({
      %run_scoped3A = tpu.sem_alloc : memref<!tpu.dma_semaphore, #tpu.memory_space<semaphore_mem>>
      tpu.enqueue_dma source(%arg2 : memref<40960xf32, #tpu.memory_space<hbm>>) target(%arg8 : memref<40960xf32, #tpu.memory_space<vmem>>) target_semaphore(%run_scoped3A : memref<!tpu.dma_semaphore, #tpu.memory_space<semaphore_mem>>)
      tpu.wait_dma2 semaphore(%run_scoped3A : memref<!tpu.dma_semaphore, #tpu.memory_space<semaphore_mem>>) src(%arg2 : memref<40960xf32, #tpu.memory_space<hbm>>) dst(%arg8 : memref<40960xf32, #tpu.memory_space<vmem>>)
      tpu.yield
    }) : () -> ()
    "tpu.region"() ({
      %run_scoped3A = tpu.sem_alloc : memref<!tpu.dma_semaphore, #tpu.memory_space<semaphore_mem>>
      tpu.enqueue_dma source(%arg3 : memref<40960xf32, #tpu.memory_space<hbm>>) target(%arg9 : memref<40960xf32, #tpu.memory_space<vmem>>) target_semaphore(%run_scoped3A : memref<!tpu.dma_semaphore, #tpu.memory_space<semaphore_mem>>)
      tpu.wait_dma2 semaphore(%run_scoped3A : memref<!tpu.dma_semaphore, #tpu.memory_space<semaphore_mem>>) src(%arg3 : memref<40960xf32, #tpu.memory_space<hbm>>) dst(%arg9 : memref<40960xf32, #tpu.memory_space<vmem>>)
      tpu.yield
    }) : () -> ()
    %broadcast_in_dim3A = arith.constant 0.000000e+00 : f32
    %broadcast_in_dim3A_1 = vector.broadcast %broadcast_in_dim3A : f32 to vector<16xf32>
    %scan3A = arith.constant 0 : i32
    %scan3A_2 = arith.constant 0 : i32
    %scan3A_3 = arith.constant 640 : i32
    %scan3A_4 = arith.addi %scan3A_2, %scan3A_3 : i32
    %scan3A_5 = arith.constant 1 : i32
    scf.for %scan3A_13 = %scan3A_2 to %scan3A_4 step %scan3A_5  : i32 {
      %mul3A_14 = arith.constant 16 : i32
      %mul3A_15 = arith.muli %scan3A_13, %mul3A_14 : i32
      %swap3A = arith.constant 0 : i32
      %swap3A_16 = arith.index_cast %swap3A : i32 to index
      %swap3A_17 = arith.index_cast %mul3A_15 : i32 to index
      %swap3A_18 = tpu.vector_load %arg10[%swap3A_16, %swap3A_17] {strides = array<i32>} : memref<4x10240xf32, #tpu.memory_space<vmem>>, vector<16xf32>,
      tpu.vector_store %arg10[%swap3A_16, %swap3A_17], %broadcast_in_dim3A_1 {strides = array<i32>} : memref<4x10240xf32, #tpu.memory_space<vmem>>, vector<16xf32>,
      %mul3A_19 = arith.constant 16 : i32
      %mul3A_20 = arith.muli %scan3A_13, %mul3A_19 : i32
      %swap3A_21 = arith.constant 1 : i32
      %swap3A_22 = arith.index_cast %swap3A_21 : i32 to index
      %swap3A_23 = arith.index_cast %mul3A_20 : i32 to index
      %swap3A_24 = tpu.vector_load %arg10[%swap3A_22, %swap3A_23] {strides = array<i32>} : memref<4x10240xf32, #tpu.memory_space<vmem>>, vector<16xf32>,
      tpu.vector_store %arg10[%swap3A_22, %swap3A_23], %broadcast_in_dim3A_1 {strides = array<i32>} : memref<4x10240xf32, #tpu.memory_space<vmem>>, vector<16xf32>,
      %mul3A_25 = arith.constant 16 : i32
      %mul3A_26 = arith.muli %scan3A_13, %mul3A_25 : i32
      %swap3A_27 = arith.constant 2 : i32
      %swap3A_28 = arith.index_cast %swap3A_27 : i32 to index
      %swap3A_29 = arith.index_cast %mul3A_26 : i32 to index
      %swap3A_30 = tpu.vector_load %arg10[%swap3A_28, %swap3A_29] {strides = array<i32>} : memref<4x10240xf32, #tpu.memory_space<vmem>>, vector<16xf32>,
      tpu.vector_store %arg10[%swap3A_28, %swap3A_29], %broadcast_in_dim3A_1 {strides = array<i32>} : memref<4x10240xf32, #tpu.memory_space<vmem>>, vector<16xf32>,
      %mul3A_31 = arith.constant 16 : i32
      %mul3A_32 = arith.muli %scan3A_13, %mul3A_31 : i32
      %swap3A_33 = arith.constant 3 : i32
      %swap3A_34 = arith.index_cast %swap3A_33 : i32 to index
      %swap3A_35 = arith.index_cast %mul3A_32 : i32 to index
      %swap3A_36 = tpu.vector_load %arg10[%swap3A_34, %swap3A_35] {strides = array<i32>} : memref<4x10240xf32, #tpu.memory_space<vmem>>, vector<16xf32>,
      tpu.vector_store %arg10[%swap3A_34, %swap3A_35], %broadcast_in_dim3A_1 {strides = array<i32>} : memref<4x10240xf32, #tpu.memory_space<vmem>>, vector<16xf32>,
    }
    %scan3A_6 = arith.constant 640 : i32
    %iota3A = tpu.iota {dimensions = array<i32: 0>} : vector<16xi32>
    %scan3A_7 = arith.constant 0 : i32
    %scan3A_8 = arith.constant 0 : i32
    %scan3A_9 = arith.constant 159 : i32
    %scan3A_10 = arith.addi %scan3A_8, %scan3A_9 : i32
    %scan3A_11 = arith.constant 1 : i32
    scf.for %scan3A_13 = %scan3A_8 to %scan3A_10 step %scan3A_11  : i32 {
      %mul3A_14 = arith.constant 20352 : i32
      %mul3A_15 = arith.muli %add3A, %mul3A_14 : i32
      %mul3A_16 = arith.constant 128 : i32
      %mul3A_17 = arith.muli %scan3A_13, %mul3A_16 : i32
      %add3A_18 = arith.addi %mul3A_15, %mul3A_17 : i32
      "tpu.region"() ({
        %run_scoped3A = tpu.sem_alloc : memref<!tpu.dma_semaphore, #tpu.memory_space<semaphore_mem>>
        %dma_start3A = tpu.memref_slice %arg4[%add3A_18] : memref<651264xi32, #tpu.memory_space<hbm>> -> memref<128xi32, #tpu.memory_space<hbm>>
        %dma_start3A_1064 = tpu.memref_slice %arg4[%add3A_18] : memref<651264xi32, #tpu.memory_space<hbm>> -> memref<128xi32, #tpu.memory_space<hbm>>
        tpu.enqueue_dma source(%dma_start3A_1064 : memref<128xi32, #tpu.memory_space<hbm>>) target(%arg11 : memref<128xi32, #tpu.memory_space<vmem>>) target_semaphore(%run_scoped3A : memref<!tpu.dma_semaphore, #tpu.memory_space<semaphore_mem>>)
        %dma_wait3A = tpu.memref_slice %arg4[%add3A_18] : memref<651264xi32, #tpu.memory_space<hbm>> -> memref<128xi32, #tpu.memory_space<hbm>>
        %dma_wait3A_1065 = tpu.memref_slice %arg4[%add3A_18] : memref<651264xi32, #tpu.memory_space<hbm>> -> memref<128xi32, #tpu.memory_space<hbm>>
        tpu.wait_dma2 semaphore(%run_scoped3A : memref<!tpu.dma_semaphore, #tpu.memory_space<semaphore_mem>>) src(%dma_wait3A_1065 : memref<128xi32, #tpu.memory_space<hbm>>) dst(%arg11 : memref<128xi32, #tpu.memory_space<vmem>>)
        tpu.yield
      }) : () -> ()
      "tpu.region"() ({
        %run_scoped3A = tpu.sem_alloc : memref<!tpu.dma_semaphore, #tpu.memory_space<semaphore_mem>>
        %dma_start3A = tpu.memref_slice %arg5[%add3A_18] : memref<651264xi32, #tpu.memory_space<hbm>> -> memref<128xi32, #tpu.memory_space<hbm>>
        %dma_start3A_1064 = tpu.memref_slice %arg5[%add3A_18] : memref<651264xi32, #tpu.memory_space<hbm>> -> memref<128xi32, #tpu.memory_space<hbm>>
        tpu.enqueue_dma source(%dma_start3A_1064 : memref<128xi32, #tpu.memory_space<hbm>>) target(%arg12 : memref<128xi32, #tpu.memory_space<vmem>>) target_semaphore(%run_scoped3A : memref<!tpu.dma_semaphore, #tpu.memory_space<semaphore_mem>>)
        %dma_wait3A = tpu.memref_slice %arg5[%add3A_18] : memref<651264xi32, #tpu.memory_space<hbm>> -> memref<128xi32, #tpu.memory_space<hbm>>
        %dma_wait3A_1065 = tpu.memref_slice %arg5[%add3A_18] : memref<651264xi32, #tpu.memory_space<hbm>> -> memref<128xi32, #tpu.memory_space<hbm>>
        tpu.wait_dma2 semaphore(%run_scoped3A : memref<!tpu.dma_semaphore, #tpu.memory_space<semaphore_mem>>) src(%dma_wait3A_1065 : memref<128xi32, #tpu.memory_space<hbm>>) dst(%arg12 : memref<128xi32, #tpu.memory_space<vmem>>)
        tpu.yield
      }) : () -> ()
      %get3A = arith.constant 0 : index
      %get3A_19 = tpu.vector_load %arg11[%get3A] {strides = array<i32>} : memref<128xi32, #tpu.memory_space<vmem>>, vector<16xi32>,
      %get3A_20 = arith.constant 0 : index
      %get3A_21 = tpu.vector_load %arg12[%get3A_20] {strides = array<i32>} : memref<128xi32, #tpu.memory_space<vmem>>, vector<16xi32>,
      %add3A_22 = arith.constant 0 : i32
      %add3A_23 = vector.broadcast %add3A_22 : i32 to vector<16xi32>
      %add3A_24 = arith.addi %add3A_23, %iota3A : vector<16xi32>
      %mul3A_25 = arith.constant 4 : i32
      %mul3A_26 = vector.broadcast %mul3A_25 : i32 to vector<16xi32>
      %mul3A_27 = arith.muli %get3A_19, %mul3A_26 : vector<16xi32>
      %add3A_28 = arith.constant 0 : i32
      %add3A_29 = vector.broadcast %add3A_28 : i32 to vector<16xi32>
      %add3A_30 = arith.addi %mul3A_27, %add3A_29 : vector<16xi32>
      %gather3A = tpu.vector_load_idx %arg8[%add3A_30] : memref<40960xf32, #tpu.memory_space<vmem>>[vector<16xi32>], vector<16xf32>,
      %mul3A_31 = arith.constant 4 : i32
      %mul3A_32 = vector.broadcast %mul3A_31 : i32 to vector<16xi32>
      %mul3A_33 = arith.muli %get3A_21, %mul3A_32 : vector<16xi32>
      %add3A_34 = arith.constant 0 : i32
      %add3A_35 = vector.broadcast %add3A_34 : i32 to vector<16xi32>
      %add3A_36 = arith.addi %mul3A_33, %add3A_35 : vector<16xi32>
      %gather3A_37 = tpu.vector_load_idx %arg9[%add3A_36] : memref<40960xf32, #tpu.memory_space<vmem>>[vector<16xi32>], vector<16xf32>,
      %add3A_38 = arith.addf %gather3A, %gather3A_37 : vector<16xf32>
      %ge3A = arith.constant 0.000000e+00 : f32
      %ge3A_39 = vector.broadcast %ge3A : f32 to vector<16xf32>
      %ge3A_40 = arith.cmpf oge, %add3A_38, %ge3A_39 : vector<16xf32>
      %mul3A_41 = arith.constant 2.000000e-01 : f32
      %mul3A_42 = vector.broadcast %mul3A_41 : f32 to vector<16xf32>
      %mul3A_43 = arith.mulf %mul3A_42, %add3A_38 : vector<16xf32>
      %select_n3A = arith.select %ge3A_40, %add3A_38, %mul3A_43 : vector<16xi1>, vector<16xf32>
      %exp3A = math.exp %select_n3A : vector<16xf32>
      %mul3A_44 = arith.constant 4 : i32
      %mul3A_45 = vector.broadcast %mul3A_44 : i32 to vector<16xi32>
      %mul3A_46 = arith.muli %add3A_24, %mul3A_45 : vector<16xi32>
      %add3A_47 = arith.constant 0 : i32
      %add3A_48 = vector.broadcast %add3A_47 : i32 to vector<16xi32>
      %add3A_49 = arith.addi %mul3A_46, %add3A_48 : vector<16xi32>
      tpu.vector_store_idx %arg13[%add3A_49], %exp3A : memref<512xf32, #tpu.memory_space<vmem>>[vector<16xi32>], vector<16xf32>,
      %broadcast_in_dim3A_50 = arith.constant 0 : i32
      %broadcast_in_dim3A_51 = vector.broadcast %broadcast_in_dim3A_50 : i32 to vector<16xi32>
      tpu.vector_store_idx %arg10[%broadcast_in_dim3A_51, %get3A_21], %exp3A {add = true} : memref<4x10240xf32, #tpu.memory_space<vmem>>[vector<16xi32>, vector<16xi32>], vector<16xf32>,
      %mul3A_52 = arith.constant 4 : i32
      %mul3A_53 = vector.broadcast %mul3A_52 : i32 to vector<16xi32>
      %mul3A_54 = arith.muli %get3A_19, %mul3A_53 : vector<16xi32>
      %add3A_55 = arith.constant 1 : i32
      %add3A_56 = vector.broadcast %add3A_55 : i32 to vector<16xi32>
      %add3A_57 = arith.addi %mul3A_54, %add3A_56 : vector<16xi32>
      %gather3A_58 = tpu.vector_load_idx %arg8[%add3A_57] : memref<40960xf32, #tpu.memory_space<vmem>>[vector<16xi32>], vector<16xf32>,
      %mul3A_59 = arith.constant 4 : i32
      %mul3A_60 = vector.broadcast %mul3A_59 : i32 to vector<16xi32>
      %mul3A_61 = arith.muli %get3A_21, %mul3A_60 : vector<16xi32>
      %add3A_62 = arith.constant 1 : i32
      %add3A_63 = vector.broadcast %add3A_62 : i32 to vector<16xi32>
      %add3A_64 = arith.addi %mul3A_61, %add3A_63 : vector<16xi32>
      %gather3A_65 = tpu.vector_load_idx %arg9[%add3A_64] : memref<40960xf32, #tpu.memory_space<vmem>>[vector<16xi32>], vector<16xf32>,
      %add3A_66 = arith.addf %gather3A_58, %gather3A_65 : vector<16xf32>
      %ge3A_67 = arith.constant 0.000000e+00 : f32
      %ge3A_68 = vector.broadcast %ge3A_67 : f32 to vector<16xf32>
      %ge3A_69 = arith.cmpf oge, %add3A_66, %ge3A_68 : vector<16xf32>
      %mul3A_70 = arith.constant 2.000000e-01 : f32
      %mul3A_71 = vector.broadcast %mul3A_70 : f32 to vector<16xf32>
      %mul3A_72 = arith.mulf %mul3A_71, %add3A_66 : vector<16xf32>
      %select_n3A_73 = arith.select %ge3A_69, %add3A_66, %mul3A_72 : vector<16xi1>, vector<16xf32>
      %exp3A_74 = math.exp %select_n3A_73 : vector<16xf32>
      %mul3A_75 = arith.constant 4 : i32
      %mul3A_76 = vector.broadcast %mul3A_75 : i32 to vector<16xi32>
      %mul3A_77 = arith.muli %add3A_24, %mul3A_76 : vector<16xi32>
      %add3A_78 = arith.constant 1 : i32
      %add3A_79 = vector.broadcast %add3A_78 : i32 to vector<16xi32>
      %add3A_80 = arith.addi %mul3A_77, %add3A_79 : vector<16xi32>
      tpu.vector_store_idx %arg13[%add3A_80], %exp3A_74 : memref<512xf32, #tpu.memory_space<vmem>>[vector<16xi32>], vector<16xf32>,
      %broadcast_in_dim3A_81 = arith.constant 1 : i32
      %broadcast_in_dim3A_82 = vector.broadcast %broadcast_in_dim3A_81 : i32 to vector<16xi32>
      tpu.vector_store_idx %arg10[%broadcast_in_dim3A_82, %get3A_21], %exp3A_74 {add = true} : memref<4x10240xf32, #tpu.memory_space<vmem>>[vector<16xi32>, vector<16xi32>], vector<16xf32>,
      %mul3A_83 = arith.constant 4 : i32
      %mul3A_84 = vector.broadcast %mul3A_83 : i32 to vector<16xi32>
      %mul3A_85 = arith.muli %get3A_19, %mul3A_84 : vector<16xi32>
      %add3A_86 = arith.constant 2 : i32
      %add3A_87 = vector.broadcast %add3A_86 : i32 to vector<16xi32>
      %add3A_88 = arith.addi %mul3A_85, %add3A_87 : vector<16xi32>
      %gather3A_89 = tpu.vector_load_idx %arg8[%add3A_88] : memref<40960xf32, #tpu.memory_space<vmem>>[vector<16xi32>], vector<16xf32>,
      %mul3A_90 = arith.constant 4 : i32
      %mul3A_91 = vector.broadcast %mul3A_90 : i32 to vector<16xi32>
      %mul3A_92 = arith.muli %get3A_21, %mul3A_91 : vector<16xi32>
      %add3A_93 = arith.constant 2 : i32
      %add3A_94 = vector.broadcast %add3A_93 : i32 to vector<16xi32>
      %add3A_95 = arith.addi %mul3A_92, %add3A_94 : vector<16xi32>
      %gather3A_96 = tpu.vector_load_idx %arg9[%add3A_95] : memref<40960xf32, #tpu.memory_space<vmem>>[vector<16xi32>], vector<16xf32>,
      %add3A_97 = arith.addf %gather3A_89, %gather3A_96 : vector<16xf32>
      %ge3A_98 = arith.constant 0.000000e+00 : f32
      %ge3A_99 = vector.broadcast %ge3A_98 : f32 to vector<16xf32>
      %ge3A_100 = arith.cmpf oge, %add3A_97, %ge3A_99 : vector<16xf32>
      %mul3A_101 = arith.constant 2.000000e-01 : f32
      %mul3A_102 = vector.broadcast %mul3A_101 : f32 to vector<16xf32>
      %mul3A_103 = arith.mulf %mul3A_102, %add3A_97 : vector<16xf32>
      %select_n3A_104 = arith.select %ge3A_100, %add3A_97, %mul3A_103 : vector<16xi1>, vector<16xf32>
      %exp3A_105 = math.exp %select_n3A_104 : vector<16xf32>
      %mul3A_106 = arith.constant 4 : i32
      %mul3A_107 = vector.broadcast %mul3A_106 : i32 to vector<16xi32>
      %mul3A_108 = arith.muli %add3A_24, %mul3A_107 : vector<16xi32>
      %add3A_109 = arith.constant 2 : i32
      %add3A_110 = vector.broadcast %add3A_109 : i32 to vector<16xi32>
      %add3A_111 = arith.addi %mul3A_108, %add3A_110 : vector<16xi32>
      tpu.vector_store_idx %arg13[%add3A_111], %exp3A_105 : memref<512xf32, #tpu.memory_space<vmem>>[vector<16xi32>], vector<16xf32>,
      %broadcast_in_dim3A_112 = arith.constant 2 : i32
      %broadcast_in_dim3A_113 = vector.broadcast %broadcast_in_dim3A_112 : i32 to vector<16xi32>
      tpu.vector_store_idx %arg10[%broadcast_in_dim3A_113, %get3A_21], %exp3A_105 {add = true} : memref<4x10240xf32, #tpu.memory_space<vmem>>[vector<16xi32>, vector<16xi32>], vector<16xf32>,
      %mul3A_114 = arith.constant 4 : i32
      %mul3A_115 = vector.broadcast %mul3A_114 : i32 to vector<16xi32>
      %mul3A_116 = arith.muli %get3A_19, %mul3A_115 : vector<16xi32>
      %add3A_117 = arith.constant 3 : i32
      %add3A_118 = vector.broadcast %add3A_117 : i32 to vector<16xi32>
      %add3A_119 = arith.addi %mul3A_116, %add3A_118 : vector<16xi32>
      %gather3A_120 = tpu.vector_load_idx %arg8[%add3A_119] : memref<40960xf32, #tpu.memory_space<vmem>>[vector<16xi32>], vector<16xf32>,
      %mul3A_121 = arith.constant 4 : i32
      %mul3A_122 = vector.broadcast %mul3A_121 : i32 to vector<16xi32>
      %mul3A_123 = arith.muli %get3A_21, %mul3A_122 : vector<16xi32>
      %add3A_124 = arith.constant 3 : i32
      %add3A_125 = vector.broadcast %add3A_124 : i32 to vector<16xi32>
      %add3A_126 = arith.addi %mul3A_123, %add3A_125 : vector<16xi32>
      %gather3A_127 = tpu.vector_load_idx %arg9[%add3A_126] : memref<40960xf32, #tpu.memory_space<vmem>>[vector<16xi32>], vector<16xf32>,
      %add3A_128 = arith.addf %gather3A_120, %gather3A_127 : vector<16xf32>
      %ge3A_129 = arith.constant 0.000000e+00 : f32
      %ge3A_130 = vector.broadcast %ge3A_129 : f32 to vector<16xf32>
      %ge3A_131 = arith.cmpf oge, %add3A_128, %ge3A_130 : vector<16xf32>
      %mul3A_132 = arith.constant 2.000000e-01 : f32
      %mul3A_133 = vector.broadcast %mul3A_132 : f32 to vector<16xf32>
      %mul3A_134 = arith.mulf %mul3A_133, %add3A_128 : vector<16xf32>
      %select_n3A_135 = arith.select %ge3A_131, %add3A_128, %mul3A_134 : vector<16xi1>, vector<16xf32>
      %exp3A_136 = math.exp %select_n3A_135 : vector<16xf32>
      %mul3A_137 = arith.constant 4 : i32
      %mul3A_138 = vector.broadcast %mul3A_137 : i32 to vector<16xi32>
      %mul3A_139 = arith.muli %add3A_24, %mul3A_138 : vector<16xi32>
      %add3A_140 = arith.constant 3 : i32
      %add3A_141 = vector.broadcast %add3A_140 : i32 to vector<16xi32>
      %add3A_142 = arith.addi %mul3A_139, %add3A_141 : vector<16xi32>
      tpu.vector_store_idx %arg13[%add3A_142], %exp3A_136 : memref<512xf32, #tpu.memory_space<vmem>>[vector<16xi32>], vector<16xf32>,
      %broadcast_in_dim3A_143 = arith.constant 3 : i32
      %broadcast_in_dim3A_144 = vector.broadcast %broadcast_in_dim3A_143 : i32 to vector<16xi32>
      tpu.vector_store_idx %arg10[%broadcast_in_dim3A_144, %get3A_21], %exp3A_136 {add = true} : memref<4x10240xf32, #tpu.memory_space<vmem>>[vector<16xi32>, vector<16xi32>], vector<16xf32>,
      %get3A_145 = arith.constant 16 : index
      %get3A_146 = tpu.vector_load %arg11[%get3A_145] {strides = array<i32>} : memref<128xi32, #tpu.memory_space<vmem>>, vector<16xi32>,
      %get3A_147 = arith.constant 16 : index
      %get3A_148 = tpu.vector_load %arg12[%get3A_147] {strides = array<i32>} : memref<128xi32, #tpu.memory_space<vmem>>, vector<16xi32>,
      %add3A_149 = arith.constant 16 : i32
      %add3A_150 = vector.broadcast %add3A_149 : i32 to vector<16xi32>
      %add3A_151 = arith.addi %add3A_150, %iota3A : vector<16xi32>
      %mul3A_152 = arith.constant 4 : i32
      %mul3A_153 = vector.broadcast %mul3A_152 : i32 to vector<16xi32>
      %mul3A_154 = arith.muli %get3A_146, %mul3A_153 : vector<16xi32>
      %add3A_155 = arith.constant 0 : i32
      %add3A_156 = vector.broadcast %add3A_155 : i32 to vector<16xi32>
      %add3A_157 = arith.addi %mul3A_154, %add3A_156 : vector<16xi32>
      %gather3A_158 = tpu.vector_load_idx %arg8[%add3A_157] : memref<40960xf32, #tpu.memory_space<vmem>>[vector<16xi32>], vector<16xf32>,
      %mul3A_159 = arith.constant 4 : i32
      %mul3A_160 = vector.broadcast %mul3A_159 : i32 to vector<16xi32>
      %mul3A_161 = arith.muli %get3A_148, %mul3A_160 : vector<16xi32>
      %add3A_162 = arith.constant 0 : i32
      %add3A_163 = vector.broadcast %add3A_162 : i32 to vector<16xi32>
      %add3A_164 = arith.addi %mul3A_161, %add3A_163 : vector<16xi32>
      %gather3A_165 = tpu.vector_load_idx %arg9[%add3A_164] : memref<40960xf32, #tpu.memory_space<vmem>>[vector<16xi32>], vector<16xf32>,
      %add3A_166 = arith.addf %gather3A_158, %gather3A_165 : vector<16xf32>
      %ge3A_167 = arith.constant 0.000000e+00 : f32
      %ge3A_168 = vector.broadcast %ge3A_167 : f32 to vector<16xf32>
      %ge3A_169 = arith.cmpf oge, %add3A_166, %ge3A_168 : vector<16xf32>
      %mul3A_170 = arith.constant 2.000000e-01 : f32
      %mul3A_171 = vector.broadcast %mul3A_170 : f32 to vector<16xf32>
      %mul3A_172 = arith.mulf %mul3A_171, %add3A_166 : vector<16xf32>
      %select_n3A_173 = arith.select %ge3A_169, %add3A_166, %mul3A_172 : vector<16xi1>, vector<16xf32>
      %exp3A_174 = math.exp %select_n3A_173 : vector<16xf32>
      %mul3A_175 = arith.constant 4 : i32
      %mul3A_176 = vector.broadcast %mul3A_175 : i32 to vector<16xi32>
      %mul3A_177 = arith.muli %add3A_151, %mul3A_176 : vector<16xi32>
      %add3A_178 = arith.constant 0 : i32
      %add3A_179 = vector.broadcast %add3A_178 : i32 to vector<16xi32>
      %add3A_180 = arith.addi %mul3A_177, %add3A_179 : vector<16xi32>
      tpu.vector_store_idx %arg13[%add3A_180], %exp3A_174 : memref<512xf32, #tpu.memory_space<vmem>>[vector<16xi32>], vector<16xf32>,
      %broadcast_in_dim3A_181 = arith.constant 0 : i32
      %broadcast_in_dim3A_182 = vector.broadcast %broadcast_in_dim3A_181 : i32 to vector<16xi32>
      tpu.vector_store_idx %arg10[%broadcast_in_dim3A_182, %get3A_148], %exp3A_174 {add = true} : memref<4x10240xf32, #tpu.memory_space<vmem>>[vector<16xi32>, vector<16xi32>], vector<16xf32>,
      %mul3A_183 = arith.constant 4 : i32
      %mul3A_184 = vector.broadcast %mul3A_183 : i32 to vector<16xi32>
      %mul3A_185 = arith.muli %get3A_146, %mul3A_184 : vector<16xi32>
      %add3A_186 = arith.constant 1 : i32
      %add3A_187 = vector.broadcast %add3A_186 : i32 to vector<16xi32>
      %add3A_188 = arith.addi %mul3A_185, %add3A_187 : vector<16xi32>
      %gather3A_189 = tpu.vector_load_idx %arg8[%add3A_188] : memref<40960xf32, #tpu.memory_space<vmem>>[vector<16xi32>], vector<16xf32>,
      %mul3A_190 = arith.constant 4 : i32
      %mul3A_191 = vector.broadcast %mul3A_190 : i32 to vector<16xi32>
      %mul3A_192 = arith.muli %get3A_148, %mul3A_191 : vector<16xi32>
      %add3A_193 = arith.constant 1 : i32
      %add3A_194 = vector.broadcast %add3A_193 : i32 to vector<16xi32>
      %add3A_195 = arith.addi %mul3A_192, %add3A_194 : vector<16xi32>
      %gather3A_196 = tpu.vector_load_idx %arg9[%add3A_195] : memref<40960xf32, #tpu.memory_space<vmem>>[vector<16xi32>], vector<16xf32>,
      %add3A_197 = arith.addf %gather3A_189, %gather3A_196 : vector<16xf32>
      %ge3A_198 = arith.constant 0.000000e+00 : f32
      %ge3A_199 = vector.broadcast %ge3A_198 : f32 to vector<16xf32>
      %ge3A_200 = arith.cmpf oge, %add3A_197, %ge3A_199 : vector<16xf32>
      %mul3A_201 = arith.constant 2.000000e-01 : f32
      %mul3A_202 = vector.broadcast %mul3A_201 : f32 to vector<16xf32>
      %mul3A_203 = arith.mulf %mul3A_202, %add3A_197 : vector<16xf32>
      %select_n3A_204 = arith.select %ge3A_200, %add3A_197, %mul3A_203 : vector<16xi1>, vector<16xf32>
      %exp3A_205 = math.exp %select_n3A_204 : vector<16xf32>
      %mul3A_206 = arith.constant 4 : i32
      %mul3A_207 = vector.broadcast %mul3A_206 : i32 to vector<16xi32>
      %mul3A_208 = arith.muli %add3A_151, %mul3A_207 : vector<16xi32>
      %add3A_209 = arith.constant 1 : i32
      %add3A_210 = vector.broadcast %add3A_209 : i32 to vector<16xi32>
      %add3A_211 = arith.addi %mul3A_208, %add3A_210 : vector<16xi32>
      tpu.vector_store_idx %arg13[%add3A_211], %exp3A_205 : memref<512xf32, #tpu.memory_space<vmem>>[vector<16xi32>], vector<16xf32>,
      %broadcast_in_dim3A_212 = arith.constant 1 : i32
      %broadcast_in_dim3A_213 = vector.broadcast %broadcast_in_dim3A_212 : i32 to vector<16xi32>
      tpu.vector_store_idx %arg10[%broadcast_in_dim3A_213, %get3A_148], %exp3A_205 {add = true} : memref<4x10240xf32, #tpu.memory_space<vmem>>[vector<16xi32>, vector<16xi32>], vector<16xf32>,
      %mul3A_214 = arith.constant 4 : i32
      %mul3A_215 = vector.broadcast %mul3A_214 : i32 to vector<16xi32>
      %mul3A_216 = arith.muli %get3A_146, %mul3A_215 : vector<16xi32>
      %add3A_217 = arith.constant 2 : i32
      %add3A_218 = vector.broadcast %add3A_217 : i32 to vector<16xi32>
      %add3A_219 = arith.addi %mul3A_216, %add3A_218 : vector<16xi32>
      %gather3A_220 = tpu.vector_load_idx %arg8[%add3A_219] : memref<40960xf32, #tpu.memory_space<vmem>>[vector<16xi32>], vector<16xf32>,
      %mul3A_221 = arith.constant 4 : i32
      %mul3A_222 = vector.broadcast %mul3A_221 : i32 to vector<16xi32>
      %mul3A_223 = arith.muli %get3A_148, %mul3A_222 : vector<16xi32>
      %add3A_224 = arith.constant 2 : i32
      %add3A_225 = vector.broadcast %add3A_224 : i32 to vector<16xi32>
      %add3A_226 = arith.addi %mul3A_223, %add3A_225 : vector<16xi32>
      %gather3A_227 = tpu.vector_load_idx %arg9[%add3A_226] : memref<40960xf32, #tpu.memory_space<vmem>>[vector<16xi32>], vector<16xf32>,
      %add3A_228 = arith.addf %gather3A_220, %gather3A_227 : vector<16xf32>
      %ge3A_229 = arith.constant 0.000000e+00 : f32
      %ge3A_230 = vector.broadcast %ge3A_229 : f32 to vector<16xf32>
      %ge3A_231 = arith.cmpf oge, %add3A_228, %ge3A_230 : vector<16xf32>
      %mul3A_232 = arith.constant 2.000000e-01 : f32
      %mul3A_233 = vector.broadcast %mul3A_232 : f32 to vector<16xf32>
      %mul3A_234 = arith.mulf %mul3A_233, %add3A_228 : vector<16xf32>
      %select_n3A_235 = arith.select %ge3A_231, %add3A_228, %mul3A_234 : vector<16xi1>, vector<16xf32>
      %exp3A_236 = math.exp %select_n3A_235 : vector<16xf32>
      %mul3A_237 = arith.constant 4 : i32
      %mul3A_238 = vector.broadcast %mul3A_237 : i32 to vector<16xi32>
      %mul3A_239 = arith.muli %add3A_151, %mul3A_238 : vector<16xi32>
      %add3A_240 = arith.constant 2 : i32
      %add3A_241 = vector.broadcast %add3A_240 : i32 to vector<16xi32>
      %add3A_242 = arith.addi %mul3A_239, %add3A_241 : vector<16xi32>
      tpu.vector_store_idx %arg13[%add3A_242], %exp3A_236 : memref<512xf32, #tpu.memory_space<vmem>>[vector<16xi32>], vector<16xf32>,
      %broadcast_in_dim3A_243 = arith.constant 2 : i32
      %broadcast_in_dim3A_244 = vector.broadcast %broadcast_in_dim3A_243 : i32 to vector<16xi32>
      tpu.vector_store_idx %arg10[%broadcast_in_dim3A_244, %get3A_148], %exp3A_236 {add = true} : memref<4x10240xf32, #tpu.memory_space<vmem>>[vector<16xi32>, vector<16xi32>], vector<16xf32>,
      %mul3A_245 = arith.constant 4 : i32
      %mul3A_246 = vector.broadcast %mul3A_245 : i32 to vector<16xi32>
      %mul3A_247 = arith.muli %get3A_146, %mul3A_246 : vector<16xi32>
      %add3A_248 = arith.constant 3 : i32
      %add3A_249 = vector.broadcast %add3A_248 : i32 to vector<16xi32>
      %add3A_250 = arith.addi %mul3A_247, %add3A_249 : vector<16xi32>
      %gather3A_251 = tpu.vector_load_idx %arg8[%add3A_250] : memref<40960xf32, #tpu.memory_space<vmem>>[vector<16xi32>], vector<16xf32>,
      %mul3A_252 = arith.constant 4 : i32
      %mul3A_253 = vector.broadcast %mul3A_252 : i32 to vector<16xi32>
      %mul3A_254 = arith.muli %get3A_148, %mul3A_253 : vector<16xi32>
      %add3A_255 = arith.constant 3 : i32
      %add3A_256 = vector.broadcast %add3A_255 : i32 to vector<16xi32>
      %add3A_257 = arith.addi %mul3A_254, %add3A_256 : vector<16xi32>
      %gather3A_258 = tpu.vector_load_idx %arg9[%add3A_257] : memref<40960xf32, #tpu.memory_space<vmem>>[vector<16xi32>], vector<16xf32>,
      %add3A_259 = arith.addf %gather3A_251, %gather3A_258 : vector<16xf32>
      %ge3A_260 = arith.constant 0.000000e+00 : f32
      %ge3A_261 = vector.broadcast %ge3A_260 : f32 to vector<16xf32>
      %ge3A_262 = arith.cmpf oge, %add3A_259, %ge3A_261 : vector<16xf32>
      %mul3A_263 = arith.constant 2.000000e-01 : f32
      %mul3A_264 = vector.broadcast %mul3A_263 : f32 to vector<16xf32>
      %mul3A_265 = arith.mulf %mul3A_264, %add3A_259 : vector<16xf32>
      %select_n3A_266 = arith.select %ge3A_262, %add3A_259, %mul3A_265 : vector<16xi1>, vector<16xf32>
      %exp3A_267 = math.exp %select_n3A_266 : vector<16xf32>
      %mul3A_268 = arith.constant 4 : i32
      %mul3A_269 = vector.broadcast %mul3A_268 : i32 to vector<16xi32>
      %mul3A_270 = arith.muli %add3A_151, %mul3A_269 : vector<16xi32>
      %add3A_271 = arith.constant 3 : i32
      %add3A_272 = vector.broadcast %add3A_271 : i32 to vector<16xi32>
      %add3A_273 = arith.addi %mul3A_270, %add3A_272 : vector<16xi32>
      tpu.vector_store_idx %arg13[%add3A_273], %exp3A_267 : memref<512xf32, #tpu.memory_space<vmem>>[vector<16xi32>], vector<16xf32>,
      %broadcast_in_dim3A_274 = arith.constant 3 : i32
      %broadcast_in_dim3A_275 = vector.broadcast %broadcast_in_dim3A_274 : i32 to vector<16xi32>
      tpu.vector_store_idx %arg10[%broadcast_in_dim3A_275, %get3A_148], %exp3A_267 {add = true} : memref<4x10240xf32, #tpu.memory_space<vmem>>[vector<16xi32>, vector<16xi32>], vector<16xf32>,
      %get3A_276 = arith.constant 32 : index
      %get3A_277 = tpu.vector_load %arg11[%get3A_276] {strides = array<i32>} : memref<128xi32, #tpu.memory_space<vmem>>, vector<16xi32>,
      %get3A_278 = arith.constant 32 : index
      %get3A_279 = tpu.vector_load %arg12[%get3A_278] {strides = array<i32>} : memref<128xi32, #tpu.memory_space<vmem>>, vector<16xi32>,
      %add3A_280 = arith.constant 32 : i32
      %add3A_281 = vector.broadcast %add3A_280 : i32 to vector<16xi32>
      %add3A_282 = arith.addi %add3A_281, %iota3A : vector<16xi32>
      %mul3A_283 = arith.constant 4 : i32
      %mul3A_284 = vector.broadcast %mul3A_283 : i32 to vector<16xi32>
      %mul3A_285 = arith.muli %get3A_277, %mul3A_284 : vector<16xi32>
      %add3A_286 = arith.constant 0 : i32
      %add3A_287 = vector.broadcast %add3A_286 : i32 to vector<16xi32>
      %add3A_288 = arith.addi %mul3A_285, %add3A_287 : vector<16xi32>
      %gather3A_289 = tpu.vector_load_idx %arg8[%add3A_288] : memref<40960xf32, #tpu.memory_space<vmem>>[vector<16xi32>], vector<16xf32>,
      %mul3A_290 = arith.constant 4 : i32
      %mul3A_291 = vector.broadcast %mul3A_290 : i32 to vector<16xi32>
      %mul3A_292 = arith.muli %get3A_279, %mul3A_291 : vector<16xi32>
      %add3A_293 = arith.constant 0 : i32
      %add3A_294 = vector.broadcast %add3A_293 : i32 to vector<16xi32>
      %add3A_295 = arith.addi %mul3A_292, %add3A_294 : vector<16xi32>
      %gather3A_296 = tpu.vector_load_idx %arg9[%add3A_295] : memref<40960xf32, #tpu.memory_space<vmem>>[vector<16xi32>], vector<16xf32>,
      %add3A_297 = arith.addf %gather3A_289, %gather3A_296 : vector<16xf32>
      %ge3A_298 = arith.constant 0.000000e+00 : f32
      %ge3A_299 = vector.broadcast %ge3A_298 : f32 to vector<16xf32>
      %ge3A_300 = arith.cmpf oge, %add3A_297, %ge3A_299 : vector<16xf32>
      %mul3A_301 = arith.constant 2.000000e-01 : f32
      %mul3A_302 = vector.broadcast %mul3A_301 : f32 to vector<16xf32>
      %mul3A_303 = arith.mulf %mul3A_302, %add3A_297 : vector<16xf32>
      %select_n3A_304 = arith.select %ge3A_300, %add3A_297, %mul3A_303 : vector<16xi1>, vector<16xf32>
      %exp3A_305 = math.exp %select_n3A_304 : vector<16xf32>
      %mul3A_306 = arith.constant 4 : i32
      %mul3A_307 = vector.broadcast %mul3A_306 : i32 to vector<16xi32>
      %mul3A_308 = arith.muli %add3A_282, %mul3A_307 : vector<16xi32>
      %add3A_309 = arith.constant 0 : i32
      %add3A_310 = vector.broadcast %add3A_309 : i32 to vector<16xi32>
      %add3A_311 = arith.addi %mul3A_308, %add3A_310 : vector<16xi32>
      tpu.vector_store_idx %arg13[%add3A_311], %exp3A_305 : memref<512xf32, #tpu.memory_space<vmem>>[vector<16xi32>], vector<16xf32>,
      %broadcast_in_dim3A_312 = arith.constant 0 : i32
      %broadcast_in_dim3A_313 = vector.broadcast %broadcast_in_dim3A_312 : i32 to vector<16xi32>
      tpu.vector_store_idx %arg10[%broadcast_in_dim3A_313, %get3A_279], %exp3A_305 {add = true} : memref<4x10240xf32, #tpu.memory_space<vmem>>[vector<16xi32>, vector<16xi32>], vector<16xf32>,
      %mul3A_314 = arith.constant 4 : i32
      %mul3A_315 = vector.broadcast %mul3A_314 : i32 to vector<16xi32>
      %mul3A_316 = arith.muli %get3A_277, %mul3A_315 : vector<16xi32>
      %add3A_317 = arith.constant 1 : i32
      %add3A_318 = vector.broadcast %add3A_317 : i32 to vector<16xi32>
      %add3A_319 = arith.addi %mul3A_316, %add3A_318 : vector<16xi32>
      %gather3A_320 = tpu.vector_load_idx %arg8[%add3A_319] : memref<40960xf32, #tpu.memory_space<vmem>>[vector<16xi32>], vector<16xf32>,
      %mul3A_321 = arith.constant 4 : i32
      %mul3A_322 = vector.broadcast %mul3A_321 : i32 to vector<16xi32>
      %mul3A_323 = arith.muli %get3A_279, %mul3A_322 : vector<16xi32>
      %add3A_324 = arith.constant 1 : i32
      %add3A_325 = vector.broadcast %add3A_324 : i32 to vector<16xi32>
      %add3A_326 = arith.addi %mul3A_323, %add3A_325 : vector<16xi32>
      %gather3A_327 = tpu.vector_load_idx %arg9[%add3A_326] : memref<40960xf32, #tpu.memory_space<vmem>>[vector<16xi32>], vector<16xf32>,
      %add3A_328 = arith.addf %gather3A_320, %gather3A_327 : vector<16xf32>
      %ge3A_329 = arith.constant 0.000000e+00 : f32
      %ge3A_330 = vector.broadcast %ge3A_329 : f32 to vector<16xf32>
      %ge3A_331 = arith.cmpf oge, %add3A_328, %ge3A_330 : vector<16xf32>
      %mul3A_332 = arith.constant 2.000000e-01 : f32
      %mul3A_333 = vector.broadcast %mul3A_332 : f32 to vector<16xf32>
      %mul3A_334 = arith.mulf %mul3A_333, %add3A_328 : vector<16xf32>
      %select_n3A_335 = arith.select %ge3A_331, %add3A_328, %mul3A_334 : vector<16xi1>, vector<16xf32>
      %exp3A_336 = math.exp %select_n3A_335 : vector<16xf32>
      %mul3A_337 = arith.constant 4 : i32
      %mul3A_338 = vector.broadcast %mul3A_337 : i32 to vector<16xi32>
      %mul3A_339 = arith.muli %add3A_282, %mul3A_338 : vector<16xi32>
      %add3A_340 = arith.constant 1 : i32
      %add3A_341 = vector.broadcast %add3A_340 : i32 to vector<16xi32>
      %add3A_342 = arith.addi %mul3A_339, %add3A_341 : vector<16xi32>
      tpu.vector_store_idx %arg13[%add3A_342], %exp3A_336 : memref<512xf32, #tpu.memory_space<vmem>>[vector<16xi32>], vector<16xf32>,
      %broadcast_in_dim3A_343 = arith.constant 1 : i32
      %broadcast_in_dim3A_344 = vector.broadcast %broadcast_in_dim3A_343 : i32 to vector<16xi32>
      tpu.vector_store_idx %arg10[%broadcast_in_dim3A_344, %get3A_279], %exp3A_336 {add = true} : memref<4x10240xf32, #tpu.memory_space<vmem>>[vector<16xi32>, vector<16xi32>], vector<16xf32>,
      %mul3A_345 = arith.constant 4 : i32
      %mul3A_346 = vector.broadcast %mul3A_345 : i32 to vector<16xi32>
      %mul3A_347 = arith.muli %get3A_277, %mul3A_346 : vector<16xi32>
      %add3A_348 = arith.constant 2 : i32
      %add3A_349 = vector.broadcast %add3A_348 : i32 to vector<16xi32>
      %add3A_350 = arith.addi %mul3A_347, %add3A_349 : vector<16xi32>
      %gather3A_351 = tpu.vector_load_idx %arg8[%add3A_350] : memref<40960xf32, #tpu.memory_space<vmem>>[vector<16xi32>], vector<16xf32>,
      %mul3A_352 = arith.constant 4 : i32
      %mul3A_353 = vector.broadcast %mul3A_352 : i32 to vector<16xi32>
      %mul3A_354 = arith.muli %get3A_279, %mul3A_353 : vector<16xi32>
      %add3A_355 = arith.constant 2 : i32
      %add3A_356 = vector.broadcast %add3A_355 : i32 to vector<16xi32>
      %add3A_357 = arith.addi %mul3A_354, %add3A_356 : vector<16xi32>
      %gather3A_358 = tpu.vector_load_idx %arg9[%add3A_357] : memref<40960xf32, #tpu.memory_space<vmem>>[vector<16xi32>], vector<16xf32>,
      %add3A_359 = arith.addf %gather3A_351, %gather3A_358 : vector<16xf32>
      %ge3A_360 = arith.constant 0.000000e+00 : f32
      %ge3A_361 = vector.broadcast %ge3A_360 : f32 to vector<16xf32>
      %ge3A_362 = arith.cmpf oge, %add3A_359, %ge3A_361 : vector<16xf32>
      %mul3A_363 = arith.constant 2.000000e-01 : f32
      %mul3A_364 = vector.broadcast %mul3A_363 : f32 to vector<16xf32>
      %mul3A_365 = arith.mulf %mul3A_364, %add3A_359 : vector<16xf32>
      %select_n3A_366 = arith.select %ge3A_362, %add3A_359, %mul3A_365 : vector<16xi1>, vector<16xf32>
      %exp3A_367 = math.exp %select_n3A_366 : vector<16xf32>
      %mul3A_368 = arith.constant 4 : i32
      %mul3A_369 = vector.broadcast %mul3A_368 : i32 to vector<16xi32>
      %mul3A_370 = arith.muli %add3A_282, %mul3A_369 : vector<16xi32>
      %add3A_371 = arith.constant 2 : i32
      %add3A_372 = vector.broadcast %add3A_371 : i32 to vector<16xi32>
      %add3A_373 = arith.addi %mul3A_370, %add3A_372 : vector<16xi32>
      tpu.vector_store_idx %arg13[%add3A_373], %exp3A_367 : memref<512xf32, #tpu.memory_space<vmem>>[vector<16xi32>], vector<16xf32>,
      %broadcast_in_dim3A_374 = arith.constant 2 : i32
      %broadcast_in_dim3A_375 = vector.broadcast %broadcast_in_dim3A_374 : i32 to vector<16xi32>
      tpu.vector_store_idx %arg10[%broadcast_in_dim3A_375, %get3A_279], %exp3A_367 {add = true} : memref<4x10240xf32, #tpu.memory_space<vmem>>[vector<16xi32>, vector<16xi32>], vector<16xf32>,
      %mul3A_376 = arith.constant 4 : i32
      %mul3A_377 = vector.broadcast %mul3A_376 : i32 to vector<16xi32>
      %mul3A_378 = arith.muli %get3A_277, %mul3A_377 : vector<16xi32>
      %add3A_379 = arith.constant 3 : i32
      %add3A_380 = vector.broadcast %add3A_379 : i32 to vector<16xi32>
      %add3A_381 = arith.addi %mul3A_378, %add3A_380 : vector<16xi32>
      %gather3A_382 = tpu.vector_load_idx %arg8[%add3A_381] : memref<40960xf32, #tpu.memory_space<vmem>>[vector<16xi32>], vector<16xf32>,
      %mul3A_383 = arith.constant 4 : i32
      %mul3A_384 = vector.broadcast %mul3A_383 : i32 to vector<16xi32>
      %mul3A_385 = arith.muli %get3A_279, %mul3A_384 : vector<16xi32>
      %add3A_386 = arith.constant 3 : i32
      %add3A_387 = vector.broadcast %add3A_386 : i32 to vector<16xi32>
      %add3A_388 = arith.addi %mul3A_385, %add3A_387 : vector<16xi32>
      %gather3A_389 = tpu.vector_load_idx %arg9[%add3A_388] : memref<40960xf32, #tpu.memory_space<vmem>>[vector<16xi32>], vector<16xf32>,
      %add3A_390 = arith.addf %gather3A_382, %gather3A_389 : vector<16xf32>
      %ge3A_391 = arith.constant 0.000000e+00 : f32
      %ge3A_392 = vector.broadcast %ge3A_391 : f32 to vector<16xf32>
      %ge3A_393 = arith.cmpf oge, %add3A_390, %ge3A_392 : vector<16xf32>
      %mul3A_394 = arith.constant 2.000000e-01 : f32
      %mul3A_395 = vector.broadcast %mul3A_394 : f32 to vector<16xf32>
      %mul3A_396 = arith.mulf %mul3A_395, %add3A_390 : vector<16xf32>
      %select_n3A_397 = arith.select %ge3A_393, %add3A_390, %mul3A_396 : vector<16xi1>, vector<16xf32>
      %exp3A_398 = math.exp %select_n3A_397 : vector<16xf32>
      %mul3A_399 = arith.constant 4 : i32
      %mul3A_400 = vector.broadcast %mul3A_399 : i32 to vector<16xi32>
      %mul3A_401 = arith.muli %add3A_282, %mul3A_400 : vector<16xi32>
      %add3A_402 = arith.constant 3 : i32
      %add3A_403 = vector.broadcast %add3A_402 : i32 to vector<16xi32>
      %add3A_404 = arith.addi %mul3A_401, %add3A_403 : vector<16xi32>
      tpu.vector_store_idx %arg13[%add3A_404], %exp3A_398 : memref<512xf32, #tpu.memory_space<vmem>>[vector<16xi32>], vector<16xf32>,
      %broadcast_in_dim3A_405 = arith.constant 3 : i32
      %broadcast_in_dim3A_406 = vector.broadcast %broadcast_in_dim3A_405 : i32 to vector<16xi32>
      tpu.vector_store_idx %arg10[%broadcast_in_dim3A_406, %get3A_279], %exp3A_398 {add = true} : memref<4x10240xf32, #tpu.memory_space<vmem>>[vector<16xi32>, vector<16xi32>], vector<16xf32>,
      %get3A_407 = arith.constant 48 : index
      %get3A_408 = tpu.vector_load %arg11[%get3A_407] {strides = array<i32>} : memref<128xi32, #tpu.memory_space<vmem>>, vector<16xi32>,
      %get3A_409 = arith.constant 48 : index
      %get3A_410 = tpu.vector_load %arg12[%get3A_409] {strides = array<i32>} : memref<128xi32, #tpu.memory_space<vmem>>, vector<16xi32>,
      %add3A_411 = arith.constant 48 : i32
      %add3A_412 = vector.broadcast %add3A_411 : i32 to vector<16xi32>
      %add3A_413 = arith.addi %add3A_412, %iota3A : vector<16xi32>
      %mul3A_414 = arith.constant 4 : i32
      %mul3A_415 = vector.broadcast %mul3A_414 : i32 to vector<16xi32>
      %mul3A_416 = arith.muli %get3A_408, %mul3A_415 : vector<16xi32>
      %add3A_417 = arith.constant 0 : i32
      %add3A_418 = vector.broadcast %add3A_417 : i32 to vector<16xi32>
      %add3A_419 = arith.addi %mul3A_416, %add3A_418 : vector<16xi32>
      %gather3A_420 = tpu.vector_load_idx %arg8[%add3A_419] : memref<40960xf32, #tpu.memory_space<vmem>>[vector<16xi32>], vector<16xf32>,
      %mul3A_421 = arith.constant 4 : i32
      %mul3A_422 = vector.broadcast %mul3A_421 : i32 to vector<16xi32>
      %mul3A_423 = arith.muli %get3A_410, %mul3A_422 : vector<16xi32>
      %add3A_424 = arith.constant 0 : i32
      %add3A_425 = vector.broadcast %add3A_424 : i32 to vector<16xi32>
      %add3A_426 = arith.addi %mul3A_423, %add3A_425 : vector<16xi32>
      %gather3A_427 = tpu.vector_load_idx %arg9[%add3A_426] : memref<40960xf32, #tpu.memory_space<vmem>>[vector<16xi32>], vector<16xf32>,
      %add3A_428 = arith.addf %gather3A_420, %gather3A_427 : vector<16xf32>
      %ge3A_429 = arith.constant 0.000000e+00 : f32
      %ge3A_430 = vector.broadcast %ge3A_429 : f32 to vector<16xf32>
      %ge3A_431 = arith.cmpf oge, %add3A_428, %ge3A_430 : vector<16xf32>
      %mul3A_432 = arith.constant 2.000000e-01 : f32
      %mul3A_433 = vector.broadcast %mul3A_432 : f32 to vector<16xf32>
      %mul3A_434 = arith.mulf %mul3A_433, %add3A_428 : vector<16xf32>
      %select_n3A_435 = arith.select %ge3A_431, %add3A_428, %mul3A_434 : vector<16xi1>, vector<16xf32>
      %exp3A_436 = math.exp %select_n3A_435 : vector<16xf32>
      %mul3A_437 = arith.constant 4 : i32
      %mul3A_438 = vector.broadcast %mul3A_437 : i32 to vector<16xi32>
      %mul3A_439 = arith.muli %add3A_413, %mul3A_438 : vector<16xi32>
      %add3A_440 = arith.constant 0 : i32
      %add3A_441 = vector.broadcast %add3A_440 : i32 to vector<16xi32>
      %add3A_442 = arith.addi %mul3A_439, %add3A_441 : vector<16xi32>
      tpu.vector_store_idx %arg13[%add3A_442], %exp3A_436 : memref<512xf32, #tpu.memory_space<vmem>>[vector<16xi32>], vector<16xf32>,
      %broadcast_in_dim3A_443 = arith.constant 0 : i32
      %broadcast_in_dim3A_444 = vector.broadcast %broadcast_in_dim3A_443 : i32 to vector<16xi32>
      tpu.vector_store_idx %arg10[%broadcast_in_dim3A_444, %get3A_410], %exp3A_436 {add = true} : memref<4x10240xf32, #tpu.memory_space<vmem>>[vector<16xi32>, vector<16xi32>], vector<16xf32>,
      %mul3A_445 = arith.constant 4 : i32
      %mul3A_446 = vector.broadcast %mul3A_445 : i32 to vector<16xi32>
      %mul3A_447 = arith.muli %get3A_408, %mul3A_446 : vector<16xi32>
      %add3A_448 = arith.constant 1 : i32
      %add3A_449 = vector.broadcast %add3A_448 : i32 to vector<16xi32>
      %add3A_450 = arith.addi %mul3A_447, %add3A_449 : vector<16xi32>
      %gather3A_451 = tpu.vector_load_idx %arg8[%add3A_450] : memref<40960xf32, #tpu.memory_space<vmem>>[vector<16xi32>], vector<16xf32>,
      %mul3A_452 = arith.constant 4 : i32
      %mul3A_453 = vector.broadcast %mul3A_452 : i32 to vector<16xi32>
      %mul3A_454 = arith.muli %get3A_410, %mul3A_453 : vector<16xi32>
      %add3A_455 = arith.constant 1 : i32
      %add3A_456 = vector.broadcast %add3A_455 : i32 to vector<16xi32>
      %add3A_457 = arith.addi %mul3A_454, %add3A_456 : vector<16xi32>
      %gather3A_458 = tpu.vector_load_idx %arg9[%add3A_457] : memref<40960xf32, #tpu.memory_space<vmem>>[vector<16xi32>], vector<16xf32>,
      %add3A_459 = arith.addf %gather3A_451, %gather3A_458 : vector<16xf32>
      %ge3A_460 = arith.constant 0.000000e+00 : f32
      %ge3A_461 = vector.broadcast %ge3A_460 : f32 to vector<16xf32>
      %ge3A_462 = arith.cmpf oge, %add3A_459, %ge3A_461 : vector<16xf32>
      %mul3A_463 = arith.constant 2.000000e-01 : f32
      %mul3A_464 = vector.broadcast %mul3A_463 : f32 to vector<16xf32>
      %mul3A_465 = arith.mulf %mul3A_464, %add3A_459 : vector<16xf32>
      %select_n3A_466 = arith.select %ge3A_462, %add3A_459, %mul3A_465 : vector<16xi1>, vector<16xf32>
      %exp3A_467 = math.exp %select_n3A_466 : vector<16xf32>
      %mul3A_468 = arith.constant 4 : i32
      %mul3A_469 = vector.broadcast %mul3A_468 : i32 to vector<16xi32>
      %mul3A_470 = arith.muli %add3A_413, %mul3A_469 : vector<16xi32>
      %add3A_471 = arith.constant 1 : i32
      %add3A_472 = vector.broadcast %add3A_471 : i32 to vector<16xi32>
      %add3A_473 = arith.addi %mul3A_470, %add3A_472 : vector<16xi32>
      tpu.vector_store_idx %arg13[%add3A_473], %exp3A_467 : memref<512xf32, #tpu.memory_space<vmem>>[vector<16xi32>], vector<16xf32>,
      %broadcast_in_dim3A_474 = arith.constant 1 : i32
      %broadcast_in_dim3A_475 = vector.broadcast %broadcast_in_dim3A_474 : i32 to vector<16xi32>
      tpu.vector_store_idx %arg10[%broadcast_in_dim3A_475, %get3A_410], %exp3A_467 {add = true} : memref<4x10240xf32, #tpu.memory_space<vmem>>[vector<16xi32>, vector<16xi32>], vector<16xf32>,
      %mul3A_476 = arith.constant 4 : i32
      %mul3A_477 = vector.broadcast %mul3A_476 : i32 to vector<16xi32>
      %mul3A_478 = arith.muli %get3A_408, %mul3A_477 : vector<16xi32>
      %add3A_479 = arith.constant 2 : i32
      %add3A_480 = vector.broadcast %add3A_479 : i32 to vector<16xi32>
      %add3A_481 = arith.addi %mul3A_478, %add3A_480 : vector<16xi32>
      %gather3A_482 = tpu.vector_load_idx %arg8[%add3A_481] : memref<40960xf32, #tpu.memory_space<vmem>>[vector<16xi32>], vector<16xf32>,
      %mul3A_483 = arith.constant 4 : i32
      %mul3A_484 = vector.broadcast %mul3A_483 : i32 to vector<16xi32>
      %mul3A_485 = arith.muli %get3A_410, %mul3A_484 : vector<16xi32>
      %add3A_486 = arith.constant 2 : i32
      %add3A_487 = vector.broadcast %add3A_486 : i32 to vector<16xi32>
      %add3A_488 = arith.addi %mul3A_485, %add3A_487 : vector<16xi32>
      %gather3A_489 = tpu.vector_load_idx %arg9[%add3A_488] : memref<40960xf32, #tpu.memory_space<vmem>>[vector<16xi32>], vector<16xf32>,
      %add3A_490 = arith.addf %gather3A_482, %gather3A_489 : vector<16xf32>
      %ge3A_491 = arith.constant 0.000000e+00 : f32
      %ge3A_492 = vector.broadcast %ge3A_491 : f32 to vector<16xf32>
      %ge3A_493 = arith.cmpf oge, %add3A_490, %ge3A_492 : vector<16xf32>
      %mul3A_494 = arith.constant 2.000000e-01 : f32
      %mul3A_495 = vector.broadcast %mul3A_494 : f32 to vector<16xf32>
      %mul3A_496 = arith.mulf %mul3A_495, %add3A_490 : vector<16xf32>
      %select_n3A_497 = arith.select %ge3A_493, %add3A_490, %mul3A_496 : vector<16xi1>, vector<16xf32>
      %exp3A_498 = math.exp %select_n3A_497 : vector<16xf32>
      %mul3A_499 = arith.constant 4 : i32
      %mul3A_500 = vector.broadcast %mul3A_499 : i32 to vector<16xi32>
      %mul3A_501 = arith.muli %add3A_413, %mul3A_500 : vector<16xi32>
      %add3A_502 = arith.constant 2 : i32
      %add3A_503 = vector.broadcast %add3A_502 : i32 to vector<16xi32>
      %add3A_504 = arith.addi %mul3A_501, %add3A_503 : vector<16xi32>
      tpu.vector_store_idx %arg13[%add3A_504], %exp3A_498 : memref<512xf32, #tpu.memory_space<vmem>>[vector<16xi32>], vector<16xf32>,
      %broadcast_in_dim3A_505 = arith.constant 2 : i32
      %broadcast_in_dim3A_506 = vector.broadcast %broadcast_in_dim3A_505 : i32 to vector<16xi32>
      tpu.vector_store_idx %arg10[%broadcast_in_dim3A_506, %get3A_410], %exp3A_498 {add = true} : memref<4x10240xf32, #tpu.memory_space<vmem>>[vector<16xi32>, vector<16xi32>], vector<16xf32>,
      %mul3A_507 = arith.constant 4 : i32
      %mul3A_508 = vector.broadcast %mul3A_507 : i32 to vector<16xi32>
      %mul3A_509 = arith.muli %get3A_408, %mul3A_508 : vector<16xi32>
      %add3A_510 = arith.constant 3 : i32
      %add3A_511 = vector.broadcast %add3A_510 : i32 to vector<16xi32>
      %add3A_512 = arith.addi %mul3A_509, %add3A_511 : vector<16xi32>
      %gather3A_513 = tpu.vector_load_idx %arg8[%add3A_512] : memref<40960xf32, #tpu.memory_space<vmem>>[vector<16xi32>], vector<16xf32>,
      %mul3A_514 = arith.constant 4 : i32
      %mul3A_515 = vector.broadcast %mul3A_514 : i32 to vector<16xi32>
      %mul3A_516 = arith.muli %get3A_410, %mul3A_515 : vector<16xi32>
      %add3A_517 = arith.constant 3 : i32
      %add3A_518 = vector.broadcast %add3A_517 : i32 to vector<16xi32>
      %add3A_519 = arith.addi %mul3A_516, %add3A_518 : vector<16xi32>
      %gather3A_520 = tpu.vector_load_idx %arg9[%add3A_519] : memref<40960xf32, #tpu.memory_space<vmem>>[vector<16xi32>], vector<16xf32>,
      %add3A_521 = arith.addf %gather3A_513, %gather3A_520 : vector<16xf32>
      %ge3A_522 = arith.constant 0.000000e+00 : f32
      %ge3A_523 = vector.broadcast %ge3A_522 : f32 to vector<16xf32>
      %ge3A_524 = arith.cmpf oge, %add3A_521, %ge3A_523 : vector<16xf32>
      %mul3A_525 = arith.constant 2.000000e-01 : f32
      %mul3A_526 = vector.broadcast %mul3A_525 : f32 to vector<16xf32>
      %mul3A_527 = arith.mulf %mul3A_526, %add3A_521 : vector<16xf32>
      %select_n3A_528 = arith.select %ge3A_524, %add3A_521, %mul3A_527 : vector<16xi1>, vector<16xf32>
      %exp3A_529 = math.exp %select_n3A_528 : vector<16xf32>
      %mul3A_530 = arith.constant 4 : i32
      %mul3A_531 = vector.broadcast %mul3A_530 : i32 to vector<16xi32>
      %mul3A_532 = arith.muli %add3A_413, %mul3A_531 : vector<16xi32>
      %add3A_533 = arith.constant 3 : i32
      %add3A_534 = vector.broadcast %add3A_533 : i32 to vector<16xi32>
      %add3A_535 = arith.addi %mul3A_532, %add3A_534 : vector<16xi32>
      tpu.vector_store_idx %arg13[%add3A_535], %exp3A_529 : memref<512xf32, #tpu.memory_space<vmem>>[vector<16xi32>], vector<16xf32>,
      %broadcast_in_dim3A_536 = arith.constant 3 : i32
      %broadcast_in_dim3A_537 = vector.broadcast %broadcast_in_dim3A_536 : i32 to vector<16xi32>
      tpu.vector_store_idx %arg10[%broadcast_in_dim3A_537, %get3A_410], %exp3A_529 {add = true} : memref<4x10240xf32, #tpu.memory_space<vmem>>[vector<16xi32>, vector<16xi32>], vector<16xf32>,
      %get3A_538 = arith.constant 64 : index
      %get3A_539 = tpu.vector_load %arg11[%get3A_538] {strides = array<i32>} : memref<128xi32, #tpu.memory_space<vmem>>, vector<16xi32>,
      %get3A_540 = arith.constant 64 : index
      %get3A_541 = tpu.vector_load %arg12[%get3A_540] {strides = array<i32>} : memref<128xi32, #tpu.memory_space<vmem>>, vector<16xi32>,
      %add3A_542 = arith.constant 64 : i32
      %add3A_543 = vector.broadcast %add3A_542 : i32 to vector<16xi32>
      %add3A_544 = arith.addi %add3A_543, %iota3A : vector<16xi32>
      %mul3A_545 = arith.constant 4 : i32
      %mul3A_546 = vector.broadcast %mul3A_545 : i32 to vector<16xi32>
      %mul3A_547 = arith.muli %get3A_539, %mul3A_546 : vector<16xi32>
      %add3A_548 = arith.constant 0 : i32
      %add3A_549 = vector.broadcast %add3A_548 : i32 to vector<16xi32>
      %add3A_550 = arith.addi %mul3A_547, %add3A_549 : vector<16xi32>
      %gather3A_551 = tpu.vector_load_idx %arg8[%add3A_550] : memref<40960xf32, #tpu.memory_space<vmem>>[vector<16xi32>], vector<16xf32>,
      %mul3A_552 = arith.constant 4 : i32
      %mul3A_553 = vector.broadcast %mul3A_552 : i32 to vector<16xi32>
      %mul3A_554 = arith.muli %get3A_541, %mul3A_553 : vector<16xi32>
      %add3A_555 = arith.constant 0 : i32
      %add3A_556 = vector.broadcast %add3A_555 : i32 to vector<16xi32>
      %add3A_557 = arith.addi %mul3A_554, %add3A_556 : vector<16xi32>
      %gather3A_558 = tpu.vector_load_idx %arg9[%add3A_557] : memref<40960xf32, #tpu.memory_space<vmem>>[vector<16xi32>], vector<16xf32>,
      %add3A_559 = arith.addf %gather3A_551, %gather3A_558 : vector<16xf32>
      %ge3A_560 = arith.constant 0.000000e+00 : f32
      %ge3A_561 = vector.broadcast %ge3A_560 : f32 to vector<16xf32>
      %ge3A_562 = arith.cmpf oge, %add3A_559, %ge3A_561 : vector<16xf32>
      %mul3A_563 = arith.constant 2.000000e-01 : f32
      %mul3A_564 = vector.broadcast %mul3A_563 : f32 to vector<16xf32>
      %mul3A_565 = arith.mulf %mul3A_564, %add3A_559 : vector<16xf32>
      %select_n3A_566 = arith.select %ge3A_562, %add3A_559, %mul3A_565 : vector<16xi1>, vector<16xf32>
      %exp3A_567 = math.exp %select_n3A_566 : vector<16xf32>
      %mul3A_568 = arith.constant 4 : i32
      %mul3A_569 = vector.broadcast %mul3A_568 : i32 to vector<16xi32>
      %mul3A_570 = arith.muli %add3A_544, %mul3A_569 : vector<16xi32>
      %add3A_571 = arith.constant 0 : i32
      %add3A_572 = vector.broadcast %add3A_571 : i32 to vector<16xi32>
      %add3A_573 = arith.addi %mul3A_570, %add3A_572 : vector<16xi32>
      tpu.vector_store_idx %arg13[%add3A_573], %exp3A_567 : memref<512xf32, #tpu.memory_space<vmem>>[vector<16xi32>], vector<16xf32>,
      %broadcast_in_dim3A_574 = arith.constant 0 : i32
      %broadcast_in_dim3A_575 = vector.broadcast %broadcast_in_dim3A_574 : i32 to vector<16xi32>
      tpu.vector_store_idx %arg10[%broadcast_in_dim3A_575, %get3A_541], %exp3A_567 {add = true} : memref<4x10240xf32, #tpu.memory_space<vmem>>[vector<16xi32>, vector<16xi32>], vector<16xf32>,
      %mul3A_576 = arith.constant 4 : i32
      %mul3A_577 = vector.broadcast %mul3A_576 : i32 to vector<16xi32>
      %mul3A_578 = arith.muli %get3A_539, %mul3A_577 : vector<16xi32>
      %add3A_579 = arith.constant 1 : i32
      %add3A_580 = vector.broadcast %add3A_579 : i32 to vector<16xi32>
      %add3A_581 = arith.addi %mul3A_578, %add3A_580 : vector<16xi32>
      %gather3A_582 = tpu.vector_load_idx %arg8[%add3A_581] : memref<40960xf32, #tpu.memory_space<vmem>>[vector<16xi32>], vector<16xf32>,
      %mul3A_583 = arith.constant 4 : i32
      %mul3A_584 = vector.broadcast %mul3A_583 : i32 to vector<16xi32>
      %mul3A_585 = arith.muli %get3A_541, %mul3A_584 : vector<16xi32>
      %add3A_586 = arith.constant 1 : i32
      %add3A_587 = vector.broadcast %add3A_586 : i32 to vector<16xi32>
      %add3A_588 = arith.addi %mul3A_585, %add3A_587 : vector<16xi32>
      %gather3A_589 = tpu.vector_load_idx %arg9[%add3A_588] : memref<40960xf32, #tpu.memory_space<vmem>>[vector<16xi32>], vector<16xf32>,
      %add3A_590 = arith.addf %gather3A_582, %gather3A_589 : vector<16xf32>
      %ge3A_591 = arith.constant 0.000000e+00 : f32
      %ge3A_592 = vector.broadcast %ge3A_591 : f32 to vector<16xf32>
      %ge3A_593 = arith.cmpf oge, %add3A_590, %ge3A_592 : vector<16xf32>
      %mul3A_594 = arith.constant 2.000000e-01 : f32
      %mul3A_595 = vector.broadcast %mul3A_594 : f32 to vector<16xf32>
      %mul3A_596 = arith.mulf %mul3A_595, %add3A_590 : vector<16xf32>
      %select_n3A_597 = arith.select %ge3A_593, %add3A_590, %mul3A_596 : vector<16xi1>, vector<16xf32>
      %exp3A_598 = math.exp %select_n3A_597 : vector<16xf32>
      %mul3A_599 = arith.constant 4 : i32
      %mul3A_600 = vector.broadcast %mul3A_599 : i32 to vector<16xi32>
      %mul3A_601 = arith.muli %add3A_544, %mul3A_600 : vector<16xi32>
      %add3A_602 = arith.constant 1 : i32
      %add3A_603 = vector.broadcast %add3A_602 : i32 to vector<16xi32>
      %add3A_604 = arith.addi %mul3A_601, %add3A_603 : vector<16xi32>
      tpu.vector_store_idx %arg13[%add3A_604], %exp3A_598 : memref<512xf32, #tpu.memory_space<vmem>>[vector<16xi32>], vector<16xf32>,
      %broadcast_in_dim3A_605 = arith.constant 1 : i32
      %broadcast_in_dim3A_606 = vector.broadcast %broadcast_in_dim3A_605 : i32 to vector<16xi32>
      tpu.vector_store_idx %arg10[%broadcast_in_dim3A_606, %get3A_541], %exp3A_598 {add = true} : memref<4x10240xf32, #tpu.memory_space<vmem>>[vector<16xi32>, vector<16xi32>], vector<16xf32>,
      %mul3A_607 = arith.constant 4 : i32
      %mul3A_608 = vector.broadcast %mul3A_607 : i32 to vector<16xi32>
      %mul3A_609 = arith.muli %get3A_539, %mul3A_608 : vector<16xi32>
      %add3A_610 = arith.constant 2 : i32
      %add3A_611 = vector.broadcast %add3A_610 : i32 to vector<16xi32>
      %add3A_612 = arith.addi %mul3A_609, %add3A_611 : vector<16xi32>
      %gather3A_613 = tpu.vector_load_idx %arg8[%add3A_612] : memref<40960xf32, #tpu.memory_space<vmem>>[vector<16xi32>], vector<16xf32>,
      %mul3A_614 = arith.constant 4 : i32
      %mul3A_615 = vector.broadcast %mul3A_614 : i32 to vector<16xi32>
      %mul3A_616 = arith.muli %get3A_541, %mul3A_615 : vector<16xi32>
      %add3A_617 = arith.constant 2 : i32
      %add3A_618 = vector.broadcast %add3A_617 : i32 to vector<16xi32>
      %add3A_619 = arith.addi %mul3A_616, %add3A_618 : vector<16xi32>
      %gather3A_620 = tpu.vector_load_idx %arg9[%add3A_619] : memref<40960xf32, #tpu.memory_space<vmem>>[vector<16xi32>], vector<16xf32>,
      %add3A_621 = arith.addf %gather3A_613, %gather3A_620 : vector<16xf32>
      %ge3A_622 = arith.constant 0.000000e+00 : f32
      %ge3A_623 = vector.broadcast %ge3A_622 : f32 to vector<16xf32>
      %ge3A_624 = arith.cmpf oge, %add3A_621, %ge3A_623 : vector<16xf32>
      %mul3A_625 = arith.constant 2.000000e-01 : f32
      %mul3A_626 = vector.broadcast %mul3A_625 : f32 to vector<16xf32>
      %mul3A_627 = arith.mulf %mul3A_626, %add3A_621 : vector<16xf32>
      %select_n3A_628 = arith.select %ge3A_624, %add3A_621, %mul3A_627 : vector<16xi1>, vector<16xf32>
      %exp3A_629 = math.exp %select_n3A_628 : vector<16xf32>
      %mul3A_630 = arith.constant 4 : i32
      %mul3A_631 = vector.broadcast %mul3A_630 : i32 to vector<16xi32>
      %mul3A_632 = arith.muli %add3A_544, %mul3A_631 : vector<16xi32>
      %add3A_633 = arith.constant 2 : i32
      %add3A_634 = vector.broadcast %add3A_633 : i32 to vector<16xi32>
      %add3A_635 = arith.addi %mul3A_632, %add3A_634 : vector<16xi32>
      tpu.vector_store_idx %arg13[%add3A_635], %exp3A_629 : memref<512xf32, #tpu.memory_space<vmem>>[vector<16xi32>], vector<16xf32>,
      %broadcast_in_dim3A_636 = arith.constant 2 : i32
      %broadcast_in_dim3A_637 = vector.broadcast %broadcast_in_dim3A_636 : i32 to vector<16xi32>
      tpu.vector_store_idx %arg10[%broadcast_in_dim3A_637, %get3A_541], %exp3A_629 {add = true} : memref<4x10240xf32, #tpu.memory_space<vmem>>[vector<16xi32>, vector<16xi32>], vector<16xf32>,
      %mul3A_638 = arith.constant 4 : i32
      %mul3A_639 = vector.broadcast %mul3A_638 : i32 to vector<16xi32>
      %mul3A_640 = arith.muli %get3A_539, %mul3A_639 : vector<16xi32>
      %add3A_641 = arith.constant 3 : i32
      %add3A_642 = vector.broadcast %add3A_641 : i32 to vector<16xi32>
      %add3A_643 = arith.addi %mul3A_640, %add3A_642 : vector<16xi32>
      %gather3A_644 = tpu.vector_load_idx %arg8[%add3A_643] : memref<40960xf32, #tpu.memory_space<vmem>>[vector<16xi32>], vector<16xf32>,
      %mul3A_645 = arith.constant 4 : i32
      %mul3A_646 = vector.broadcast %mul3A_645 : i32 to vector<16xi32>
      %mul3A_647 = arith.muli %get3A_541, %mul3A_646 : vector<16xi32>
      %add3A_648 = arith.constant 3 : i32
      %add3A_649 = vector.broadcast %add3A_648 : i32 to vector<16xi32>
      %add3A_650 = arith.addi %mul3A_647, %add3A_649 : vector<16xi32>
      %gather3A_651 = tpu.vector_load_idx %arg9[%add3A_650] : memref<40960xf32, #tpu.memory_space<vmem>>[vector<16xi32>], vector<16xf32>,
      %add3A_652 = arith.addf %gather3A_644, %gather3A_651 : vector<16xf32>
      %ge3A_653 = arith.constant 0.000000e+00 : f32
      %ge3A_654 = vector.broadcast %ge3A_653 : f32 to vector<16xf32>
      %ge3A_655 = arith.cmpf oge, %add3A_652, %ge3A_654 : vector<16xf32>
      %mul3A_656 = arith.constant 2.000000e-01 : f32
      %mul3A_657 = vector.broadcast %mul3A_656 : f32 to vector<16xf32>
      %mul3A_658 = arith.mulf %mul3A_657, %add3A_652 : vector<16xf32>
      %select_n3A_659 = arith.select %ge3A_655, %add3A_652, %mul3A_658 : vector<16xi1>, vector<16xf32>
      %exp3A_660 = math.exp %select_n3A_659 : vector<16xf32>
      %mul3A_661 = arith.constant 4 : i32
      %mul3A_662 = vector.broadcast %mul3A_661 : i32 to vector<16xi32>
      %mul3A_663 = arith.muli %add3A_544, %mul3A_662 : vector<16xi32>
      %add3A_664 = arith.constant 3 : i32
      %add3A_665 = vector.broadcast %add3A_664 : i32 to vector<16xi32>
      %add3A_666 = arith.addi %mul3A_663, %add3A_665 : vector<16xi32>
      tpu.vector_store_idx %arg13[%add3A_666], %exp3A_660 : memref<512xf32, #tpu.memory_space<vmem>>[vector<16xi32>], vector<16xf32>,
      %broadcast_in_dim3A_667 = arith.constant 3 : i32
      %broadcast_in_dim3A_668 = vector.broadcast %broadcast_in_dim3A_667 : i32 to vector<16xi32>
      tpu.vector_store_idx %arg10[%broadcast_in_dim3A_668, %get3A_541], %exp3A_660 {add = true} : memref<4x10240xf32, #tpu.memory_space<vmem>>[vector<16xi32>, vector<16xi32>], vector<16xf32>,
      %get3A_669 = arith.constant 80 : index
      %get3A_670 = tpu.vector_load %arg11[%get3A_669] {strides = array<i32>} : memref<128xi32, #tpu.memory_space<vmem>>, vector<16xi32>,
      %get3A_671 = arith.constant 80 : index
      %get3A_672 = tpu.vector_load %arg12[%get3A_671] {strides = array<i32>} : memref<128xi32, #tpu.memory_space<vmem>>, vector<16xi32>,
      %add3A_673 = arith.constant 80 : i32
      %add3A_674 = vector.broadcast %add3A_673 : i32 to vector<16xi32>
      %add3A_675 = arith.addi %add3A_674, %iota3A : vector<16xi32>
      %mul3A_676 = arith.constant 4 : i32
      %mul3A_677 = vector.broadcast %mul3A_676 : i32 to vector<16xi32>
      %mul3A_678 = arith.muli %get3A_670, %mul3A_677 : vector<16xi32>
      %add3A_679 = arith.constant 0 : i32
      %add3A_680 = vector.broadcast %add3A_679 : i32 to vector<16xi32>
      %add3A_681 = arith.addi %mul3A_678, %add3A_680 : vector<16xi32>
      %gather3A_682 = tpu.vector_load_idx %arg8[%add3A_681] : memref<40960xf32, #tpu.memory_space<vmem>>[vector<16xi32>], vector<16xf32>,
      %mul3A_683 = arith.constant 4 : i32
      %mul3A_684 = vector.broadcast %mul3A_683 : i32 to vector<16xi32>
      %mul3A_685 = arith.muli %get3A_672, %mul3A_684 : vector<16xi32>
      %add3A_686 = arith.constant 0 : i32
      %add3A_687 = vector.broadcast %add3A_686 : i32 to vector<16xi32>
      %add3A_688 = arith.addi %mul3A_685, %add3A_687 : vector<16xi32>
      %gather3A_689 = tpu.vector_load_idx %arg9[%add3A_688] : memref<40960xf32, #tpu.memory_space<vmem>>[vector<16xi32>], vector<16xf32>,
      %add3A_690 = arith.addf %gather3A_682, %gather3A_689 : vector<16xf32>
      %ge3A_691 = arith.constant 0.000000e+00 : f32
      %ge3A_692 = vector.broadcast %ge3A_691 : f32 to vector<16xf32>
      %ge3A_693 = arith.cmpf oge, %add3A_690, %ge3A_692 : vector<16xf32>
      %mul3A_694 = arith.constant 2.000000e-01 : f32
      %mul3A_695 = vector.broadcast %mul3A_694 : f32 to vector<16xf32>
      %mul3A_696 = arith.mulf %mul3A_695, %add3A_690 : vector<16xf32>
      %select_n3A_697 = arith.select %ge3A_693, %add3A_690, %mul3A_696 : vector<16xi1>, vector<16xf32>
      %exp3A_698 = math.exp %select_n3A_697 : vector<16xf32>
      %mul3A_699 = arith.constant 4 : i32
      %mul3A_700 = vector.broadcast %mul3A_699 : i32 to vector<16xi32>
      %mul3A_701 = arith.muli %add3A_675, %mul3A_700 : vector<16xi32>
      %add3A_702 = arith.constant 0 : i32
      %add3A_703 = vector.broadcast %add3A_702 : i32 to vector<16xi32>
      %add3A_704 = arith.addi %mul3A_701, %add3A_703 : vector<16xi32>
      tpu.vector_store_idx %arg13[%add3A_704], %exp3A_698 : memref<512xf32, #tpu.memory_space<vmem>>[vector<16xi32>], vector<16xf32>,
      %broadcast_in_dim3A_705 = arith.constant 0 : i32
      %broadcast_in_dim3A_706 = vector.broadcast %broadcast_in_dim3A_705 : i32 to vector<16xi32>
      tpu.vector_store_idx %arg10[%broadcast_in_dim3A_706, %get3A_672], %exp3A_698 {add = true} : memref<4x10240xf32, #tpu.memory_space<vmem>>[vector<16xi32>, vector<16xi32>], vector<16xf32>,
      %mul3A_707 = arith.constant 4 : i32
      %mul3A_708 = vector.broadcast %mul3A_707 : i32 to vector<16xi32>
      %mul3A_709 = arith.muli %get3A_670, %mul3A_708 : vector<16xi32>
      %add3A_710 = arith.constant 1 : i32
      %add3A_711 = vector.broadcast %add3A_710 : i32 to vector<16xi32>
      %add3A_712 = arith.addi %mul3A_709, %add3A_711 : vector<16xi32>
      %gather3A_713 = tpu.vector_load_idx %arg8[%add3A_712] : memref<40960xf32, #tpu.memory_space<vmem>>[vector<16xi32>], vector<16xf32>,
      %mul3A_714 = arith.constant 4 : i32
      %mul3A_715 = vector.broadcast %mul3A_714 : i32 to vector<16xi32>
      %mul3A_716 = arith.muli %get3A_672, %mul3A_715 : vector<16xi32>
      %add3A_717 = arith.constant 1 : i32
      %add3A_718 = vector.broadcast %add3A_717 : i32 to vector<16xi32>
      %add3A_719 = arith.addi %mul3A_716, %add3A_718 : vector<16xi32>
      %gather3A_720 = tpu.vector_load_idx %arg9[%add3A_719] : memref<40960xf32, #tpu.memory_space<vmem>>[vector<16xi32>], vector<16xf32>,
      %add3A_721 = arith.addf %gather3A_713, %gather3A_720 : vector<16xf32>
      %ge3A_722 = arith.constant 0.000000e+00 : f32
      %ge3A_723 = vector.broadcast %ge3A_722 : f32 to vector<16xf32>
      %ge3A_724 = arith.cmpf oge, %add3A_721, %ge3A_723 : vector<16xf32>
      %mul3A_725 = arith.constant 2.000000e-01 : f32
      %mul3A_726 = vector.broadcast %mul3A_725 : f32 to vector<16xf32>
      %mul3A_727 = arith.mulf %mul3A_726, %add3A_721 : vector<16xf32>
      %select_n3A_728 = arith.select %ge3A_724, %add3A_721, %mul3A_727 : vector<16xi1>, vector<16xf32>
      %exp3A_729 = math.exp %select_n3A_728 : vector<16xf32>
      %mul3A_730 = arith.constant 4 : i32
      %mul3A_731 = vector.broadcast %mul3A_730 : i32 to vector<16xi32>
      %mul3A_732 = arith.muli %add3A_675, %mul3A_731 : vector<16xi32>
      %add3A_733 = arith.constant 1 : i32
      %add3A_734 = vector.broadcast %add3A_733 : i32 to vector<16xi32>
      %add3A_735 = arith.addi %mul3A_732, %add3A_734 : vector<16xi32>
      tpu.vector_store_idx %arg13[%add3A_735], %exp3A_729 : memref<512xf32, #tpu.memory_space<vmem>>[vector<16xi32>], vector<16xf32>,
      %broadcast_in_dim3A_736 = arith.constant 1 : i32
      %broadcast_in_dim3A_737 = vector.broadcast %broadcast_in_dim3A_736 : i32 to vector<16xi32>
      tpu.vector_store_idx %arg10[%broadcast_in_dim3A_737, %get3A_672], %exp3A_729 {add = true} : memref<4x10240xf32, #tpu.memory_space<vmem>>[vector<16xi32>, vector<16xi32>], vector<16xf32>,
      %mul3A_738 = arith.constant 4 : i32
      %mul3A_739 = vector.broadcast %mul3A_738 : i32 to vector<16xi32>
      %mul3A_740 = arith.muli %get3A_670, %mul3A_739 : vector<16xi32>
      %add3A_741 = arith.constant 2 : i32
      %add3A_742 = vector.broadcast %add3A_741 : i32 to vector<16xi32>
      %add3A_743 = arith.addi %mul3A_740, %add3A_742 : vector<16xi32>
      %gather3A_744 = tpu.vector_load_idx %arg8[%add3A_743] : memref<40960xf32, #tpu.memory_space<vmem>>[vector<16xi32>], vector<16xf32>,
      %mul3A_745 = arith.constant 4 : i32
      %mul3A_746 = vector.broadcast %mul3A_745 : i32 to vector<16xi32>
      %mul3A_747 = arith.muli %get3A_672, %mul3A_746 : vector<16xi32>
      %add3A_748 = arith.constant 2 : i32
      %add3A_749 = vector.broadcast %add3A_748 : i32 to vector<16xi32>
      %add3A_750 = arith.addi %mul3A_747, %add3A_749 : vector<16xi32>
      %gather3A_751 = tpu.vector_load_idx %arg9[%add3A_750] : memref<40960xf32, #tpu.memory_space<vmem>>[vector<16xi32>], vector<16xf32>,
      %add3A_752 = arith.addf %gather3A_744, %gather3A_751 : vector<16xf32>
      %ge3A_753 = arith.constant 0.000000e+00 : f32
      %ge3A_754 = vector.broadcast %ge3A_753 : f32 to vector<16xf32>
      %ge3A_755 = arith.cmpf oge, %add3A_752, %ge3A_754 : vector<16xf32>
      %mul3A_756 = arith.constant 2.000000e-01 : f32
      %mul3A_757 = vector.broadcast %mul3A_756 : f32 to vector<16xf32>
      %mul3A_758 = arith.mulf %mul3A_757, %add3A_752 : vector<16xf32>
      %select_n3A_759 = arith.select %ge3A_755, %add3A_752, %mul3A_758 : vector<16xi1>, vector<16xf32>
      %exp3A_760 = math.exp %select_n3A_759 : vector<16xf32>
      %mul3A_761 = arith.constant 4 : i32
      %mul3A_762 = vector.broadcast %mul3A_761 : i32 to vector<16xi32>
      %mul3A_763 = arith.muli %add3A_675, %mul3A_762 : vector<16xi32>
      %add3A_764 = arith.constant 2 : i32
      %add3A_765 = vector.broadcast %add3A_764 : i32 to vector<16xi32>
      %add3A_766 = arith.addi %mul3A_763, %add3A_765 : vector<16xi32>
      tpu.vector_store_idx %arg13[%add3A_766], %exp3A_760 : memref<512xf32, #tpu.memory_space<vmem>>[vector<16xi32>], vector<16xf32>,
      %broadcast_in_dim3A_767 = arith.constant 2 : i32
      %broadcast_in_dim3A_768 = vector.broadcast %broadcast_in_dim3A_767 : i32 to vector<16xi32>
      tpu.vector_store_idx %arg10[%broadcast_in_dim3A_768, %get3A_672], %exp3A_760 {add = true} : memref<4x10240xf32, #tpu.memory_space<vmem>>[vector<16xi32>, vector<16xi32>], vector<16xf32>,
      %mul3A_769 = arith.constant 4 : i32
      %mul3A_770 = vector.broadcast %mul3A_769 : i32 to vector<16xi32>
      %mul3A_771 = arith.muli %get3A_670, %mul3A_770 : vector<16xi32>
      %add3A_772 = arith.constant 3 : i32
      %add3A_773 = vector.broadcast %add3A_772 : i32 to vector<16xi32>
      %add3A_774 = arith.addi %mul3A_771, %add3A_773 : vector<16xi32>
      %gather3A_775 = tpu.vector_load_idx %arg8[%add3A_774] : memref<40960xf32, #tpu.memory_space<vmem>>[vector<16xi32>], vector<16xf32>,
      %mul3A_776 = arith.constant 4 : i32
      %mul3A_777 = vector.broadcast %mul3A_776 : i32 to vector<16xi32>
      %mul3A_778 = arith.muli %get3A_672, %mul3A_777 : vector<16xi32>
      %add3A_779 = arith.constant 3 : i32
      %add3A_780 = vector.broadcast %add3A_779 : i32 to vector<16xi32>
      %add3A_781 = arith.addi %mul3A_778, %add3A_780 : vector<16xi32>
      %gather3A_782 = tpu.vector_load_idx %arg9[%add3A_781] : memref<40960xf32, #tpu.memory_space<vmem>>[vector<16xi32>], vector<16xf32>,
      %add3A_783 = arith.addf %gather3A_775, %gather3A_782 : vector<16xf32>
      %ge3A_784 = arith.constant 0.000000e+00 : f32
      %ge3A_785 = vector.broadcast %ge3A_784 : f32 to vector<16xf32>
      %ge3A_786 = arith.cmpf oge, %add3A_783, %ge3A_785 : vector<16xf32>
      %mul3A_787 = arith.constant 2.000000e-01 : f32
      %mul3A_788 = vector.broadcast %mul3A_787 : f32 to vector<16xf32>
      %mul3A_789 = arith.mulf %mul3A_788, %add3A_783 : vector<16xf32>
      %select_n3A_790 = arith.select %ge3A_786, %add3A_783, %mul3A_789 : vector<16xi1>, vector<16xf32>
      %exp3A_791 = math.exp %select_n3A_790 : vector<16xf32>
      %mul3A_792 = arith.constant 4 : i32
      %mul3A_793 = vector.broadcast %mul3A_792 : i32 to vector<16xi32>
      %mul3A_794 = arith.muli %add3A_675, %mul3A_793 : vector<16xi32>
      %add3A_795 = arith.constant 3 : i32
      %add3A_796 = vector.broadcast %add3A_795 : i32 to vector<16xi32>
      %add3A_797 = arith.addi %mul3A_794, %add3A_796 : vector<16xi32>
      tpu.vector_store_idx %arg13[%add3A_797], %exp3A_791 : memref<512xf32, #tpu.memory_space<vmem>>[vector<16xi32>], vector<16xf32>,
      %broadcast_in_dim3A_798 = arith.constant 3 : i32
      %broadcast_in_dim3A_799 = vector.broadcast %broadcast_in_dim3A_798 : i32 to vector<16xi32>
      tpu.vector_store_idx %arg10[%broadcast_in_dim3A_799, %get3A_672], %exp3A_791 {add = true} : memref<4x10240xf32, #tpu.memory_space<vmem>>[vector<16xi32>, vector<16xi32>], vector<16xf32>,
      %get3A_800 = arith.constant 96 : index
      %get3A_801 = tpu.vector_load %arg11[%get3A_800] {strides = array<i32>} : memref<128xi32, #tpu.memory_space<vmem>>, vector<16xi32>,
      %get3A_802 = arith.constant 96 : index
      %get3A_803 = tpu.vector_load %arg12[%get3A_802] {strides = array<i32>} : memref<128xi32, #tpu.memory_space<vmem>>, vector<16xi32>,
      %add3A_804 = arith.constant 96 : i32
      %add3A_805 = vector.broadcast %add3A_804 : i32 to vector<16xi32>
      %add3A_806 = arith.addi %add3A_805, %iota3A : vector<16xi32>
      %mul3A_807 = arith.constant 4 : i32
      %mul3A_808 = vector.broadcast %mul3A_807 : i32 to vector<16xi32>
      %mul3A_809 = arith.muli %get3A_801, %mul3A_808 : vector<16xi32>
      %add3A_810 = arith.constant 0 : i32
      %add3A_811 = vector.broadcast %add3A_810 : i32 to vector<16xi32>
      %add3A_812 = arith.addi %mul3A_809, %add3A_811 : vector<16xi32>
      %gather3A_813 = tpu.vector_load_idx %arg8[%add3A_812] : memref<40960xf32, #tpu.memory_space<vmem>>[vector<16xi32>], vector<16xf32>,
      %mul3A_814 = arith.constant 4 : i32
      %mul3A_815 = vector.broadcast %mul3A_814 : i32 to vector<16xi32>
      %mul3A_816 = arith.muli %get3A_803, %mul3A_815 : vector<16xi32>
      %add3A_817 = arith.constant 0 : i32
      %add3A_818 = vector.broadcast %add3A_817 : i32 to vector<16xi32>
      %add3A_819 = arith.addi %mul3A_816, %add3A_818 : vector<16xi32>
      %gather3A_820 = tpu.vector_load_idx %arg9[%add3A_819] : memref<40960xf32, #tpu.memory_space<vmem>>[vector<16xi32>], vector<16xf32>,
      %add3A_821 = arith.addf %gather3A_813, %gather3A_820 : vector<16xf32>
      %ge3A_822 = arith.constant 0.000000e+00 : f32
      %ge3A_823 = vector.broadcast %ge3A_822 : f32 to vector<16xf32>
      %ge3A_824 = arith.cmpf oge, %add3A_821, %ge3A_823 : vector<16xf32>
      %mul3A_825 = arith.constant 2.000000e-01 : f32
      %mul3A_826 = vector.broadcast %mul3A_825 : f32 to vector<16xf32>
      %mul3A_827 = arith.mulf %mul3A_826, %add3A_821 : vector<16xf32>
      %select_n3A_828 = arith.select %ge3A_824, %add3A_821, %mul3A_827 : vector<16xi1>, vector<16xf32>
      %exp3A_829 = math.exp %select_n3A_828 : vector<16xf32>
      %mul3A_830 = arith.constant 4 : i32
      %mul3A_831 = vector.broadcast %mul3A_830 : i32 to vector<16xi32>
      %mul3A_832 = arith.muli %add3A_806, %mul3A_831 : vector<16xi32>
      %add3A_833 = arith.constant 0 : i32
      %add3A_834 = vector.broadcast %add3A_833 : i32 to vector<16xi32>
      %add3A_835 = arith.addi %mul3A_832, %add3A_834 : vector<16xi32>
      tpu.vector_store_idx %arg13[%add3A_835], %exp3A_829 : memref<512xf32, #tpu.memory_space<vmem>>[vector<16xi32>], vector<16xf32>,
      %broadcast_in_dim3A_836 = arith.constant 0 : i32
      %broadcast_in_dim3A_837 = vector.broadcast %broadcast_in_dim3A_836 : i32 to vector<16xi32>
      tpu.vector_store_idx %arg10[%broadcast_in_dim3A_837, %get3A_803], %exp3A_829 {add = true} : memref<4x10240xf32, #tpu.memory_space<vmem>>[vector<16xi32>, vector<16xi32>], vector<16xf32>,
      %mul3A_838 = arith.constant 4 : i32
      %mul3A_839 = vector.broadcast %mul3A_838 : i32 to vector<16xi32>
      %mul3A_840 = arith.muli %get3A_801, %mul3A_839 : vector<16xi32>
      %add3A_841 = arith.constant 1 : i32
      %add3A_842 = vector.broadcast %add3A_841 : i32 to vector<16xi32>
      %add3A_843 = arith.addi %mul3A_840, %add3A_842 : vector<16xi32>
      %gather3A_844 = tpu.vector_load_idx %arg8[%add3A_843] : memref<40960xf32, #tpu.memory_space<vmem>>[vector<16xi32>], vector<16xf32>,
      %mul3A_845 = arith.constant 4 : i32
      %mul3A_846 = vector.broadcast %mul3A_845 : i32 to vector<16xi32>
      %mul3A_847 = arith.muli %get3A_803, %mul3A_846 : vector<16xi32>
      %add3A_848 = arith.constant 1 : i32
      %add3A_849 = vector.broadcast %add3A_848 : i32 to vector<16xi32>
      %add3A_850 = arith.addi %mul3A_847, %add3A_849 : vector<16xi32>
      %gather3A_851 = tpu.vector_load_idx %arg9[%add3A_850] : memref<40960xf32, #tpu.memory_space<vmem>>[vector<16xi32>], vector<16xf32>,
      %add3A_852 = arith.addf %gather3A_844, %gather3A_851 : vector<16xf32>
      %ge3A_853 = arith.constant 0.000000e+00 : f32
      %ge3A_854 = vector.broadcast %ge3A_853 : f32 to vector<16xf32>
      %ge3A_855 = arith.cmpf oge, %add3A_852, %ge3A_854 : vector<16xf32>
      %mul3A_856 = arith.constant 2.000000e-01 : f32
      %mul3A_857 = vector.broadcast %mul3A_856 : f32 to vector<16xf32>
      %mul3A_858 = arith.mulf %mul3A_857, %add3A_852 : vector<16xf32>
      %select_n3A_859 = arith.select %ge3A_855, %add3A_852, %mul3A_858 : vector<16xi1>, vector<16xf32>
      %exp3A_860 = math.exp %select_n3A_859 : vector<16xf32>
      %mul3A_861 = arith.constant 4 : i32
      %mul3A_862 = vector.broadcast %mul3A_861 : i32 to vector<16xi32>
      %mul3A_863 = arith.muli %add3A_806, %mul3A_862 : vector<16xi32>
      %add3A_864 = arith.constant 1 : i32
      %add3A_865 = vector.broadcast %add3A_864 : i32 to vector<16xi32>
      %add3A_866 = arith.addi %mul3A_863, %add3A_865 : vector<16xi32>
      tpu.vector_store_idx %arg13[%add3A_866], %exp3A_860 : memref<512xf32, #tpu.memory_space<vmem>>[vector<16xi32>], vector<16xf32>,
      %broadcast_in_dim3A_867 = arith.constant 1 : i32
      %broadcast_in_dim3A_868 = vector.broadcast %broadcast_in_dim3A_867 : i32 to vector<16xi32>
      tpu.vector_store_idx %arg10[%broadcast_in_dim3A_868, %get3A_803], %exp3A_860 {add = true} : memref<4x10240xf32, #tpu.memory_space<vmem>>[vector<16xi32>, vector<16xi32>], vector<16xf32>,
      %mul3A_869 = arith.constant 4 : i32
      %mul3A_870 = vector.broadcast %mul3A_869 : i32 to vector<16xi32>
      %mul3A_871 = arith.muli %get3A_801, %mul3A_870 : vector<16xi32>
      %add3A_872 = arith.constant 2 : i32
      %add3A_873 = vector.broadcast %add3A_872 : i32 to vector<16xi32>
      %add3A_874 = arith.addi %mul3A_871, %add3A_873 : vector<16xi32>
      %gather3A_875 = tpu.vector_load_idx %arg8[%add3A_874] : memref<40960xf32, #tpu.memory_space<vmem>>[vector<16xi32>], vector<16xf32>,
      %mul3A_876 = arith.constant 4 : i32
      %mul3A_877 = vector.broadcast %mul3A_876 : i32 to vector<16xi32>
      %mul3A_878 = arith.muli %get3A_803, %mul3A_877 : vector<16xi32>
      %add3A_879 = arith.constant 2 : i32
      %add3A_880 = vector.broadcast %add3A_879 : i32 to vector<16xi32>
      %add3A_881 = arith.addi %mul3A_878, %add3A_880 : vector<16xi32>
      %gather3A_882 = tpu.vector_load_idx %arg9[%add3A_881] : memref<40960xf32, #tpu.memory_space<vmem>>[vector<16xi32>], vector<16xf32>,
      %add3A_883 = arith.addf %gather3A_875, %gather3A_882 : vector<16xf32>
      %ge3A_884 = arith.constant 0.000000e+00 : f32
      %ge3A_885 = vector.broadcast %ge3A_884 : f32 to vector<16xf32>
      %ge3A_886 = arith.cmpf oge, %add3A_883, %ge3A_885 : vector<16xf32>
      %mul3A_887 = arith.constant 2.000000e-01 : f32
      %mul3A_888 = vector.broadcast %mul3A_887 : f32 to vector<16xf32>
      %mul3A_889 = arith.mulf %mul3A_888, %add3A_883 : vector<16xf32>
      %select_n3A_890 = arith.select %ge3A_886, %add3A_883, %mul3A_889 : vector<16xi1>, vector<16xf32>
      %exp3A_891 = math.exp %select_n3A_890 : vector<16xf32>
      %mul3A_892 = arith.constant 4 : i32
      %mul3A_893 = vector.broadcast %mul3A_892 : i32 to vector<16xi32>
      %mul3A_894 = arith.muli %add3A_806, %mul3A_893 : vector<16xi32>
      %add3A_895 = arith.constant 2 : i32
      %add3A_896 = vector.broadcast %add3A_895 : i32 to vector<16xi32>
      %add3A_897 = arith.addi %mul3A_894, %add3A_896 : vector<16xi32>
      tpu.vector_store_idx %arg13[%add3A_897], %exp3A_891 : memref<512xf32, #tpu.memory_space<vmem>>[vector<16xi32>], vector<16xf32>,
      %broadcast_in_dim3A_898 = arith.constant 2 : i32
      %broadcast_in_dim3A_899 = vector.broadcast %broadcast_in_dim3A_898 : i32 to vector<16xi32>
      tpu.vector_store_idx %arg10[%broadcast_in_dim3A_899, %get3A_803], %exp3A_891 {add = true} : memref<4x10240xf32, #tpu.memory_space<vmem>>[vector<16xi32>, vector<16xi32>], vector<16xf32>,
      %mul3A_900 = arith.constant 4 : i32
      %mul3A_901 = vector.broadcast %mul3A_900 : i32 to vector<16xi32>
      %mul3A_902 = arith.muli %get3A_801, %mul3A_901 : vector<16xi32>
      %add3A_903 = arith.constant 3 : i32
      %add3A_904 = vector.broadcast %add3A_903 : i32 to vector<16xi32>
      %add3A_905 = arith.addi %mul3A_902, %add3A_904 : vector<16xi32>
      %gather3A_906 = tpu.vector_load_idx %arg8[%add3A_905] : memref<40960xf32, #tpu.memory_space<vmem>>[vector<16xi32>], vector<16xf32>,
      %mul3A_907 = arith.constant 4 : i32
      %mul3A_908 = vector.broadcast %mul3A_907 : i32 to vector<16xi32>
      %mul3A_909 = arith.muli %get3A_803, %mul3A_908 : vector<16xi32>
      %add3A_910 = arith.constant 3 : i32
      %add3A_911 = vector.broadcast %add3A_910 : i32 to vector<16xi32>
      %add3A_912 = arith.addi %mul3A_909, %add3A_911 : vector<16xi32>
      %gather3A_913 = tpu.vector_load_idx %arg9[%add3A_912] : memref<40960xf32, #tpu.memory_space<vmem>>[vector<16xi32>], vector<16xf32>,
      %add3A_914 = arith.addf %gather3A_906, %gather3A_913 : vector<16xf32>
      %ge3A_915 = arith.constant 0.000000e+00 : f32
      %ge3A_916 = vector.broadcast %ge3A_915 : f32 to vector<16xf32>
      %ge3A_917 = arith.cmpf oge, %add3A_914, %ge3A_916 : vector<16xf32>
      %mul3A_918 = arith.constant 2.000000e-01 : f32
      %mul3A_919 = vector.broadcast %mul3A_918 : f32 to vector<16xf32>
      %mul3A_920 = arith.mulf %mul3A_919, %add3A_914 : vector<16xf32>
      %select_n3A_921 = arith.select %ge3A_917, %add3A_914, %mul3A_920 : vector<16xi1>, vector<16xf32>
      %exp3A_922 = math.exp %select_n3A_921 : vector<16xf32>
      %mul3A_923 = arith.constant 4 : i32
      %mul3A_924 = vector.broadcast %mul3A_923 : i32 to vector<16xi32>
      %mul3A_925 = arith.muli %add3A_806, %mul3A_924 : vector<16xi32>
      %add3A_926 = arith.constant 3 : i32
      %add3A_927 = vector.broadcast %add3A_926 : i32 to vector<16xi32>
      %add3A_928 = arith.addi %mul3A_925, %add3A_927 : vector<16xi32>
      tpu.vector_store_idx %arg13[%add3A_928], %exp3A_922 : memref<512xf32, #tpu.memory_space<vmem>>[vector<16xi32>], vector<16xf32>,
      %broadcast_in_dim3A_929 = arith.constant 3 : i32
      %broadcast_in_dim3A_930 = vector.broadcast %broadcast_in_dim3A_929 : i32 to vector<16xi32>
      tpu.vector_store_idx %arg10[%broadcast_in_dim3A_930, %get3A_803], %exp3A_922 {add = true} : memref<4x10240xf32, #tpu.memory_space<vmem>>[vector<16xi32>, vector<16xi32>], vector<16xf32>,
      %get3A_931 = arith.constant 112 : index
      %get3A_932 = tpu.vector_load %arg11[%get3A_931] {strides = array<i32>} : memref<128xi32, #tpu.memory_space<vmem>>, vector<16xi32>,
      %get3A_933 = arith.constant 112 : index
      %get3A_934 = tpu.vector_load %arg12[%get3A_933] {strides = array<i32>} : memref<128xi32, #tpu.memory_space<vmem>>, vector<16xi32>,
      %add3A_935 = arith.constant 112 : i32
      %add3A_936 = vector.broadcast %add3A_935 : i32 to vector<16xi32>
      %add3A_937 = arith.addi %add3A_936, %iota3A : vector<16xi32>
      %mul3A_938 = arith.constant 4 : i32
      %mul3A_939 = vector.broadcast %mul3A_938 : i32 to vector<16xi32>
      %mul3A_940 = arith.muli %get3A_932, %mul3A_939 : vector<16xi32>
      %add3A_941 = arith.constant 0 : i32
      %add3A_942 = vector.broadcast %add3A_941 : i32 to vector<16xi32>
      %add3A_943 = arith.addi %mul3A_940, %add3A_942 : vector<16xi32>
      %gather3A_944 = tpu.vector_load_idx %arg8[%add3A_943] : memref<40960xf32, #tpu.memory_space<vmem>>[vector<16xi32>], vector<16xf32>,
      %mul3A_945 = arith.constant 4 : i32
      %mul3A_946 = vector.broadcast %mul3A_945 : i32 to vector<16xi32>
      %mul3A_947 = arith.muli %get3A_934, %mul3A_946 : vector<16xi32>
      %add3A_948 = arith.constant 0 : i32
      %add3A_949 = vector.broadcast %add3A_948 : i32 to vector<16xi32>
      %add3A_950 = arith.addi %mul3A_947, %add3A_949 : vector<16xi32>
      %gather3A_951 = tpu.vector_load_idx %arg9[%add3A_950] : memref<40960xf32, #tpu.memory_space<vmem>>[vector<16xi32>], vector<16xf32>,
      %add3A_952 = arith.addf %gather3A_944, %gather3A_951 : vector<16xf32>
      %ge3A_953 = arith.constant 0.000000e+00 : f32
      %ge3A_954 = vector.broadcast %ge3A_953 : f32 to vector<16xf32>
      %ge3A_955 = arith.cmpf oge, %add3A_952, %ge3A_954 : vector<16xf32>
      %mul3A_956 = arith.constant 2.000000e-01 : f32
      %mul3A_957 = vector.broadcast %mul3A_956 : f32 to vector<16xf32>
      %mul3A_958 = arith.mulf %mul3A_957, %add3A_952 : vector<16xf32>
      %select_n3A_959 = arith.select %ge3A_955, %add3A_952, %mul3A_958 : vector<16xi1>, vector<16xf32>
      %exp3A_960 = math.exp %select_n3A_959 : vector<16xf32>
      %mul3A_961 = arith.constant 4 : i32
      %mul3A_962 = vector.broadcast %mul3A_961 : i32 to vector<16xi32>
      %mul3A_963 = arith.muli %add3A_937, %mul3A_962 : vector<16xi32>
      %add3A_964 = arith.constant 0 : i32
      %add3A_965 = vector.broadcast %add3A_964 : i32 to vector<16xi32>
      %add3A_966 = arith.addi %mul3A_963, %add3A_965 : vector<16xi32>
      tpu.vector_store_idx %arg13[%add3A_966], %exp3A_960 : memref<512xf32, #tpu.memory_space<vmem>>[vector<16xi32>], vector<16xf32>,
      %broadcast_in_dim3A_967 = arith.constant 0 : i32
      %broadcast_in_dim3A_968 = vector.broadcast %broadcast_in_dim3A_967 : i32 to vector<16xi32>
      tpu.vector_store_idx %arg10[%broadcast_in_dim3A_968, %get3A_934], %exp3A_960 {add = true} : memref<4x10240xf32, #tpu.memory_space<vmem>>[vector<16xi32>, vector<16xi32>], vector<16xf32>,
      %mul3A_969 = arith.constant 4 : i32
      %mul3A_970 = vector.broadcast %mul3A_969 : i32 to vector<16xi32>
      %mul3A_971 = arith.muli %get3A_932, %mul3A_970 : vector<16xi32>
      %add3A_972 = arith.constant 1 : i32
      %add3A_973 = vector.broadcast %add3A_972 : i32 to vector<16xi32>
      %add3A_974 = arith.addi %mul3A_971, %add3A_973 : vector<16xi32>
      %gather3A_975 = tpu.vector_load_idx %arg8[%add3A_974] : memref<40960xf32, #tpu.memory_space<vmem>>[vector<16xi32>], vector<16xf32>,
      %mul3A_976 = arith.constant 4 : i32
      %mul3A_977 = vector.broadcast %mul3A_976 : i32 to vector<16xi32>
      %mul3A_978 = arith.muli %get3A_934, %mul3A_977 : vector<16xi32>
      %add3A_979 = arith.constant 1 : i32
      %add3A_980 = vector.broadcast %add3A_979 : i32 to vector<16xi32>
      %add3A_981 = arith.addi %mul3A_978, %add3A_980 : vector<16xi32>
      %gather3A_982 = tpu.vector_load_idx %arg9[%add3A_981] : memref<40960xf32, #tpu.memory_space<vmem>>[vector<16xi32>], vector<16xf32>,
      %add3A_983 = arith.addf %gather3A_975, %gather3A_982 : vector<16xf32>
      %ge3A_984 = arith.constant 0.000000e+00 : f32
      %ge3A_985 = vector.broadcast %ge3A_984 : f32 to vector<16xf32>
      %ge3A_986 = arith.cmpf oge, %add3A_983, %ge3A_985 : vector<16xf32>
      %mul3A_987 = arith.constant 2.000000e-01 : f32
      %mul3A_988 = vector.broadcast %mul3A_987 : f32 to vector<16xf32>
      %mul3A_989 = arith.mulf %mul3A_988, %add3A_983 : vector<16xf32>
      %select_n3A_990 = arith.select %ge3A_986, %add3A_983, %mul3A_989 : vector<16xi1>, vector<16xf32>
      %exp3A_991 = math.exp %select_n3A_990 : vector<16xf32>
      %mul3A_992 = arith.constant 4 : i32
      %mul3A_993 = vector.broadcast %mul3A_992 : i32 to vector<16xi32>
      %mul3A_994 = arith.muli %add3A_937, %mul3A_993 : vector<16xi32>
      %add3A_995 = arith.constant 1 : i32
      %add3A_996 = vector.broadcast %add3A_995 : i32 to vector<16xi32>
      %add3A_997 = arith.addi %mul3A_994, %add3A_996 : vector<16xi32>
      tpu.vector_store_idx %arg13[%add3A_997], %exp3A_991 : memref<512xf32, #tpu.memory_space<vmem>>[vector<16xi32>], vector<16xf32>,
      %broadcast_in_dim3A_998 = arith.constant 1 : i32
      %broadcast_in_dim3A_999 = vector.broadcast %broadcast_in_dim3A_998 : i32 to vector<16xi32>
      tpu.vector_store_idx %arg10[%broadcast_in_dim3A_999, %get3A_934], %exp3A_991 {add = true} : memref<4x10240xf32, #tpu.memory_space<vmem>>[vector<16xi32>, vector<16xi32>], vector<16xf32>,
      %mul3A_1000 = arith.constant 4 : i32
      %mul3A_1001 = vector.broadcast %mul3A_1000 : i32 to vector<16xi32>
      %mul3A_1002 = arith.muli %get3A_932, %mul3A_1001 : vector<16xi32>
      %add3A_1003 = arith.constant 2 : i32
      %add3A_1004 = vector.broadcast %add3A_1003 : i32 to vector<16xi32>
      %add3A_1005 = arith.addi %mul3A_1002, %add3A_1004 : vector<16xi32>
      %gather3A_1006 = tpu.vector_load_idx %arg8[%add3A_1005] : memref<40960xf32, #tpu.memory_space<vmem>>[vector<16xi32>], vector<16xf32>,
      %mul3A_1007 = arith.constant 4 : i32
      %mul3A_1008 = vector.broadcast %mul3A_1007 : i32 to vector<16xi32>
      %mul3A_1009 = arith.muli %get3A_934, %mul3A_1008 : vector<16xi32>
      %add3A_1010 = arith.constant 2 : i32
      %add3A_1011 = vector.broadcast %add3A_1010 : i32 to vector<16xi32>
      %add3A_1012 = arith.addi %mul3A_1009, %add3A_1011 : vector<16xi32>
      %gather3A_1013 = tpu.vector_load_idx %arg9[%add3A_1012] : memref<40960xf32, #tpu.memory_space<vmem>>[vector<16xi32>], vector<16xf32>,
      %add3A_1014 = arith.addf %gather3A_1006, %gather3A_1013 : vector<16xf32>
      %ge3A_1015 = arith.constant 0.000000e+00 : f32
      %ge3A_1016 = vector.broadcast %ge3A_1015 : f32 to vector<16xf32>
      %ge3A_1017 = arith.cmpf oge, %add3A_1014, %ge3A_1016 : vector<16xf32>
      %mul3A_1018 = arith.constant 2.000000e-01 : f32
      %mul3A_1019 = vector.broadcast %mul3A_1018 : f32 to vector<16xf32>
      %mul3A_1020 = arith.mulf %mul3A_1019, %add3A_1014 : vector<16xf32>
      %select_n3A_1021 = arith.select %ge3A_1017, %add3A_1014, %mul3A_1020 : vector<16xi1>, vector<16xf32>
      %exp3A_1022 = math.exp %select_n3A_1021 : vector<16xf32>
      %mul3A_1023 = arith.constant 4 : i32
      %mul3A_1024 = vector.broadcast %mul3A_1023 : i32 to vector<16xi32>
      %mul3A_1025 = arith.muli %add3A_937, %mul3A_1024 : vector<16xi32>
      %add3A_1026 = arith.constant 2 : i32
      %add3A_1027 = vector.broadcast %add3A_1026 : i32 to vector<16xi32>
      %add3A_1028 = arith.addi %mul3A_1025, %add3A_1027 : vector<16xi32>
      tpu.vector_store_idx %arg13[%add3A_1028], %exp3A_1022 : memref<512xf32, #tpu.memory_space<vmem>>[vector<16xi32>], vector<16xf32>,
      %broadcast_in_dim3A_1029 = arith.constant 2 : i32
      %broadcast_in_dim3A_1030 = vector.broadcast %broadcast_in_dim3A_1029 : i32 to vector<16xi32>
      tpu.vector_store_idx %arg10[%broadcast_in_dim3A_1030, %get3A_934], %exp3A_1022 {add = true} : memref<4x10240xf32, #tpu.memory_space<vmem>>[vector<16xi32>, vector<16xi32>], vector<16xf32>,
      %mul3A_1031 = arith.constant 4 : i32
      %mul3A_1032 = vector.broadcast %mul3A_1031 : i32 to vector<16xi32>
      %mul3A_1033 = arith.muli %get3A_932, %mul3A_1032 : vector<16xi32>
      %add3A_1034 = arith.constant 3 : i32
      %add3A_1035 = vector.broadcast %add3A_1034 : i32 to vector<16xi32>
      %add3A_1036 = arith.addi %mul3A_1033, %add3A_1035 : vector<16xi32>
      %gather3A_1037 = tpu.vector_load_idx %arg8[%add3A_1036] : memref<40960xf32, #tpu.memory_space<vmem>>[vector<16xi32>], vector<16xf32>,
      %mul3A_1038 = arith.constant 4 : i32
      %mul3A_1039 = vector.broadcast %mul3A_1038 : i32 to vector<16xi32>
      %mul3A_1040 = arith.muli %get3A_934, %mul3A_1039 : vector<16xi32>
      %add3A_1041 = arith.constant 3 : i32
      %add3A_1042 = vector.broadcast %add3A_1041 : i32 to vector<16xi32>
      %add3A_1043 = arith.addi %mul3A_1040, %add3A_1042 : vector<16xi32>
      %gather3A_1044 = tpu.vector_load_idx %arg9[%add3A_1043] : memref<40960xf32, #tpu.memory_space<vmem>>[vector<16xi32>], vector<16xf32>,
      %add3A_1045 = arith.addf %gather3A_1037, %gather3A_1044 : vector<16xf32>
      %ge3A_1046 = arith.constant 0.000000e+00 : f32
      %ge3A_1047 = vector.broadcast %ge3A_1046 : f32 to vector<16xf32>
      %ge3A_1048 = arith.cmpf oge, %add3A_1045, %ge3A_1047 : vector<16xf32>
      %mul3A_1049 = arith.constant 2.000000e-01 : f32
      %mul3A_1050 = vector.broadcast %mul3A_1049 : f32 to vector<16xf32>
      %mul3A_1051 = arith.mulf %mul3A_1050, %add3A_1045 : vector<16xf32>
      %select_n3A_1052 = arith.select %ge3A_1048, %add3A_1045, %mul3A_1051 : vector<16xi1>, vector<16xf32>
      %exp3A_1053 = math.exp %select_n3A_1052 : vector<16xf32>
      %mul3A_1054 = arith.constant 4 : i32
      %mul3A_1055 = vector.broadcast %mul3A_1054 : i32 to vector<16xi32>
      %mul3A_1056 = arith.muli %add3A_937, %mul3A_1055 : vector<16xi32>
      %add3A_1057 = arith.constant 3 : i32
      %add3A_1058 = vector.broadcast %add3A_1057 : i32 to vector<16xi32>
      %add3A_1059 = arith.addi %mul3A_1056, %add3A_1058 : vector<16xi32>
      tpu.vector_store_idx %arg13[%add3A_1059], %exp3A_1053 : memref<512xf32, #tpu.memory_space<vmem>>[vector<16xi32>], vector<16xf32>,
      %broadcast_in_dim3A_1060 = arith.constant 3 : i32
      %broadcast_in_dim3A_1061 = vector.broadcast %broadcast_in_dim3A_1060 : i32 to vector<16xi32>
      tpu.vector_store_idx %arg10[%broadcast_in_dim3A_1061, %get3A_934], %exp3A_1053 {add = true} : memref<4x10240xf32, #tpu.memory_space<vmem>>[vector<16xi32>, vector<16xi32>], vector<16xf32>,
      %mul3A_1062 = arith.constant 4 : i32
      %mul3A_1063 = arith.muli %add3A_18, %mul3A_1062 : i32
      "tpu.region"() ({
        %run_scoped3A = tpu.sem_alloc : memref<!tpu.dma_semaphore, #tpu.memory_space<semaphore_mem>>
        %dma_start3A = tpu.memref_slice %arg6[%mul3A_1063] : memref<2605056xf32, #tpu.memory_space<hbm>> -> memref<512xf32, #tpu.memory_space<hbm>>
        %dma_start3A_1064 = tpu.memref_slice %arg6[%mul3A_1063] : memref<2605056xf32, #tpu.memory_space<hbm>> -> memref<512xf32, #tpu.memory_space<hbm>>
        tpu.enqueue_dma source(%arg13 : memref<512xf32, #tpu.memory_space<vmem>>) target(%dma_start3A_1064 : memref<512xf32, #tpu.memory_space<hbm>>) target_semaphore(%run_scoped3A : memref<!tpu.dma_semaphore, #tpu.memory_space<semaphore_mem>>)
        %dma_wait3A = tpu.memref_slice %arg6[%mul3A_1063] : memref<2605056xf32, #tpu.memory_space<hbm>> -> memref<512xf32, #tpu.memory_space<hbm>>
        %dma_wait3A_1065 = tpu.memref_slice %arg6[%mul3A_1063] : memref<2605056xf32, #tpu.memory_space<hbm>> -> memref<512xf32, #tpu.memory_space<hbm>>
        tpu.wait_dma2 semaphore(%run_scoped3A : memref<!tpu.dma_semaphore, #tpu.memory_space<semaphore_mem>>) src(%arg13 : memref<512xf32, #tpu.memory_space<vmem>>) dst(%dma_wait3A_1065 : memref<512xf32, #tpu.memory_space<hbm>>)
        tpu.yield
      }) : () -> ()
    }
    %scan3A_12 = arith.constant 159 : i32
    "tpu.region"() ({
      %run_scoped3A = tpu.sem_alloc : memref<!tpu.dma_semaphore, #tpu.memory_space<semaphore_mem>>
      %dma_start3A = arith.constant 0 : i32
      %dma_start3A_13 = arith.constant 0 : i32
      %dma_start3A_14 = tpu.memref_slice %arg7[%arg0, %arg1, %dma_start3A, %dma_start3A_13] : memref<2x16x4x10240xf32, #tpu.memory_space<hbm>> -> memref<1x1x4x10240xf32, #tpu.memory_space<hbm>>
      %dma_start3A_15 = tpu.memref_squeeze %dma_start3A_14 : memref<1x1x4x10240xf32, #tpu.memory_space<hbm>> -> memref<4x10240xf32, #tpu.memory_space<hbm>>
      %dma_start3A_16 = arith.constant 0 : i32
      %dma_start3A_17 = arith.constant 0 : i32
      %dma_start3A_18 = tpu.memref_slice %arg7[%arg0, %arg1, %dma_start3A_16, %dma_start3A_17] : memref<2x16x4x10240xf32, #tpu.memory_space<hbm>> -> memref<1x1x4x10240xf32, #tpu.memory_space<hbm>>
      %dma_start3A_19 = tpu.memref_squeeze %dma_start3A_18 : memref<1x1x4x10240xf32, #tpu.memory_space<hbm>> -> memref<4x10240xf32, #tpu.memory_space<hbm>>
      tpu.enqueue_dma source(%arg10 : memref<4x10240xf32, #tpu.memory_space<vmem>>) target(%dma_start3A_19 : memref<4x10240xf32, #tpu.memory_space<hbm>>) target_semaphore(%run_scoped3A : memref<!tpu.dma_semaphore, #tpu.memory_space<semaphore_mem>>)
      %dma_wait3A = arith.constant 0 : i32
      %dma_wait3A_20 = arith.constant 0 : i32
      %dma_wait3A_21 = tpu.memref_slice %arg7[%arg0, %arg1, %dma_wait3A, %dma_wait3A_20] : memref<2x16x4x10240xf32, #tpu.memory_space<hbm>> -> memref<1x1x4x10240xf32, #tpu.memory_space<hbm>>
      %dma_wait3A_22 = tpu.memref_squeeze %dma_wait3A_21 : memref<1x1x4x10240xf32, #tpu.memory_space<hbm>> -> memref<4x10240xf32, #tpu.memory_space<hbm>>
      %dma_wait3A_23 = arith.constant 0 : i32
      %dma_wait3A_24 = arith.constant 0 : i32
      %dma_wait3A_25 = tpu.memref_slice %arg7[%arg0, %arg1, %dma_wait3A_23, %dma_wait3A_24] : memref<2x16x4x10240xf32, #tpu.memory_space<hbm>> -> memref<1x1x4x10240xf32, #tpu.memory_space<hbm>>
      %dma_wait3A_26 = tpu.memref_squeeze %dma_wait3A_25 : memref<1x1x4x10240xf32, #tpu.memory_space<hbm>> -> memref<4x10240xf32, #tpu.memory_space<hbm>>
      tpu.wait_dma2 semaphore(%run_scoped3A : memref<!tpu.dma_semaphore, #tpu.memory_space<semaphore_mem>>) src(%arg10 : memref<4x10240xf32, #tpu.memory_space<vmem>>) dst(%dma_wait3A_26 : memref<4x10240xf32, #tpu.memory_space<hbm>>)
      tpu.yield
    }) : () -> ()
    return
  }
}

module attributes {stable_mosaic.version = 14 : i64} {
  func.func @_stage1_body(%arg0: i32, %arg1: memref<1024x128xf32, #tpu.memory_space<vmem>>, %arg2: memref<128x128xf32, #tpu.memory_space<vmem>>, %arg3: memref<128x16xf32, #tpu.memory_space<vmem>>, %arg4: memref<1024x128xf32, #tpu.memory_space<vmem>>, %arg5: memref<1024x16xf32, #tpu.memory_space<vmem>>) attributes {dimension_semantics = [#tpu.dimension_semantics<arbitrary>], iteration_bounds = array<i64: 10>, scalar_prefetch = 0 : i64, scratch_operands = 0 : i64, tpu.core_type = #tpu.core_type<tc>, window_params = [{transform_indices = @transform_0, window_bounds = array<i64: 1024, 128>}, {pipeline_mode = #tpu.pipeline_mode<synchronous>, transform_indices = @transform_1, window_bounds = array<i64: 128, 128>}, {pipeline_mode = #tpu.pipeline_mode<synchronous>, transform_indices = @transform_2, window_bounds = array<i64: 128, 16>}, {transform_indices = @transform_3, window_bounds = array<i64: 1024, 128>}, {transform_indices = @transform_4, window_bounds = array<i64: 1024, 16>}]} {
    %get3A = arith.constant 0 : index
    %get3A_0 = arith.constant 0 : index
    %get3A_1 = vector.load %arg1[%get3A, %get3A_0] : memref<1024x128xf32, #tpu.memory_space<vmem>>, vector<1024x128xf32>
    %get3A_2 = arith.constant 0 : index
    %get3A_3 = arith.constant 0 : index
    %get3A_4 = vector.load %arg2[%get3A_2, %get3A_3] : memref<128x128xf32, #tpu.memory_space<vmem>>, vector<128x128xf32>
    %dot_general3A = arith.constant dense<0.000000e+00> : vector<1024x128xf32>
    %dot_general3A_5 = tpu.matmul %get3A_1, %get3A_4, %dot_general3A {dimension_numbers = #tpu.dot_dimension_numbers<[1], [0], [0], [1], [0, 0, 1, 1], [], []>, transpose_lhs_hint = false} : vector<1024x128xf32>, vector<128x128xf32>, vector<1024x128xf32> -> vector<1024x128xf32>
    %swap3A = arith.constant 0 : index
    %swap3A_6 = arith.constant 0 : index
    %swap3A_7 = vector.load %arg4[%swap3A, %swap3A_6] : memref<1024x128xf32, #tpu.memory_space<vmem>>, vector<1024x128xf32>
    tpu.vector_store %arg4[%swap3A, %swap3A_6], %dot_general3A_5 {strides = array<i32>} : memref<1024x128xf32, #tpu.memory_space<vmem>>, vector<1024x128xf32>,
    %get3A_8 = arith.constant 0 : index
    %get3A_9 = arith.constant 0 : index
    %get3A_10 = vector.load %arg3[%get3A_8, %get3A_9] : memref<128x16xf32, #tpu.memory_space<vmem>>, vector<128x16xf32>
    %dot_general3A_11 = arith.constant dense<0.000000e+00> : vector<1024x16xf32>
    %dot_general3A_12 = tpu.matmul %dot_general3A_5, %get3A_10, %dot_general3A_11 {dimension_numbers = #tpu.dot_dimension_numbers<[1], [0], [0], [1], [0, 0, 1, 1], [], []>, transpose_lhs_hint = false} : vector<1024x128xf32>, vector<128x16xf32>, vector<1024x16xf32> -> vector<1024x16xf32>
    %swap3A_13 = arith.constant 0 : index
    %swap3A_14 = arith.constant 0 : index
    %swap3A_15 = vector.load %arg5[%swap3A_13, %swap3A_14] : memref<1024x16xf32, #tpu.memory_space<vmem>>, vector<1024x16xf32>
    tpu.vector_store %arg5[%swap3A_13, %swap3A_14], %dot_general3A_12 {strides = array<i32>} : memref<1024x16xf32, #tpu.memory_space<vmem>>, vector<1024x16xf32>,
    return
  }
  func.func @transform_0(%arg0: i32) -> (i32, i32) {
    %c0_i32 = arith.constant 0 : i32
    %c0_i32_0 = arith.constant 0 : i32
    return %arg0, %c0_i32 : i32, i32
  }
  func.func @transform_1(%arg0: i32) -> (i32, i32) {
    %c0_i32 = arith.constant 0 : i32
    %c0_i32_0 = arith.constant 0 : i32
    %c0_i32_1 = arith.constant 0 : i32
    return %c0_i32, %c0_i32_0 : i32, i32
  }
  func.func @transform_2(%arg0: i32) -> (i32, i32) {
    %c0_i32 = arith.constant 0 : i32
    %c0_i32_0 = arith.constant 0 : i32
    %c0_i32_1 = arith.constant 0 : i32
    return %c0_i32, %c0_i32_0 : i32, i32
  }
  func.func @transform_3(%arg0: i32) -> (i32, i32) {
    %c0_i32 = arith.constant 0 : i32
    %c0_i32_0 = arith.constant 0 : i32
    return %arg0, %c0_i32 : i32, i32
  }
  func.func @transform_4(%arg0: i32) -> (i32, i32) {
    %c0_i32 = arith.constant 0 : i32
    %c0_i32_0 = arith.constant 0 : i32
    return %arg0, %c0_i32 : i32, i32
  }
}

module attributes {stable_mosaic.version = 14 : i64} {
  func.func @_stage3_body(%arg0: i32, %arg1: memref<2x1024x128xf32, #tpu.memory_space<vmem>>, %arg2: memref<32x4x1024xf32, #tpu.memory_space<vmem>>, %arg3: memref<4x128xf32, #tpu.memory_space<vmem>>, %arg4: memref<1x128xf32, #tpu.memory_space<vmem>>, %arg5: memref<128x128xf32, #tpu.memory_space<vmem>>, %arg6: memref<1x128xf32, #tpu.memory_space<vmem>>, %arg7: memref<1024x128xf32, #tpu.memory_space<vmem>>) attributes {dimension_semantics = [#tpu.dimension_semantics<arbitrary>], iteration_bounds = array<i64: 10>, scalar_prefetch = 0 : i64, scratch_operands = 0 : i64, tpu.core_type = #tpu.core_type<tc>, window_params = [{transform_indices = @transform_0, window_bounds = array<i64: 2, 1024, 128>}, {transform_indices = @transform_1, window_bounds = array<i64: 32, 4, 1024>}, {pipeline_mode = #tpu.pipeline_mode<synchronous>, transform_indices = @transform_2, window_bounds = array<i64: 4, 128>}, {pipeline_mode = #tpu.pipeline_mode<synchronous>, transform_indices = @transform_3, window_bounds = array<i64: 1, 128>}, {pipeline_mode = #tpu.pipeline_mode<synchronous>, transform_indices = @transform_4, window_bounds = array<i64: 128, 128>}, {pipeline_mode = #tpu.pipeline_mode<synchronous>, transform_indices = @transform_5, window_bounds = array<i64: 1, 128>}, {transform_indices = @transform_6, window_bounds = array<i64: 1024, 128>}]} {
    %get3A = arith.constant 0 : index
    %get3A_0 = arith.constant 0 : index
    %get3A_1 = arith.constant 0 : index
    %get3A_2 = vector.load %arg1[%get3A, %get3A_0, %get3A_1] : memref<2x1024x128xf32, #tpu.memory_space<vmem>>, vector<1x1024x128xf32>
    %get3A_3 = vector.shape_cast %get3A_2 : vector<1x1024x128xf32> to vector<1024x128xf32>
    %get3A_4 = arith.constant 1 : index
    %get3A_5 = arith.constant 0 : index
    %get3A_6 = arith.constant 0 : index
    %get3A_7 = vector.load %arg1[%get3A_4, %get3A_5, %get3A_6] : memref<2x1024x128xf32, #tpu.memory_space<vmem>>, vector<1x1024x128xf32>
    %get3A_8 = vector.shape_cast %get3A_7 : vector<1x1024x128xf32> to vector<1024x128xf32>
    %add3A = arith.addf %get3A_3, %get3A_8 : vector<1024x128xf32>
    %get3A_9 = arith.constant 0 : index
    %get3A_10 = arith.constant 0 : index
    %get3A_11 = arith.constant 0 : index
    %get3A_12 = vector.load %arg2[%get3A_9, %get3A_10, %get3A_11] : memref<32x4x1024xf32, #tpu.memory_space<vmem>>, vector<32x4x1024xf32>
    %reduce_sum3A = arith.constant dense<0.000000e+00> : vector<4x1024xf32>
    %reduce_sum3A_13 = vector.multi_reduction <add>, %get3A_12, %reduce_sum3A [0] : vector<32x4x1024xf32> to vector<4x1024xf32>
    %get3A_14 = arith.constant 0 : index
    %get3A_15 = arith.constant 0 : index
    %get3A_16 = vector.load %arg3[%get3A_14, %get3A_15] : memref<4x128xf32, #tpu.memory_space<vmem>>, vector<4x128xf32>
    %dot_general3A = arith.constant dense<0.000000e+00> : vector<1024x128xf32>
    %dot_general3A_17 = tpu.matmul %reduce_sum3A_13, %get3A_16, %dot_general3A {dimension_numbers = #tpu.dot_dimension_numbers<[0], [0], [1], [1], [0, 1, 1, 1], [], []>, transpose_lhs_hint = false} : vector<4x1024xf32>, vector<4x128xf32>, vector<1024x128xf32> -> vector<1024x128xf32>
    %div3A = arith.divf %add3A, %dot_general3A_17 : vector<1024x128xf32>
    %get3A_18 = arith.constant 0 : index
    %get3A_19 = arith.constant 0 : index
    %get3A_20 = vector.load %arg4[%get3A_18, %get3A_19] : memref<1x128xf32, #tpu.memory_space<vmem>>, vector<1x128xf32>
    %add3A_21 = vector.broadcast %get3A_20 : vector<1x128xf32> to vector<1024x128xf32>
    %add3A_22 = arith.addf %div3A, %add3A_21 : vector<1024x128xf32>
    %gt3A = arith.constant 0.000000e+00 : f32
    %gt3A_23 = vector.broadcast %gt3A : f32 to vector<1024x128xf32>
    %gt3A_24 = arith.cmpf ogt, %add3A_22, %gt3A_23 : vector<1024x128xf32>
    %exp3A = math.exp %add3A_22 : vector<1024x128xf32>
    %sub3A = arith.constant 1.000000e+00 : f32
    %sub3A_25 = vector.broadcast %sub3A : f32 to vector<1024x128xf32>
    %sub3A_26 = arith.subf %exp3A, %sub3A_25 : vector<1024x128xf32>
    %select_n3A = arith.select %gt3A_24, %add3A_22, %sub3A_26 : vector<1024x128xi1>, vector<1024x128xf32>
    %get3A_27 = arith.constant 0 : index
    %get3A_28 = arith.constant 0 : index
    %get3A_29 = vector.load %arg5[%get3A_27, %get3A_28] : memref<128x128xf32, #tpu.memory_space<vmem>>, vector<128x128xf32>
    %dot_general3A_30 = arith.constant dense<0.000000e+00> : vector<1024x128xf32>
    %dot_general3A_31 = tpu.matmul %select_n3A, %get3A_29, %dot_general3A_30 {dimension_numbers = #tpu.dot_dimension_numbers<[1], [0], [0], [1], [0, 0, 1, 1], [], []>, transpose_lhs_hint = false} : vector<1024x128xf32>, vector<128x128xf32>, vector<1024x128xf32> -> vector<1024x128xf32>
    %get3A_32 = arith.constant 0 : index
    %get3A_33 = arith.constant 0 : index
    %get3A_34 = vector.load %arg6[%get3A_32, %get3A_33] : memref<1x128xf32, #tpu.memory_space<vmem>>, vector<1x128xf32>
    %add3A_35 = vector.broadcast %get3A_34 : vector<1x128xf32> to vector<1024x128xf32>
    %add3A_36 = arith.addf %dot_general3A_31, %add3A_35 : vector<1024x128xf32>
    %swap3A = arith.constant 0 : index
    %swap3A_37 = arith.constant 0 : index
    %swap3A_38 = vector.load %arg7[%swap3A, %swap3A_37] : memref<1024x128xf32, #tpu.memory_space<vmem>>, vector<1024x128xf32>
    tpu.vector_store %arg7[%swap3A, %swap3A_37], %add3A_36 {strides = array<i32>} : memref<1024x128xf32, #tpu.memory_space<vmem>>, vector<1024x128xf32>,
    return
  }
  func.func @transform_0(%arg0: i32) -> (i32, i32, i32) {
    %c0_i32 = arith.constant 0 : i32
    %c0_i32_0 = arith.constant 0 : i32
    %c0_i32_1 = arith.constant 0 : i32
    return %c0_i32, %arg0, %c0_i32_0 : i32, i32, i32
  }
  func.func @transform_1(%arg0: i32) -> (i32, i32, i32) {
    %c0_i32 = arith.constant 0 : i32
    %c0_i32_0 = arith.constant 0 : i32
    %c0_i32_1 = arith.constant 0 : i32
    return %c0_i32, %c0_i32_0, %arg0 : i32, i32, i32
  }
  func.func @transform_2(%arg0: i32) -> (i32, i32) {
    %c0_i32 = arith.constant 0 : i32
    %c0_i32_0 = arith.constant 0 : i32
    %c0_i32_1 = arith.constant 0 : i32
    return %c0_i32, %c0_i32_0 : i32, i32
  }
  func.func @transform_3(%arg0: i32) -> (i32, i32) {
    %c0_i32 = arith.constant 0 : i32
    %c0_i32_0 = arith.constant 0 : i32
    %c0_i32_1 = arith.constant 0 : i32
    return %c0_i32, %c0_i32_0 : i32, i32
  }
  func.func @transform_4(%arg0: i32) -> (i32, i32) {
    %c0_i32 = arith.constant 0 : i32
    %c0_i32_0 = arith.constant 0 : i32
    %c0_i32_1 = arith.constant 0 : i32
    return %c0_i32, %c0_i32_0 : i32, i32
  }
  func.func @transform_5(%arg0: i32) -> (i32, i32) {
    %c0_i32 = arith.constant 0 : i32
    %c0_i32_0 = arith.constant 0 : i32
    %c0_i32_1 = arith.constant 0 : i32
    return %c0_i32, %c0_i32_0 : i32, i32
  }
  func.func @transform_6(%arg0: i32) -> (i32, i32) {
    %c0_i32 = arith.constant 0 : i32
    %c0_i32_0 = arith.constant 0 : i32
    return %arg0, %c0_i32 : i32, i32
  }
}

</mosaic_0001>

<sc_bundles>
// kernel: kernel.6.cloned.1.call-start
scs
__scs_entry_jumppad:
0x0: {  	(pc) =	sbr.rel $0x88, $3  }
0x1: {  	(tag) =	ssettag $0x0;
	lr =	simm.s32 $0x1  }
0x2: {  	[smem:$0x3F99] =	sst lr;
	_ =	strace $0xD0000000  }
0x3: {  	_ = 	snop  }
0x4: {  	_ = 	snop  }
0x5: {  	_ = 	snop  }
0x6: {  	_ = 	snop  }
0x7: {  	_ = 	snop  }
__scs_overlays_trampoline_lowered:
0x8: {  	[smem:$0x3FA8] =	sst s0  }
0x9: {  	[smem:$0x3FA9] =	sst s1  }
0xa: {  	[smem:$0x3FAA] =	sst s2  }
0xb: {  	[smem:$0x3FAB] =	sst s3  }
0xc: {  	[smem:$0x3FAC] =	sst s4  }
0xd: {  	[smem:$0x3FAD] =	sst s5  }
0xe: {  	[smem:$0x3FAE] =	sst s6  }
0xf: {  	[smem:$0x3FAF] =	sst s7  }
0x10: {  	[smem:$0x3FB0] =	sst s8  }
0x11: {  	[smem:$0x3FB1] =	sst s9;
	s0 =	simm.s32 @!p0 $0x0  }
0x12: {  	s1 =	sld [smem:$0x3F97];
	s0 =	simm.s32 @p0 $0x1  }
0x13: {  	[smem:$0x3FB2] =	sst s0;
	s0 =	simm.s32 @!p1 $0x0  }
0x14: {  	s2 =	sld [smem:$0x3F96];
	s0 =	simm.s32 @p1 $0x1  }
0x15: {  	[smem:$0x3FB3] =	sst s0;
	s0 =	simm.s32 @!p2 $0x0  }
0x16: {  	s3 =	sld [smem:$0x3FDB];
	s0 =	simm.s32 @p2 $0x1  }
0x17: {  	s4 =	simm.s32 $0x1BF5;
	[smem:$0x3FB5] =	sst s0  }
0x18: {  	s0 =	sld [smem:$0x3F98];
	_ =	swait.ge [sflag:s4], $0x0  }
0x19: {  	s7 =	sld [smem:$0x3F99]  }
0x1a: {  	s8 =	sadd.s32 $0xFFFFE003, lr  }
0x1b: {  	s9 =	sadd.s32 $0xFFFFFEF7, lr;
	s5 =	simm.s32 $0xFFFFFFFF;
	p2 =	slt.u32 s8, $0xFFFFF086  }
0x1c: {  	p1 =	slt.u32 s9, $0xF7A;
	s5 =	simm.s32 @!p2 $0x0  }
0x1d: {  	s5 =	simm.s32 @p1 $0x1;
	p0 =	seq.s32 s7, s2  }
0x1e: {  	s7 =	smul.u32 @!p0 $0xF7A, s2;
	p2 =	seq.s32 @!p0 s5, $0x0  }
0x1f: {  	s9 =	smul.u32 $0xF7A, s1;
	s8 =	simm.s32 @!p0 $0x1BF5;
	p2 =	por !p2, p0  }
0x20: {  	[sflag:s8] =	ssyncset.s32 @!p0 $0xFFFFF086;
	s6 =	sadd.s32 @!p0 s3, s7;
	s7 =	simm.s32 @!p0 $0x108  }
0x21: {  	s3 =	sadd.s32 s3, s9;
	s6 =	sadd.s32 @!p0 $0x88, s6;
	s7 =	simm.s32 @p2 $0x1082  }
0x22: {  	[simem:s7], [sflag:s8] =	dma.local @!p0 [hbm:s6], $0xF7A  }
0x23: {  	s9 =	sor.u32 $0xD0000000, s2;
	s6 =	simm.s32 $0x108;
	_ =	swait.ge @!p0 [sflag:s8], $0x0  }
0x24: {  	s3 =	sadd.s32 $0x88, s3;
	s6 =	simm.s32 @!p1 $0x1082;
	[sflag:s4] =	ssyncset.s32 $0xFFFFF086  }
0x25: {  	[simem:s6], [sflag:s4] =	dma.local [hbm:s3], $0xF7A  }
0x26: {  	[smem:$0x3F99] =	sst s1;
	(tag) =	ssettag s2;
	_ =	strace s9  }
0x27: {  	s1 =	sld [smem:$0x3FA9]  }
0x28: {  	s2 =	sld [smem:$0x3FAA]  }
0x29: {  	s4 =	sld [smem:$0x3FAC]  }
0x2a: {  	p0 =	seq.s32 s5, $0x0;
	s5 =	sld [smem:$0x3FAD]  }
0x2b: {  	s6 =	sld [smem:$0x3FAE]  }
0x2c: {  	s7 =	sld [smem:$0x3FAF]  }
0x2d: {  	s3 =	simm.s32 $0x108;
	s8 =	sld [smem:$0x3FB0]  }
0x2e: {  	s3 =	simm.s32 @!p0 $0x1082;
	s9 =	sld [smem:$0x3FB1]  }
0x2f: {  	lr =	sadd.s32 s0, s3;
	s0 =	sld [smem:$0x3FA8]  }
0x30: {  	s3 =	sld [smem:$0x3FAB]  }
0x31: {  	[smem:$0x3FB4] =	sst s10  }
0x32: {  	s10 =	sld [smem:$0x3FB2];
	_ =	sdelay $0x3  }
0x33: {  	p0 =	seq.s32 s10, $0x1;
	s10 =	sld [smem:$0x3FB4];
	_ =	sdelay $0x3  }
0x34: {  	[smem:$0x3FB4] =	sst s10  }
0x35: {  	s10 =	sld [smem:$0x3FB3];
	_ =	sdelay $0x3  }
0x36: {  	p1 =	seq.s32 s10, $0x1;
	s10 =	sld [smem:$0x3FB4];
	_ =	sdelay $0x3  }
0x37: {  	[smem:$0x3FB4] =	sst s10  }
0x38: {  	s10 =	sld [smem:$0x3FB5]  }
0x39: {  	_ = 	snop;
	(pc) =	sbr.ind lr, $3  }
0x3a: {  	_ = 	snop  }
0x3b: {  	_ = 	snop  }
0x3c: {  	p2 =	seq.s32 s10, $0x1;
	s10 =	sld [smem:$0x3FB4]  }
0x3d: {  	_ =	shalt  }
0x3e: {  	_ =	shalt  }
0x3f: {  	_ =	shalt  }
0x40: {  	_ =	shalt  }
0x41: {  	_ =	shalt  }
0x42: {  	_ =	shalt  }
0x43: {  	_ =	shalt  }
0x44: {  	_ =	shalt  }
0x45: {  	_ =	shalt  }
0x46: {  	_ =	shalt  }
0x47: {  	_ =	shalt  }
0x48: {  	_ =	shalt  }
0x49: {  	_ =	shalt  }
0x4a: {  	_ =	shalt  }
0x4b: {  	_ =	shalt  }
0x4c: {  	_ =	shalt  }
0x4d: {  	_ =	shalt  }
0x4e: {  	_ =	shalt  }
0x4f: {  	_ =	shalt  }
0x50: {  	_ =	shalt  }
0x51: {  	_ =	shalt  }
0x52: {  	_ =	shalt  }
0x53: {  	_ =	shalt  }
0x54: {  	_ =	shalt  }
0x55: {  	_ =	shalt  }
0x56: {  	_ =	shalt  }
0x57: {  	_ =	shalt  }
0x58: {  	_ =	shalt  }
0x59: {  	_ =	shalt  }
0x5a: {  	_ =	shalt  }
0x5b: {  	_ =	shalt  }
0x5c: {  	_ =	shalt  }
0x5d: {  	_ =	shalt  }
0x5e: {  	_ =	shalt  }
0x5f: {  	_ =	shalt  }
0x60: {  	_ =	shalt  }
0x61: {  	_ =	shalt  }
0x62: {  	_ =	shalt  }
0x63: {  	_ =	shalt  }
0x64: {  	_ =	shalt  }
0x65: {  	_ =	shalt  }
0x66: {  	_ =	shalt  }
0x67: {  	_ =	shalt  }
0x68: {  	_ =	shalt  }
0x69: {  	_ =	shalt  }
0x6a: {  	_ =	shalt  }
0x6b: {  	_ =	shalt  }
0x6c: {  	_ =	shalt  }
0x6d: {  	_ =	shalt  }
0x6e: {  	_ =	shalt  }
0x6f: {  	_ =	shalt  }
0x70: {  	_ =	shalt  }
0x71: {  	_ =	shalt  }
0x72: {  	_ =	shalt  }
0x73: {  	_ =	shalt  }
0x74: {  	_ =	shalt  }
0x75: {  	_ =	shalt  }
0x76: {  	_ =	shalt  }
0x77: {  	_ =	shalt  }
0x78: {  	_ =	shalt  }
0x79: {  	_ =	shalt  }
0x7a: {  	_ =	shalt  }
0x7b: {  	_ =	shalt  }
0x7c: {  	_ =	shalt  }
0x7d: {  	_ =	shalt  }
0x7e: {  	_ =	shalt  }
0x7f: {  	_ =	shalt  }
0x80: {  	_ =	shalt  }
0x81: {  	_ =	shalt  }
0x82: {  	_ =	shalt  }
0x83: {  	_ =	shalt  }
0x84: {  	_ =	shalt  }
0x85: {  	_ =	shalt  }
0x86: {  	_ =	shalt  }
0x87: {  	_ =	shalt  }
.Lfunc_end0:
.L_simem_size_0:
called_computation_lowered:
.L_overlay_start_0:
0x88: {  	s2 =	sld [smem:$0x3FD9]  }
0x89: {  	s3 =	sld [smem:$0x3FFE];
	_ =	sdelay $0x1  }
0x8a: {  	s1 =	srdreg.scid  }
0x8b: {  	s0 =	sand.u32 $0x1, s1  }
0x8c: {  	s17 =	sshll.u32 s0, $0xA;
	s2 =	sadd.s32 s3, s2  }
0x8d: {  	s2 =	sadd.s32 s2, s17  }
0x8e: {  	[smem:$0x3FC0] =	sst s2  }
0x8f: {  	_ = 	snop  }
0x90: {  	s2 =	sld [smem:$0x3FD0];
	(tm) =	ssettm $0x1  }
0x91: {  	s18 =	sld [smem:$0x3FFB];
	_ =	sdelay $0x3  }
0x92: {  	_ =	strace s18  }
0x93: {  	s3 =	sld [smem:$0x3FFC];
	_ =	sdelay $0x3  }
0x94: {  	_ =	strace s3  }
0x95: {  	s3 =	sld [smem:$0x3FFD];
	_ =	sdelay $0x3  }
0x96: {  	_ =	strace s3  }
0x97: {  	_ =	strace $0x8FFFFFFF  }
0x98: {  	s19 =	sld [smem:$0x3FDB];
	_ =	sdelay $0x1  }
0x99: {  	s4 =	simm.s32 $_scs_section_size  }
0x9a: {  	s5 =	simm.s32 $_size__tile_overlayer_lowered;
	s6 =	simm.s32 $_tile_overlayer_lowered  }
0x9b: {  	s22 =	simm.s32 $0x1BFF;
	s21 =	sshll.u32 s6, $0x1;
	s3 =	sadd.s32 s4, s19  }
0x9c: {  	s7 =	simm.s32 $0x0;
	s20 =	sshll.u32 s5, $0x1;
	s5 =	sadd.s32 s21, s3  }
0x9d: {  	[timem:s7], [sflag:s22] =	dma.local [hbm:s5], s20  }
0x9e: {  	_ =	swait.ge [sflag:s22], s20  }
0x9f: {  	s4 =	ssub.s32 $0x0, s20;
	[sflag:s22] =	ssyncset.done $0x0  }
0xa0: {  	[sflag:s22] =	ssyncadd.s32 s4;
	_ =	sdelay $0x1  }
0xa1: {  	s23 =	simm.s32 $0x1B8B  }
0xa2: {  	_ =	swait.ge [sflag:s23], $0x1  }
0xa3: {  	[sflag:s23] =	ssyncset.done $0x0  }
0xa4: {  	s25 =	simm.s32 $0x1B8E;
	s24 =	sld [smem:$0x3FFE];
	[sflag:s23] =	ssyncadd.s32 $0xFFFFFFFF  }
0xa5: {  	s26 =	simm.s32 $execute0_lowered;
	[smem:$0x3FD2] =	sst s25  }
0xa6: {  	s5 =	sshll.u32 s26, $0x1;
	_ =	strace $0x80000046;
	[dreg:$0x1] =	wrdreg $0xFFFFFFFF  }
0xa7: {  	s28 =	simm.s32 $_size_execute0_lowered;
	s3 =	sadd.s32 s3, s5;
	[dreg:$0x0] =	wrdreg $0x0  }
0xa8: {  	s5 =	sshll.u32 s28, $0x1;
	[dreg:$0x2] =	wrdreg s3  }
0xa9: {  	[dreg:$0x3] =	wrdreg s5  }
0xaa: {  	[dreg:$0x4] =	wrdreg $0xC0  }
0xab: {  	_ =	task [dreg:s7], $0x5FFFF  }
0xac: {  	[dreg:$0x1] =	wrdreg $0xFFFFFFFF  }
0xad: {  	[dreg:$0x0] =	wrdreg $0x60  }
0xae: {  	[dreg:$0x2] =	wrdreg s24  }
0xaf: {  	[dreg:$0x3] =	wrdreg s2  }
0xb0: {  	[dreg:$0x4] =	wrdreg $0x9  }
0xb1: {  	_ =	task.clear_ibuf [dreg:s7], $0x5FFFF;
	_ =	strace $0x90000046  }
0xb2: {  	s29 =	simm.s32 $0x9;
	_ =	strace $0x80000048  }
0xb3: {  	_ =	swait.ge [sflag:s29], $0x1  }
0xb4: {  	[sflag:s29] =	ssyncadd.s32 $0xFFFFFFFF  }
0xb5: {  	_ =	strace $0x90000048  }
0xb6: {  	_ =	sfence  }
0xb7: {  	s30 =	sld [smem:$0x0];
	_ =	sdelay $0x2  }
0xb8: {  	s31 =	sshll.u32 s1, $0xD;
	s1 =	sshrl.u32 s1, $0x2  }
0xb9: {  	s3 =	sand.u32 $0x4000, s31;
	s1 =	sadd.s32 s1, s30  }
0xba: {  	s0 =	sor.u32 s3, s0;
	s1 =	sshll.u32 s1, $0x11  }
0xbb: {  	s0 =	sor.u32 s1, s0  }
0xbc: {  	s0 =	sadd.s32 $0x8F2B, s0  }
0xbd: {  	[sflag:s0] =	ssyncadd.remote.s32 $0x1  }
0xbe: {  	_ =	sfence.sel $0xFFFF  }
0xbf: {  	[dreg:$0x0] =	wrdreg $0xFFFFFFFF;
	(pc) =	sbr.abs _section_cstart, $3  }
0xc0: {  	[dreg:$0x1] =	wrdreg $0xFFFFFFFF  }
0xc1: {  	_ =	task.clear_ibuf [dreg:s7], $0x2FFFF;
	_ =	strace $0x9FFFFFFF  }
0xc2: {  	(tm) =	ssettm $0x7FFFFFFF  }
0xc3: {  	_ =	shalt  }
tec
execute0_lowered:
.L_overlay_start_1:
0x0: {  	(tag) =	ssettag $0x1  }
0x1: {  	v0 =	vlaneseq.u32  }
0x2: {  	s5 =	rddreg [dreg:$0x0];
	s1 =	srdreg.scid;
	v0 =	vmul.u32 $0x4, v0  }
0x3: {  	s0 =	stileid.u32;
	s9 =	rddreg [dreg:$0x1];
	s2 =	simm.s32 $0x0  }
0x4: {  	v1 =	vimm.f32 $0.0e+00;
	s13 =	simm.s32 $0x1E080;
	s14 =	simm.s32 $0x1E100;
	s3 =	smul.u32 $0x9F00, s0;
	v2 =	vor.u32 $0x1, v0  }
0x5: {  	s15 =	simm.s32 $0x14000;
	s6 =	sand.u32 $0x1, s1;
	s10 =	smul.u32 $0xA000, s0;
	v3 =	vor.u32 $0x2, v0;
	v4 =	vor.u32 $0x3, v0;
	v5 =	vor.u32 $0x40, v0  }
0x6: {  	s16 =	simm.s32 $0x0;
	s1 =	rddreg [dreg:$0x2];
	s4 =	smul.u32 $0x4F80, s6;
	v6 =	vor.u32 $0x41, v0;
	v7 =	vor.u32 $0x42, v0;
	v8 =	vor.u32 $0x43, v0  }
0x7: {  	[smem:$0x7FF] =	sst s2;
	s7 =	smul.u32 $0xA0000, s6;
	s6 =	ssub.s32 $0x2, s6;
	v9 =	vor.u32 $0x80, v0;
	v10 =	vor.u32 $0x81, v0;
	v11 =	vor.u32 $0x82, v0  }
0x8: {  	_ =	strace $0x80000047;
	v12 =	vor.u32 $0x83, v0;
	v13 =	vor.u32 $0xC0, v0;
	v14 =	vor.u32 $0xC1, v0;
	s31 =	sshrl.u32 s6, $0x1;
	s8 =	sadd.s32 s4, s3  }
0x9: {  	v15 =	vor.u32 $0xC2, v0;
	v16 =	vor.u32 $0xC3, v0;
	v17 =	vor.u32 $0x100, v0;
	s3 =	sadd.s32 $0x3FA00, s5;
	s4 =	sadd.s32 $0x3E600, s5;
	s7 =	sadd.s32 s10, s7  }
0xa: {  	v18 =	vor.u32 $0x101, v0;
	v19 =	vor.u32 $0x102, v0;
	v20 =	vor.u32 $0x103, v0;
	s6 =	ssub.s32 s6, s31;
	s10 =	simm.s32 $0x1;
	s11 =	sshrl.u32 s8, $0x3  }
0xb: {  	v21 =	vor.u32 $0x140, v0;
	v22 =	vor.u32 $0x141, v0;
	v23 =	vor.u32 $0x142, v0;
	s8 =	sshrl.u32 s8, $0x1;
	s7 =	sshrl.u32 s7, $0x3;
	s6 =	smax.u32 s6, $0x1  }
0xc: {  	v24 =	vor.u32 $0x143, v0;
	v25 =	vor.u32 $0x180, v0;
	v26 =	vor.u32 $0x181, v0;
	s12 =	sadd.s32 s11, s5;
	s8 =	sadd.s32 s8, s5;
	s5 =	sadd.s32 s7, s5  }
0xd: {  	v27 =	vor.u32 $0x182, v0;
	v28 =	vor.u32 $0x183, v0;
	v29 =	vor.u32 $0x1C0, v0;
	s9 =	sadd.s32 s11, s9;
	s11 =	simm.s32 $0xA000;
	s5 =	sadd.s32 $0x90600, s5  }
0xe: {  	v30 =	vor.u32 $0x1C1, v0;
	v31 =	vor.u32 $0x1C2, v0;
	v32 =	vor.u32 $0x1C3, v0;
	s7 =	sadd.s32 $0x40E00, s8;
	s8 =	sadd.s32 $0x2800, s12;
	s12 =	simm.s32 $0x1E000  }
.LBB2_1:
0xf: {  	[tilespmem:s2], [sflag:$0x1] =	stream.linear.gather [hbm4b:s3+s2], $0xA000, $0x38;
	[tilespmem:$0x1E300] =	vst v63  }
0x10: {  	_ =	swait.ge [sflag:s10], $0xA000  }
0x11: {  	[sflag:s10] =	ssyncset.done $0x0  }
0x12: {  	[sflag:s10] =	ssyncadd.s32 $0xFFFF6000  }
0x13: {  	[tilespmem:s11], [sflag:$0x1] =	stream.linear.gather [hbm4b:s4+s2], $0xA000, $0x38;
	[tilespmem:$0x1E300] =	vst v63  }
0x14: {  	_ =	swait.ge [sflag:s10], $0xA000  }
0x15: {  	s17 =	sand.u32 $0x70, s2;
	s18 =	sand.u32 $0xFE00, s2;
	[sflag:s10] =	ssyncset.done $0x0  }
0x16: {  	s17 =	sor.u32 s17, s18;
	[sflag:s10] =	ssyncadd.s32 $0xFFFF6000  }
0x17: {  	s19 =	sadd.s32 $0x14000, s17;
	[tilespmem:s17+$0x14000] =	vst v1  }
0x18: {  	[tilespmem:s19+$0x180] =	vst v1  }
0x19: {  	s18 =	simm.s32 $0x0;
	s17 =	simm.s32 $0x10;
	[tilespmem:s19+$0x80] =	vst v1  }
.LBB2_2:
0x1a: {  	s20 =	sand.u32 $0x70, s17;
	[tilespmem:s19+$0x100] =	vst v1;
	s18 =	sadd.s32 $0x40, s18;
	p0 =	sne.s32 s17, $0x27F0  }
.Ltmp0:
0x1b: {  	s17 =	sadd.s32 $0x10, s17;
	s19 =	sand.u32 $0xFE00, s18;
	(pc) =	sbr.rel @p0 .LBB2_2-.Ltmp0, $4  }
0x1c: {  	s20 =	sor.u32 s20, s19  }
0x1d: {  	s19 =	sadd.s32 $0x14000, s20;
	[tilespmem:s20+$0x14000] =	vst v1  }
0x1e: {  	[tilespmem:s19+$0x180] =	vst v1  }
0x1f: {  	[tilespmem:s19+$0x80] =	vst v1  }
0x20: {  	[tilespmem:s19+$0x100] =	vst v1;
	s17 =	simm.s32 $0x0;
	s18 =	smov.u32 s7  }
.LBB2_4:
0x21: {  	s19 =	sadd.s32 s17, s9  }
0x22: {  	[tilespmem:s12], [sflag:$0x1] =	stream.linear.gather [hbm4b:s19+s2], $0x80, $0x38;
	[tilespmem:$0x1E300] =	vst v63  }
0x23: {  	_ =	swait.ge [sflag:s10], $0x80  }
0x24: {  	[sflag:s10] =	ssyncset.done $0x0  }
0x25: {  	s31 =	sadd.s32 s17, s8;
	[sflag:s10] =	ssyncadd.s32 $0xFFFFFF80  }
0x26: {  	[tilespmem:s13], [sflag:$0x1] =	stream.linear.gather [hbm4b:s31+s2], $0x80, $0x38;
	[tilespmem:$0x1E300] =	vst v63  }
0x27: {  	_ =	swait.ge [sflag:s10], $0x80  }
0x28: {  	[sflag:s10] =	ssyncset.done $0x0  }
0x29: {  	[sflag:s10] =	ssyncadd.s32 $0xFFFFFF80  }
0x2a: {  	v33 =	vld [tilespmem:$0x1E000]  }
0x2b: {  	v34 =	vld [tilespmem:$0x1E080];
	_ =	sdelay $0x3  }
0x2c: {  	v33 =	vshll.u32 v33, $0x2  }
0x2d: {  	v35 =	vshll.u32 v34, $0x2;
	_ =	sdelay $0x3  }
0x2e: {  	v36 =	vld.idx.msk [tilespmem:v33+s2+$0x0], $0xffff  }
0x2f: {  	v37 =	vld.idx.msk [tilespmem:v35+s11+$0x0], $0xffff;
	_ =	sdelay $0x4  }
0x30: {  	v36 =	vadd.f32 v37, v36;
	_ =	sdelay $0x1  }
0x31: {  	v37 =	vmul.f32 $2.000000030e-01, v36  }
0x32: {  	vm0 =	vge.f32 v36, $0.0e+00  }
0x33: {  	v36 =	vsel vm0, v36, v37  }
0x34: {  	v36 =	vmul.f32 $1.442695020e+00, v36;
	_ =	sdelay $0x1  }
0x35: {  	(erf) = vpow2.f32 v36;
	_ =	sdelay $0x4  }
0x36: {  	v34 =	vand.u32 $0x7F, v34;
	v46 =	vand.u32 $0xFFFFFE00, v35  }
0x37: {  	v34 =	vor.u32 v34, v46  }
0x38: {  	v47 =	vor.u32 $0x1, v33  }
0x39: {  	v48 =	vor.u32 $0x1, v35  }
0x3a: {  	v38 =	vpop (erf)  }
0x3b: {  	[tilespmem:v0+s14+$0x0] =	vst.idx.msk $0xffff, v38  }
0x3c: {  	[tilespmem:v34+s15+$0x0] =	vst.idx.add.f32.msk $0xffff, v38  }
0x3d: {  	v36 =	vld.idx.msk [tilespmem:v47+s2+$0x0], $0xffff  }
0x3e: {  	v37 =	vld.idx.msk [tilespmem:v48+s11+$0x0], $0xffff;
	_ =	sdelay $0x4  }
0x3f: {  	v36 =	vadd.f32 v37, v36;
	_ =	sdelay $0x1  }
0x40: {  	v37 =	vmul.f32 $2.000000030e-01, v36  }
0x41: {  	vm9 =	vge.f32 v36, $0.0e+00  }
0x42: {  	v36 =	vsel vm9, v36, v37  }
0x43: {  	v36 =	vmul.f32 $1.442695020e+00, v36;
	_ =	sdelay $0x1  }
0x44: {  	(erf) = vpow2.f32 v36;
	_ =	sdelay $0x5  }
0x45: {  	v49 =	vor.u32 $0x80, v34  }
0x46: {  	v50 =	vor.u32 $0x2, v33  }
0x47: {  	v51 =	vor.u32 $0x2, v35  }
0x48: {  	v39 =	vpop (erf)  }
0x49: {  	[tilespmem:v2+s14+$0x0] =	vst.idx.msk $0xffff, v39  }
0x4a: {  	[tilespmem:v49+s15+$0x0] =	vst.idx.add.f32.msk $0xffff, v39  }
0x4b: {  	v36 =	vld.idx.msk [tilespmem:v50+s2+$0x0], $0xffff  }
0x4c: {  	v52 =	vld.idx.msk [tilespmem:v51+s11+$0x0], $0xffff;
	_ =	sdelay $0x4  }
0x4d: {  	v36 =	vadd.f32 v52, v36;
	_ =	sdelay $0x1  }
0x4e: {  	v37 =	vmul.f32 $2.000000030e-01, v36  }
0x4f: {  	vm10 =	vge.f32 v36, $0.0e+00  }
0x50: {  	v36 =	vsel vm10, v36, v37  }
0x51: {  	v36 =	vmul.f32 $1.442695020e+00, v36;
	_ =	sdelay $0x1  }
0x52: {  	(erf) = vpow2.f32 v36;
	_ =	sdelay $0x5  }
0x53: {  	v53 =	vor.u32 $0x100, v34  }
0x54: {  	v33 =	vor.u32 $0x3, v33  }
0x55: {  	v35 =	vor.u32 $0x3, v35  }
0x56: {  	v54 =	vpop (erf)  }
0x57: {  	[tilespmem:v3+s14+$0x0] =	vst.idx.msk $0xffff, v54  }
0x58: {  	[tilespmem:v53+s15+$0x0] =	vst.idx.add.f32.msk $0xffff, v54  }
0x59: {  	v33 =	vld.idx.msk [tilespmem:v33+s2+$0x0], $0xffff  }
0x5a: {  	v35 =	vld.idx.msk [tilespmem:v35+s11+$0x0], $0xffff;
	_ =	sdelay $0x4  }
0x5b: {  	v33 =	vadd.f32 v35, v33;
	_ =	sdelay $0x1  }
0x5c: {  	v35 =	vmul.f32 $2.000000030e-01, v33  }
0x5d: {  	vm11 =	vge.f32 v33, $0.0e+00  }
0x5e: {  	v33 =	vsel vm11, v33, v35  }
0x5f: {  	v33 =	vmul.f32 $1.442695020e+00, v33;
	_ =	sdelay $0x1  }
0x60: {  	(erf) = vpow2.f32 v33;
	_ =	sdelay $0x5  }
0x61: {  	v55 =	vor.u32 $0x180, v34;
	_ =	sdelay $0x2  }
0x62: {  	v56 =	vpop (erf)  }
0x63: {  	[tilespmem:v4+s14+$0x0] =	vst.idx.msk $0xffff, v56  }
0x64: {  	[tilespmem:v55+s15+$0x0] =	vst.idx.add.f32.msk $0xffff, v56  }
0x65: {  	v33 =	vld [tilespmem:$0x1E010]  }
0x66: {  	v34 =	vld [tilespmem:$0x1E090];
	_ =	sdelay $0x3  }
0x67: {  	v33 =	vshll.u32 v33, $0x2  }
0x68: {  	v57 =	vshll.u32 v34, $0x2;
	_ =	sdelay $0x3  }
0x69: {  	v36 =	vld.idx.msk [tilespmem:v33+s2+$0x0], $0xffff  }
0x6a: {  	v37 =	vld.idx.msk [tilespmem:v57+s11+$0x0], $0xffff;
	_ =	sdelay $0x4  }
0x6b: {  	v36 =	vadd.f32 v37, v36;
	_ =	sdelay $0x1  }
0x6c: {  	v37 =	vmul.f32 $2.000000030e-01, v36  }
0x6d: {  	vm12 =	vge.f32 v36, $0.0e+00  }
0x6e: {  	v36 =	vsel vm12, v36, v37  }
0x6f: {  	v36 =	vmul.f32 $1.442695020e+00, v36;
	_ =	sdelay $0x1  }
0x70: {  	(erf) = vpow2.f32 v36;
	_ =	sdelay $0x4  }
0x71: {  	v34 =	vand.u32 $0x7F, v34;
	v58 =	vand.u32 $0xFFFFFE00, v57  }
0x72: {  	v34 =	vor.u32 v34, v58  }
0x73: {  	v59 =	vor.u32 $0x1, v33  }
0x74: {  	v60 =	vor.u32 $0x1, v57  }
0x75: {  	v61 =	vpop (erf)  }
0x76: {  	[tilespmem:v5+s14+$0x0] =	vst.idx.msk $0xffff, v61  }
0x77: {  	[tilespmem:v34+s15+$0x0] =	vst.idx.add.f32.msk $0xffff, v61  }
0x78: {  	v36 =	vld.idx.msk [tilespmem:v59+s2+$0x0], $0xffff  }
0x79: {  	v37 =	vld.idx.msk [tilespmem:v60+s11+$0x0], $0xffff;
	_ =	sdelay $0x4  }
0x7a: {  	v36 =	vadd.f32 v37, v36;
	_ =	sdelay $0x1  }
0x7b: {  	v37 =	vmul.f32 $2.000000030e-01, v36  }
0x7c: {  	vm13 =	vge.f32 v36, $0.0e+00  }
0x7d: {  	v36 =	vsel vm13, v36, v37  }
0x7e: {  	v36 =	vmul.f32 $1.442695020e+00, v36;
	_ =	sdelay $0x1  }
0x7f: {  	(erf) = vpow2.f32 v36;
	_ =	sdelay $0x5  }
0x80: {  	v62 =	vor.u32 $0x80, v34  }
0x81: {  	v63 =	vor.u32 $0x2, v33  }
0x82: {  	v42 =	vor.u32 $0x2, v57  }
0x83: {  	v43 =	vpop (erf)  }
0x84: {  	[tilespmem:v6+s14+$0x0] =	vst.idx.msk $0xffff, v43  }
0x85: {  	[tilespmem:v62+s15+$0x0] =	vst.idx.add.f32.msk $0xffff, v43  }
0x86: {  	v36 =	vld.idx.msk [tilespmem:v63+s2+$0x0], $0xffff  }
0x87: {  	v44 =	vld.idx.msk [tilespmem:v42+s11+$0x0], $0xffff;
	_ =	sdelay $0x4  }
0x88: {  	v36 =	vadd.f32 v44, v36;
	_ =	sdelay $0x1  }
0x89: {  	v37 =	vmul.f32 $2.000000030e-01, v36  }
0x8a: {  	vm14 =	vge.f32 v36, $0.0e+00  }
0x8b: {  	v36 =	vsel vm14, v36, v37  }
0x8c: {  	v36 =	vmul.f32 $1.442695020e+00, v36;
	_ =	sdelay $0x1  }
0x8d: {  	(erf) = vpow2.f32 v36;
	_ =	sdelay $0x5  }
0x8e: {  	v45 =	vor.u32 $0x100, v34  }
0x8f: {  	v33 =	vor.u32 $0x3, v33  }
0x90: {  	v35 =	vor.u32 $0x3, v57  }
0x91: {  	v46 =	vpop (erf)  }
0x92: {  	[tilespmem:v7+s14+$0x0] =	vst.idx.msk $0xffff, v46  }
0x93: {  	[tilespmem:v45+s15+$0x0] =	vst.idx.add.f32.msk $0xffff, v46  }
0x94: {  	v33 =	vld.idx.msk [tilespmem:v33+s2+$0x0], $0xffff  }
0x95: {  	v35 =	vld.idx.msk [tilespmem:v35+s11+$0x0], $0xffff;
	_ =	sdelay $0x4  }
0x96: {  	v33 =	vadd.f32 v35, v33;
	_ =	sdelay $0x1  }
0x97: {  	v35 =	vmul.f32 $2.000000030e-01, v33  }
0x98: {  	vm15 =	vge.f32 v33, $0.0e+00  }
0x99: {  	v33 =	vsel vm15, v33, v35  }
0x9a: {  	v33 =	vmul.f32 $1.442695020e+00, v33;
	_ =	sdelay $0x1  }
0x9b: {  	(erf) = vpow2.f32 v33;
	_ =	sdelay $0x5  }
0x9c: {  	v47 =	vor.u32 $0x180, v34;
	_ =	sdelay $0x2  }
0x9d: {  	v48 =	vpop (erf)  }
0x9e: {  	[tilespmem:v8+s14+$0x0] =	vst.idx.msk $0xffff, v48  }
0x9f: {  	[tilespmem:v47+s15+$0x0] =	vst.idx.add.f32.msk $0xffff, v48  }
0xa0: {  	v33 =	vld [tilespmem:$0x1E020]  }
0xa1: {  	v34 =	vld [tilespmem:$0x1E0A0];
	_ =	sdelay $0x3  }
0xa2: {  	v33 =	vshll.u32 v33, $0x2  }
0xa3: {  	v49 =	vshll.u32 v34, $0x2;
	_ =	sdelay $0x3  }
0xa4: {  	v36 =	vld.idx.msk [tilespmem:v33+s2+$0x0], $0xffff  }
0xa5: {  	v37 =	vld.idx.msk [tilespmem:v49+s11+$0x0], $0xffff;
	_ =	sdelay $0x4  }
0xa6: {  	v36 =	vadd.f32 v37, v36;
	_ =	sdelay $0x1  }
0xa7: {  	v37 =	vmul.f32 $2.000000030e-01, v36  }
0xa8: {  	vm4 =	vge.f32 v36, $0.0e+00  }
0xa9: {  	v36 =	vsel vm4, v36, v37  }
0xaa: {  	v36 =	vmul.f32 $1.442695020e+00, v36;
	_ =	sdelay $0x1  }
0xab: {  	(erf) = vpow2.f32 v36;
	_ =	sdelay $0x4  }
0xac: {  	v34 =	vand.u32 $0x7F, v34;
	v50 =	vand.u32 $0xFFFFFE00, v49  }
0xad: {  	v34 =	vor.u32 v34, v50  }
0xae: {  	v51 =	vor.u32 $0x1, v33  }
0xaf: {  	v52 =	vor.u32 $0x1, v49  }
0xb0: {  	v53 =	vpop (erf)  }
0xb1: {  	[tilespmem:v9+s14+$0x0] =	vst.idx.msk $0xffff, v53  }
0xb2: {  	[tilespmem:v34+s15+$0x0] =	vst.idx.add.f32.msk $0xffff, v53  }
0xb3: {  	v36 =	vld.idx.msk [tilespmem:v51+s2+$0x0], $0xffff  }
0xb4: {  	v37 =	vld.idx.msk [tilespmem:v52+s11+$0x0], $0xffff;
	_ =	sdelay $0x4  }
0xb5: {  	v36 =	vadd.f32 v37, v36;
	_ =	sdelay $0x1  }
0xb6: {  	v37 =	vmul.f32 $2.000000030e-01, v36  }
0xb7: {  	vm5 =	vge.f32 v36, $0.0e+00  }
0xb8: {  	v36 =	vsel vm5, v36, v37  }
0xb9: {  	v36 =	vmul.f32 $1.442695020e+00, v36;
	_ =	sdelay $0x1  }
0xba: {  	(erf) = vpow2.f32 v36;
	_ =	sdelay $0x5  }
0xbb: {  	v54 =	vor.u32 $0x80, v34  }
0xbc: {  	v55 =	vor.u32 $0x2, v33  }
0xbd: {  	v56 =	vor.u32 $0x2, v49  }
0xbe: {  	v57 =	vpop (erf)  }
0xbf: {  	[tilespmem:v10+s14+$0x0] =	vst.idx.msk $0xffff, v57  }
0xc0: {  	[tilespmem:v54+s15+$0x0] =	vst.idx.add.f32.msk $0xffff, v57  }
0xc1: {  	v36 =	vld.idx.msk [tilespmem:v55+s2+$0x0], $0xffff  }
0xc2: {  	v58 =	vld.idx.msk [tilespmem:v56+s11+$0x0], $0xffff;
	_ =	sdelay $0x4  }
0xc3: {  	v36 =	vadd.f32 v58, v36;
	_ =	sdelay $0x1  }
0xc4: {  	v37 =	vmul.f32 $2.000000030e-01, v36  }
0xc5: {  	vm6 =	vge.f32 v36, $0.0e+00  }
0xc6: {  	v36 =	vsel vm6, v36, v37  }
0xc7: {  	v36 =	vmul.f32 $1.442695020e+00, v36;
	_ =	sdelay $0x1  }
0xc8: {  	(erf) = vpow2.f32 v36;
	_ =	sdelay $0x5  }
0xc9: {  	v59 =	vor.u32 $0x100, v34  }
0xca: {  	v33 =	vor.u32 $0x3, v33  }
0xcb: {  	v35 =	vor.u32 $0x3, v49  }
0xcc: {  	v60 =	vpop (erf)  }
0xcd: {  	[tilespmem:v11+s14+$0x0] =	vst.idx.msk $0xffff, v60  }
0xce: {  	[tilespmem:v59+s15+$0x0] =	vst.idx.add.f32.msk $0xffff, v60  }
0xcf: {  	v33 =	vld.idx.msk [tilespmem:v33+s2+$0x0], $0xffff  }
0xd0: {  	v35 =	vld.idx.msk [tilespmem:v35+s11+$0x0], $0xffff;
	_ =	sdelay $0x4  }
0xd1: {  	v33 =	vadd.f32 v35, v33;
	_ =	sdelay $0x1  }
0xd2: {  	v35 =	vmul.f32 $2.000000030e-01, v33  }
0xd3: {  	vm7 =	vge.f32 v33, $0.0e+00  }
0xd4: {  	v33 =	vsel vm7, v33, v35  }
0xd5: {  	v33 =	vmul.f32 $1.442695020e+00, v33;
	_ =	sdelay $0x1  }
0xd6: {  	(erf) = vpow2.f32 v33;
	_ =	sdelay $0x5  }
0xd7: {  	v61 =	vor.u32 $0x180, v34;
	_ =	sdelay $0x2  }
0xd8: {  	v62 =	vpop (erf)  }
0xd9: {  	[tilespmem:v12+s14+$0x0] =	vst.idx.msk $0xffff, v62  }
0xda: {  	[tilespmem:v61+s15+$0x0] =	vst.idx.add.f32.msk $0xffff, v62  }
0xdb: {  	v33 =	vld [tilespmem:$0x1E030]  }
0xdc: {  	v34 =	vld [tilespmem:$0x1E0B0];
	_ =	sdelay $0x3  }
0xdd: {  	v33 =	vshll.u32 v33, $0x2  }
0xde: {  	v63 =	vshll.u32 v34, $0x2;
	_ =	sdelay $0x3  }
0xdf: {  	v36 =	vld.idx.msk [tilespmem:v33+s2+$0x0], $0xffff  }
0xe0: {  	v37 =	vld.idx.msk [tilespmem:v63+s11+$0x0], $0xffff;
	_ =	sdelay $0x4  }
0xe1: {  	v36 =	vadd.f32 v37, v36;
	_ =	sdelay $0x1  }
0xe2: {  	v37 =	vmul.f32 $2.000000030e-01, v36  }
0xe3: {  	vm8 =	vge.f32 v36, $0.0e+00  }
0xe4: {  	v36 =	vsel vm8, v36, v37  }
0xe5: {  	v36 =	vmul.f32 $1.442695020e+00, v36;
	_ =	sdelay $0x1  }
0xe6: {  	(erf) = vpow2.f32 v36;
	_ =	sdelay $0x4  }
0xe7: {  	v34 =	vand.u32 $0x7F, v34;
	v41 =	vand.u32 $0xFFFFFE00, v63  }
0xe8: {  	v34 =	vor.u32 v34, v41  }
0xe9: {  	v42 =	vor.u32 $0x1, v33  }
0xea: {  	v43 =	vor.u32 $0x1, v63  }
0xeb: {  	v44 =	vpop (erf)  }
0xec: {  	[tilespmem:v13+s14+$0x0] =	vst.idx.msk $0xffff, v44  }
0xed: {  	[tilespmem:v34+s15+$0x0] =	vst.idx.add.f32.msk $0xffff, v44  }
0xee: {  	v36 =	vld.idx.msk [tilespmem:v42+s2+$0x0], $0xffff  }
0xef: {  	v37 =	vld.idx.msk [tilespmem:v43+s11+$0x0], $0xffff;
	_ =	sdelay $0x4  }
0xf0: {  	v36 =	vadd.f32 v37, v36;
	_ =	sdelay $0x1  }
0xf1: {  	v37 =	vmul.f32 $2.000000030e-01, v36  }
0xf2: {  	vm9 =	vge.f32 v36, $0.0e+00  }
0xf3: {  	v36 =	vsel vm9, v36, v37  }
0xf4: {  	v36 =	vmul.f32 $1.442695020e+00, v36;
	_ =	sdelay $0x1  }
0xf5: {  	(erf) = vpow2.f32 v36;
	_ =	sdelay $0x5  }
0xf6: {  	v45 =	vor.u32 $0x80, v34  }
0xf7: {  	v46 =	vor.u32 $0x2, v33  }
0xf8: {  	v47 =	vor.u32 $0x2, v63  }
0xf9: {  	v48 =	vpop (erf)  }
0xfa: {  	[tilespmem:v14+s14+$0x0] =	vst.idx.msk $0xffff, v48  }
0xfb: {  	[tilespmem:v45+s15+$0x0] =	vst.idx.add.f32.msk $0xffff, v48  }
0xfc: {  	v36 =	vld.idx.msk [tilespmem:v46+s2+$0x0], $0xffff  }
0xfd: {  	v49 =	vld.idx.msk [tilespmem:v47+s11+$0x0], $0xffff;
	_ =	sdelay $0x4  }
0xfe: {  	v36 =	vadd.f32 v49, v36;
	_ =	sdelay $0x1  }
0xff: {  	v37 =	vmul.f32 $2.000000030e-01, v36  }
0x100: {  	vm10 =	vge.f32 v36, $0.0e+00  }
0x101: {  	v36 =	vsel vm10, v36, v37  }
0x102: {  	v36 =	vmul.f32 $1.442695020e+00, v36;
	_ =	sdelay $0x1  }
0x103: {  	(erf) = vpow2.f32 v36;
	_ =	sdelay $0x5  }
0x104: {  	v50 =	vor.u32 $0x100, v34  }
0x105: {  	v33 =	vor.u32 $0x3, v33  }
0x106: {  	v35 =	vor.u32 $0x3, v63  }
0x107: {  	v51 =	vpop (erf)  }
0x108: {  	[tilespmem:v15+s14+$0x0] =	vst.idx.msk $0xffff, v51  }
0x109: {  	[tilespmem:v50+s15+$0x0] =	vst.idx.add.f32.msk $0xffff, v51  }
0x10a: {  	v33 =	vld.idx.msk [tilespmem:v33+s2+$0x0], $0xffff  }
0x10b: {  	v35 =	vld.idx.msk [tilespmem:v35+s11+$0x0], $0xffff;
	_ =	sdelay $0x4  }
0x10c: {  	v33 =	vadd.f32 v35, v33;
	_ =	sdelay $0x1  }
0x10d: {  	v35 =	vmul.f32 $2.000000030e-01, v33  }
0x10e: {  	vm11 =	vge.f32 v33, $0.0e+00  }
0x10f: {  	v33 =	vsel vm11, v33, v35  }
0x110: {  	v33 =	vmul.f32 $1.442695020e+00, v33;
	_ =	sdelay $0x1  }
0x111: {  	(erf) = vpow2.f32 v33;
	_ =	sdelay $0x5  }
0x112: {  	v52 =	vor.u32 $0x180, v34;
	_ =	sdelay $0x2  }
0x113: {  	v53 =	vpop (erf)  }
0x114: {  	[tilespmem:v16+s14+$0x0] =	vst.idx.msk $0xffff, v53  }
0x115: {  	[tilespmem:v52+s15+$0x0] =	vst.idx.add.f32.msk $0xffff, v53  }
0x116: {  	v33 =	vld [tilespmem:$0x1E040]  }
0x117: {  	v34 =	vld [tilespmem:$0x1E0C0];
	_ =	sdelay $0x3  }
0x118: {  	v33 =	vshll.u32 v33, $0x2  }
0x119: {  	v54 =	vshll.u32 v34, $0x2;
	_ =	sdelay $0x3  }
0x11a: {  	v36 =	vld.idx.msk [tilespmem:v33+s2+$0x0], $0xffff  }
0x11b: {  	v37 =	vld.idx.msk [tilespmem:v54+s11+$0x0], $0xffff;
	_ =	sdelay $0x4  }
0x11c: {  	v36 =	vadd.f32 v37, v36;
	_ =	sdelay $0x1  }
0x11d: {  	v37 =	vmul.f32 $2.000000030e-01, v36  }
0x11e: {  	vm12 =	vge.f32 v36, $0.0e+00  }
0x11f: {  	v36 =	vsel vm12, v36, v37  }
0x120: {  	v36 =	vmul.f32 $1.442695020e+00, v36;
	_ =	sdelay $0x1  }
0x121: {  	(erf) = vpow2.f32 v36;
	_ =	sdelay $0x4  }
0x122: {  	v34 =	vand.u32 $0x7F, v34;
	v55 =	vand.u32 $0xFFFFFE00, v54  }
0x123: {  	v34 =	vor.u32 v34, v55  }
0x124: {  	v56 =	vor.u32 $0x1, v33  }
0x125: {  	v57 =	vor.u32 $0x1, v54  }
0x126: {  	v58 =	vpop (erf)  }
0x127: {  	[tilespmem:v17+s14+$0x0] =	vst.idx.msk $0xffff, v58  }
0x128: {  	[tilespmem:v34+s15+$0x0] =	vst.idx.add.f32.msk $0xffff, v58  }
0x129: {  	v36 =	vld.idx.msk [tilespmem:v56+s2+$0x0], $0xffff  }
0x12a: {  	v37 =	vld.idx.msk [tilespmem:v57+s11+$0x0], $0xffff;
	_ =	sdelay $0x4  }
0x12b: {  	v36 =	vadd.f32 v37, v36;
	_ =	sdelay $0x1  }
0x12c: {  	v37 =	vmul.f32 $2.000000030e-01, v36  }
0x12d: {  	vm13 =	vge.f32 v36, $0.0e+00  }
0x12e: {  	v36 =	vsel vm13, v36, v37  }
0x12f: {  	v36 =	vmul.f32 $1.442695020e+00, v36;
	_ =	sdelay $0x1  }
0x130: {  	(erf) = vpow2.f32 v36;
	_ =	sdelay $0x5  }
0x131: {  	v59 =	vor.u32 $0x80, v34  }
0x132: {  	v60 =	vor.u32 $0x2, v33  }
0x133: {  	v61 =	vor.u32 $0x2, v54  }
0x134: {  	v62 =	vpop (erf)  }
0x135: {  	[tilespmem:v18+s14+$0x0] =	vst.idx.msk $0xffff, v62  }
0x136: {  	[tilespmem:v59+s15+$0x0] =	vst.idx.add.f32.msk $0xffff, v62  }
0x137: {  	v36 =	vld.idx.msk [tilespmem:v60+s2+$0x0], $0xffff  }
0x138: {  	v63 =	vld.idx.msk [tilespmem:v61+s11+$0x0], $0xffff;
	_ =	sdelay $0x4  }
0x139: {  	v36 =	vadd.f32 v63, v36;
	_ =	sdelay $0x1  }
0x13a: {  	v37 =	vmul.f32 $2.000000030e-01, v36  }
0x13b: {  	vm14 =	vge.f32 v36, $0.0e+00  }
0x13c: {  	v36 =	vsel vm14, v36, v37  }
0x13d: {  	v36 =	vmul.f32 $1.442695020e+00, v36;
	_ =	sdelay $0x1  }
0x13e: {  	(erf) = vpow2.f32 v36;
	_ =	sdelay $0x5  }
0x13f: {  	v40 =	vor.u32 $0x100, v34  }
0x140: {  	v33 =	vor.u32 $0x3, v33  }
0x141: {  	v35 =	vor.u32 $0x3, v54  }
0x142: {  	v41 =	vpop (erf)  }
0x143: {  	[tilespmem:v19+s14+$0x0] =	vst.idx.msk $0xffff, v41  }
0x144: {  	[tilespmem:v40+s15+$0x0] =	vst.idx.add.f32.msk $0xffff, v41  }
0x145: {  	v33 =	vld.idx.msk [tilespmem:v33+s2+$0x0], $0xffff  }
0x146: {  	v35 =	vld.idx.msk [tilespmem:v35+s11+$0x0], $0xffff;
	_ =	sdelay $0x4  }
0x147: {  	v33 =	vadd.f32 v35, v33;
	_ =	sdelay $0x1  }
0x148: {  	v35 =	vmul.f32 $2.000000030e-01, v33  }
0x149: {  	vm15 =	vge.f32 v33, $0.0e+00  }
0x14a: {  	v33 =	vsel vm15, v33, v35  }
0x14b: {  	v33 =	vmul.f32 $1.442695020e+00, v33;
	_ =	sdelay $0x1  }
0x14c: {  	(erf) = vpow2.f32 v33;
	_ =	sdelay $0x5  }
0x14d: {  	v42 =	vor.u32 $0x180, v34;
	_ =	sdelay $0x2  }
0x14e: {  	v43 =	vpop (erf)  }
0x14f: {  	[tilespmem:v20+s14+$0x0] =	vst.idx.msk $0xffff, v43  }
0x150: {  	[tilespmem:v42+s15+$0x0] =	vst.idx.add.f32.msk $0xffff, v43  }
0x151: {  	v33 =	vld [tilespmem:$0x1E050]  }
0x152: {  	v34 =	vld [tilespmem:$0x1E0D0];
	_ =	sdelay $0x3  }
0x153: {  	v33 =	vshll.u32 v33, $0x2  }
0x154: {  	v44 =	vshll.u32 v34, $0x2;
	_ =	sdelay $0x3  }
0x155: {  	v36 =	vld.idx.msk [tilespmem:v33+s2+$0x0], $0xffff  }
0x156: {  	v37 =	vld.idx.msk [tilespmem:v44+s11+$0x0], $0xffff;
	_ =	sdelay $0x4  }
0x157: {  	v36 =	vadd.f32 v37, v36;
	_ =	sdelay $0x1  }
0x158: {  	v37 =	vmul.f32 $2.000000030e-01, v36  }
0x159: {  	vm4 =	vge.f32 v36, $0.0e+00  }
0x15a: {  	v36 =	vsel vm4, v36, v37  }
0x15b: {  	v36 =	vmul.f32 $1.442695020e+00, v36;
	_ =	sdelay $0x1  }
0x15c: {  	(erf) = vpow2.f32 v36;
	_ =	sdelay $0x4  }
0x15d: {  	v34 =	vand.u32 $0x7F, v34;
	v45 =	vand.u32 $0xFFFFFE00, v44  }
0x15e: {  	v34 =	vor.u32 v34, v45  }
0x15f: {  	v46 =	vor.u32 $0x1, v33  }
0x160: {  	v47 =	vor.u32 $0x1, v44  }
0x161: {  	v48 =	vpop (erf)  }
0x162: {  	[tilespmem:v21+s14+$0x0] =	vst.idx.msk $0xffff, v48  }
0x163: {  	[tilespmem:v34+s15+$0x0] =	vst.idx.add.f32.msk $0xffff, v48  }
0x164: {  	v36 =	vld.idx.msk [tilespmem:v46+s2+$0x0], $0xffff  }
0x165: {  	v37 =	vld.idx.msk [tilespmem:v47+s11+$0x0], $0xffff;
	_ =	sdelay $0x4  }
0x166: {  	v36 =	vadd.f32 v37, v36;
	_ =	sdelay $0x1  }
0x167: {  	v37 =	vmul.f32 $2.000000030e-01, v36  }
0x168: {  	vm5 =	vge.f32 v36, $0.0e+00  }
0x169: {  	v36 =	vsel vm5, v36, v37  }
0x16a: {  	v36 =	vmul.f32 $1.442695020e+00, v36;
	_ =	sdelay $0x1  }
0x16b: {  	(erf) = vpow2.f32 v36;
	_ =	sdelay $0x5  }
0x16c: {  	v49 =	vor.u32 $0x80, v34  }
0x16d: {  	v50 =	vor.u32 $0x2, v33  }
0x16e: {  	v51 =	vor.u32 $0x2, v44  }
0x16f: {  	v52 =	vpop (erf)  }
0x170: {  	[tilespmem:v22+s14+$0x0] =	vst.idx.msk $0xffff, v52  }
0x171: {  	[tilespmem:v49+s15+$0x0] =	vst.idx.add.f32.msk $0xffff, v52  }
0x172: {  	v36 =	vld.idx.msk [tilespmem:v50+s2+$0x0], $0xffff  }
0x173: {  	v53 =	vld.idx.msk [tilespmem:v51+s11+$0x0], $0xffff;
	_ =	sdelay $0x4  }
0x174: {  	v36 =	vadd.f32 v53, v36;
	_ =	sdelay $0x1  }
0x175: {  	v37 =	vmul.f32 $2.000000030e-01, v36  }
0x176: {  	vm6 =	vge.f32 v36, $0.0e+00  }
0x177: {  	v36 =	vsel vm6, v36, v37  }
0x178: {  	v36 =	vmul.f32 $1.442695020e+00, v36;
	_ =	sdelay $0x1  }
0x179: {  	(erf) = vpow2.f32 v36;
	_ =	sdelay $0x5  }
0x17a: {  	v54 =	vor.u32 $0x100, v34  }
0x17b: {  	v33 =	vor.u32 $0x3, v33  }
0x17c: {  	v35 =	vor.u32 $0x3, v44  }
0x17d: {  	v55 =	vpop (erf)  }
0x17e: {  	[tilespmem:v23+s14+$0x0] =	vst.idx.msk $0xffff, v55  }
0x17f: {  	[tilespmem:v54+s15+$0x0] =	vst.idx.add.f32.msk $0xffff, v55  }
0x180: {  	v33 =	vld.idx.msk [tilespmem:v33+s2+$0x0], $0xffff  }
0x181: {  	v35 =	vld.idx.msk [tilespmem:v35+s11+$0x0], $0xffff;
	_ =	sdelay $0x4  }
0x182: {  	v33 =	vadd.f32 v35, v33;
	_ =	sdelay $0x1  }
0x183: {  	v35 =	vmul.f32 $2.000000030e-01, v33  }
0x184: {  	vm7 =	vge.f32 v33, $0.0e+00  }
0x185: {  	v33 =	vsel vm7, v33, v35  }
0x186: {  	v33 =	vmul.f32 $1.442695020e+00, v33;
	_ =	sdelay $0x1  }
0x187: {  	(erf) = vpow2.f32 v33;
	_ =	sdelay $0x5  }
0x188: {  	v56 =	vor.u32 $0x180, v34;
	_ =	sdelay $0x2  }
0x189: {  	v57 =	vpop (erf)  }
0x18a: {  	[tilespmem:v24+s14+$0x0] =	vst.idx.msk $0xffff, v57  }
0x18b: {  	[tilespmem:v56+s15+$0x0] =	vst.idx.add.f32.msk $0xffff, v57  }
0x18c: {  	v33 =	vld [tilespmem:$0x1E060]  }
0x18d: {  	v34 =	vld [tilespmem:$0x1E0E0];
	_ =	sdelay $0x3  }
0x18e: {  	v33 =	vshll.u32 v33, $0x2  }
0x18f: {  	v58 =	vshll.u32 v34, $0x2;
	_ =	sdelay $0x3  }
0x190: {  	v36 =	vld.idx.msk [tilespmem:v33+s2+$0x0], $0xffff  }
0x191: {  	v37 =	vld.idx.msk [tilespmem:v58+s11+$0x0], $0xffff;
	_ =	sdelay $0x4  }
0x192: {  	v36 =	vadd.f32 v37, v36;
	_ =	sdelay $0x1  }
0x193: {  	v37 =	vmul.f32 $2.000000030e-01, v36  }
0x194: {  	vm8 =	vge.f32 v36, $0.0e+00  }
0x195: {  	v36 =	vsel vm8, v36, v37  }
0x196: {  	v36 =	vmul.f32 $1.442695020e+00, v36;
	_ =	sdelay $0x1  }
0x197: {  	(erf) = vpow2.f32 v36;
	_ =	sdelay $0x4  }
0x198: {  	v34 =	vand.u32 $0x7F, v34;
	v59 =	vand.u32 $0xFFFFFE00, v58  }
0x199: {  	v34 =	vor.u32 v34, v59  }
0x19a: {  	v60 =	vor.u32 $0x1, v33  }
0x19b: {  	v61 =	vor.u32 $0x1, v58  }
0x19c: {  	v62 =	vpop (erf)  }
0x19d: {  	[tilespmem:v25+s14+$0x0] =	vst.idx.msk $0xffff, v62  }
0x19e: {  	[tilespmem:v34+s15+$0x0] =	vst.idx.add.f32.msk $0xffff, v62  }
0x19f: {  	v36 =	vld.idx.msk [tilespmem:v60+s2+$0x0], $0xffff  }
0x1a0: {  	v37 =	vld.idx.msk [tilespmem:v61+s11+$0x0], $0xffff;
	_ =	sdelay $0x4  }
0x1a1: {  	v36 =	vadd.f32 v37, v36;
	_ =	sdelay $0x1  }
0x1a2: {  	v37 =	vmul.f32 $2.000000030e-01, v36  }
0x1a3: {  	vm9 =	vge.f32 v36, $0.0e+00  }
0x1a4: {  	v36 =	vsel vm9, v36, v37  }
0x1a5: {  	v36 =	vmul.f32 $1.442695020e+00, v36;
	_ =	sdelay $0x1  }
0x1a6: {  	(erf) = vpow2.f32 v36;
	_ =	sdelay $0x5  }
0x1a7: {  	v63 =	vor.u32 $0x80, v34  }
0x1a8: {  	v42 =	vor.u32 $0x2, v33  }
0x1a9: {  	v43 =	vor.u32 $0x2, v58  }
0x1aa: {  	v44 =	vpop (erf)  }
0x1ab: {  	[tilespmem:v26+s14+$0x0] =	vst.idx.msk $0xffff, v44  }
0x1ac: {  	[tilespmem:v63+s15+$0x0] =	vst.idx.add.f32.msk $0xffff, v44  }
0x1ad: {  	v36 =	vld.idx.msk [tilespmem:v42+s2+$0x0], $0xffff  }
0x1ae: {  	v45 =	vld.idx.msk [tilespmem:v43+s11+$0x0], $0xffff;
	_ =	sdelay $0x4  }
0x1af: {  	v36 =	vadd.f32 v45, v36;
	_ =	sdelay $0x1  }
0x1b0: {  	v37 =	vmul.f32 $2.000000030e-01, v36  }
0x1b1: {  	vm10 =	vge.f32 v36, $0.0e+00  }
0x1b2: {  	v36 =	vsel vm10, v36, v37  }
0x1b3: {  	v36 =	vmul.f32 $1.442695020e+00, v36;
	_ =	sdelay $0x1  }
0x1b4: {  	(erf) = vpow2.f32 v36;
	_ =	sdelay $0x5  }
0x1b5: {  	v46 =	vor.u32 $0x100, v34  }
0x1b6: {  	v33 =	vor.u32 $0x3, v33  }
0x1b7: {  	v35 =	vor.u32 $0x3, v58  }
0x1b8: {  	v47 =	vpop (erf)  }
0x1b9: {  	[tilespmem:v27+s14+$0x0] =	vst.idx.msk $0xffff, v47  }
0x1ba: {  	[tilespmem:v46+s15+$0x0] =	vst.idx.add.f32.msk $0xffff, v47  }
0x1bb: {  	v33 =	vld.idx.msk [tilespmem:v33+s2+$0x0], $0xffff  }
0x1bc: {  	v35 =	vld.idx.msk [tilespmem:v35+s11+$0x0], $0xffff;
	_ =	sdelay $0x4  }
0x1bd: {  	v33 =	vadd.f32 v35, v33;
	_ =	sdelay $0x1  }
0x1be: {  	v35 =	vmul.f32 $2.000000030e-01, v33  }
0x1bf: {  	vm11 =	vge.f32 v33, $0.0e+00  }
0x1c0: {  	v33 =	vsel vm11, v33, v35  }
0x1c1: {  	v33 =	vmul.f32 $1.442695020e+00, v33;
	_ =	sdelay $0x1  }
0x1c2: {  	(erf) = vpow2.f32 v33;
	_ =	sdelay $0x5  }
0x1c3: {  	v48 =	vor.u32 $0x180, v34;
	_ =	sdelay $0x2  }
0x1c4: {  	v49 =	vpop (erf)  }
0x1c5: {  	[tilespmem:v28+s14+$0x0] =	vst.idx.msk $0xffff, v49  }
0x1c6: {  	[tilespmem:v48+s15+$0x0] =	vst.idx.add.f32.msk $0xffff, v49  }
0x1c7: {  	v33 =	vld [tilespmem:$0x1E070]  }
0x1c8: {  	v34 =	vld [tilespmem:$0x1E0F0];
	_ =	sdelay $0x3  }
0x1c9: {  	v33 =	vshll.u32 v33, $0x2  }
0x1ca: {  	v50 =	vshll.u32 v34, $0x2;
	_ =	sdelay $0x3  }
0x1cb: {  	v36 =	vld.idx.msk [tilespmem:v33+s2+$0x0], $0xffff  }
0x1cc: {  	v37 =	vld.idx.msk [tilespmem:v50+s11+$0x0], $0xffff;
	_ =	sdelay $0x4  }
0x1cd: {  	v36 =	vadd.f32 v37, v36;
	_ =	sdelay $0x1  }
0x1ce: {  	v37 =	vmul.f32 $2.000000030e-01, v36  }
0x1cf: {  	vm12 =	vge.f32 v36, $0.0e+00  }
0x1d0: {  	v36 =	vsel vm12, v36, v37  }
0x1d1: {  	v36 =	vmul.f32 $1.442695020e+00, v36;
	_ =	sdelay $0x1  }
0x1d2: {  	(erf) = vpow2.f32 v36;
	_ =	sdelay $0x4  }
0x1d3: {  	v34 =	vand.u32 $0x7F, v34;
	v51 =	vand.u32 $0xFFFFFE00, v50  }
0x1d4: {  	v34 =	vor.u32 v34, v51  }
0x1d5: {  	v52 =	vor.u32 $0x1, v33  }
0x1d6: {  	v53 =	vor.u32 $0x1, v50  }
0x1d7: {  	v54 =	vpop (erf)  }
0x1d8: {  	[tilespmem:v29+s14+$0x0] =	vst.idx.msk $0xffff, v54  }
0x1d9: {  	[tilespmem:v34+s15+$0x0] =	vst.idx.add.f32.msk $0xffff, v54  }
0x1da: {  	v36 =	vld.idx.msk [tilespmem:v52+s2+$0x0], $0xffff  }
0x1db: {  	v37 =	vld.idx.msk [tilespmem:v53+s11+$0x0], $0xffff;
	_ =	sdelay $0x4  }
0x1dc: {  	v36 =	vadd.f32 v37, v36;
	_ =	sdelay $0x1  }
0x1dd: {  	v37 =	vmul.f32 $2.000000030e-01, v36  }
0x1de: {  	vm13 =	vge.f32 v36, $0.0e+00  }
0x1df: {  	v36 =	vsel vm13, v36, v37  }
0x1e0: {  	v36 =	vmul.f32 $1.442695020e+00, v36;
	_ =	sdelay $0x1  }
0x1e1: {  	(erf) = vpow2.f32 v36;
	_ =	sdelay $0x5  }
0x1e2: {  	v55 =	vor.u32 $0x80, v34  }
0x1e3: {  	v56 =	vor.u32 $0x2, v33  }
0x1e4: {  	v57 =	vor.u32 $0x2, v50  }
0x1e5: {  	v58 =	vpop (erf)  }
0x1e6: {  	[tilespmem:v30+s14+$0x0] =	vst.idx.msk $0xffff, v58  }
0x1e7: {  	[tilespmem:v55+s15+$0x0] =	vst.idx.add.f32.msk $0xffff, v58  }
0x1e8: {  	v36 =	vld.idx.msk [tilespmem:v56+s2+$0x0], $0xffff  }
0x1e9: {  	v59 =	vld.idx.msk [tilespmem:v57+s11+$0x0], $0xffff;
	_ =	sdelay $0x4  }
0x1ea: {  	v36 =	vadd.f32 v59, v36;
	_ =	sdelay $0x1  }
0x1eb: {  	v37 =	vmul.f32 $2.000000030e-01, v36  }
0x1ec: {  	vm14 =	vge.f32 v36, $0.0e+00  }
0x1ed: {  	v36 =	vsel vm14, v36, v37  }
0x1ee: {  	v36 =	vmul.f32 $1.442695020e+00, v36;
	_ =	sdelay $0x1  }
0x1ef: {  	(erf) = vpow2.f32 v36;
	_ =	sdelay $0x5  }
0x1f0: {  	v60 =	vor.u32 $0x100, v34  }
0x1f1: {  	v33 =	vor.u32 $0x3, v33  }
0x1f2: {  	v35 =	vor.u32 $0x3, v50  }
0x1f3: {  	v61 =	vpop (erf)  }
0x1f4: {  	[tilespmem:v31+s14+$0x0] =	vst.idx.msk $0xffff, v61  }
0x1f5: {  	[tilespmem:v60+s15+$0x0] =	vst.idx.add.f32.msk $0xffff, v61  }
0x1f6: {  	v33 =	vld.idx.msk [tilespmem:v33+s2+$0x0], $0xffff  }
0x1f7: {  	v35 =	vld.idx.msk [tilespmem:v35+s11+$0x0], $0xffff;
	_ =	sdelay $0x4  }
0x1f8: {  	v33 =	vadd.f32 v35, v33;
	_ =	sdelay $0x1  }
0x1f9: {  	v35 =	vmul.f32 $2.000000030e-01, v33  }
0x1fa: {  	vm15 =	vge.f32 v33, $0.0e+00  }
0x1fb: {  	v33 =	vsel vm15, v33, v35  }
0x1fc: {  	v33 =	vmul.f32 $1.442695020e+00, v33;
	_ =	sdelay $0x1  }
0x1fd: {  	(erf) = vpow2.f32 v33;
	_ =	sdelay $0x5  }
0x1fe: {  	v62 =	vor.u32 $0x180, v34;
	_ =	sdelay $0x2  }
0x1ff: {  	v63 =	vpop (erf)  }
0x200: {  	p0 =	sne.s32 s17, $0x9E0;
	[tilespmem:v32+s14+$0x0] =	vst.idx.msk $0xffff, v63  }
.Ltmp1:
0x201: {  	[tilespmem:v62+s15+$0x0] =	vst.idx.add.f32.msk $0xffff, v63;
	(pc) =	sbr.rel @p0 .LBB2_4-.Ltmp1, $4  }
0x202: {  	[hbm4b:s18+s2] =	stream.linear.scatter [tilespmem:s14], [sflag:$0x1], $0x200, $0x38;
	[tilespmem:$0x1E300] =	vst v63  }
0x203: {  	_ =	swait.ge [sflag:s10], $0x200  }
0x204: {  	[sflag:s10] =	ssyncset.done $0x0  }
0x205: {  	s17 =	sadd.s32 $0x10, s17;
	s18 =	sadd.s32 $0x40, s18;
	[sflag:s10] =	ssyncadd.s32 $0xFFFFFE00  }
0x206: {  	s16 =	sadd.s32 $0x1, s16  }
0x207: {  	p0 =	sne.s32 s16, s6  }
.Ltmp2:
0x208: {  	_ = 	snop;
	(pc) =	sbr.rel @p0 .LBB2_1-.Ltmp2, $4  }
0x209: {  	[hbm4b:s5+s2] =	stream.linear.scatter [tilespmem:s15], [sflag:$0x1], $0xA000, $0x38;
	[tilespmem:$0x1E300] =	vst v63  }
0x20a: {  	_ =	swait.ge [sflag:s10], $0xA000  }
0x20b: {  	[sflag:s10] =	ssyncset.done $0x0  }
0x20c: {  	[sflag:s10] =	ssyncadd.s32 $0xFFFF6000  }
0x20d: {  	_ =	sfence.sel $0x180000  }
0x20e: {  	[bflag:$0x0] =	sbarrier.arrive $0xFFFF  }
0x20f: {  	p0 =	sne.s32 s0, $0x0;
	_ =	strace $0x90000047  }
0x210: {  	s0 =	sadd.s32 @!p0 $0x100000, s1;
	[bflag:$0x2] =	sbarrier.arrive $0xFFFF  }
0x211: {  	[sflag:s0] =	ssyncadd.tile.s32 @!p0 $0x1;
	_ =	shalt  }
.Lfunc_end2:
_tile_overlayer_lowered:
.L_overlay_start_2:
0x212: {  	(tag) =	ssettag $0x2  }
0x213: {  	s0 =	rddreg [dreg:$0x0];
	s2 =	stileid.u32  }
0x214: {  	s1 =	rddreg [dreg:$0x1];
	p0 =	sne.s32 s2, $0x0  }
0x215: {  	s3 =	rddreg [dreg:$0x2];
	[bflag:$0x3] =	sbarrier.arrive $0xFFFF;
	s2 =	simm.s32 @!p0 $0x1C01  }
0x216: {  	[timem:s3], [sflag:s2] =	dma.local @!p0 [hbm:s0], s1  }
0x217: {  	s0 =	simm.s32 @!p0 $0x1  }
0x218: {  	_ =	swait.ge @!p0 [sflag:s0], s1  }
0x219: {  	s1 =	ssub.s32 @!p0 $0x0, s1;
	[sflag:s0] =	ssyncset.done @!p0 $0x0  }
0x21a: {  	[sflag:s0] =	ssyncadd.s32 @!p0 s1  }
0x21b: {  	[bflag:$0x3] =	sbarrier.arrive $0xFFFF  }
0x21c: {  	_ =	shalt  }

// kernel: kernel.9.cloned.1.call-start
scs
__scs_entry_jumppad:
0x0: {  	(pc) =	sbr.rel $0x88, $3  }
0x1: {  	(tag) =	ssettag $0x0;
	lr =	simm.s32 $0x1  }
0x2: {  	[smem:$0x3F99] =	sst lr;
	_ =	strace $0xD0000000  }
0x3: {  	_ = 	snop  }
0x4: {  	_ = 	snop  }
0x5: {  	_ = 	snop  }
0x6: {  	_ = 	snop  }
0x7: {  	_ = 	snop  }
__scs_overlays_trampoline_lowered:
0x8: {  	[smem:$0x3FA8] =	sst s0  }
0x9: {  	[smem:$0x3FA9] =	sst s1  }
0xa: {  	[smem:$0x3FAA] =	sst s2  }
0xb: {  	[smem:$0x3FAB] =	sst s3  }
0xc: {  	[smem:$0x3FAC] =	sst s4  }
0xd: {  	[smem:$0x3FAD] =	sst s5  }
0xe: {  	[smem:$0x3FAE] =	sst s6  }
0xf: {  	[smem:$0x3FAF] =	sst s7  }
0x10: {  	[smem:$0x3FB0] =	sst s8  }
0x11: {  	[smem:$0x3FB1] =	sst s9;
	s0 =	simm.s32 @!p0 $0x0  }
0x12: {  	s1 =	sld [smem:$0x3F97];
	s0 =	simm.s32 @p0 $0x1  }
0x13: {  	[smem:$0x3FB2] =	sst s0;
	s0 =	simm.s32 @!p1 $0x0  }
0x14: {  	s2 =	sld [smem:$0x3F96];
	s0 =	simm.s32 @p1 $0x1  }
0x15: {  	[smem:$0x3FB3] =	sst s0;
	s0 =	simm.s32 @!p2 $0x0  }
0x16: {  	s3 =	sld [smem:$0x3FDB];
	s0 =	simm.s32 @p2 $0x1  }
0x17: {  	s4 =	simm.s32 $0x1BF5;
	[smem:$0x3FB5] =	sst s0  }
0x18: {  	s0 =	sld [smem:$0x3F98];
	_ =	swait.ge [sflag:s4], $0x0  }
0x19: {  	s7 =	sld [smem:$0x3F99]  }
0x1a: {  	s8 =	sadd.s32 $0xFFFFE003, lr  }
0x1b: {  	s9 =	sadd.s32 $0xFFFFFEF7, lr;
	s5 =	simm.s32 $0xFFFFFFFF;
	p2 =	slt.u32 s8, $0xFFFFF086  }
0x1c: {  	p1 =	slt.u32 s9, $0xF7A;
	s5 =	simm.s32 @!p2 $0x0  }
0x1d: {  	s5 =	simm.s32 @p1 $0x1;
	p0 =	seq.s32 s7, s2  }
0x1e: {  	s7 =	smul.u32 @!p0 $0xF7A, s2;
	p2 =	seq.s32 @!p0 s5, $0x0  }
0x1f: {  	s9 =	smul.u32 $0xF7A, s1;
	s8 =	simm.s32 @!p0 $0x1BF5;
	p2 =	por !p2, p0  }
0x20: {  	[sflag:s8] =	ssyncset.s32 @!p0 $0xFFFFF086;
	s6 =	sadd.s32 @!p0 s3, s7;
	s7 =	simm.s32 @!p0 $0x108  }
0x21: {  	s3 =	sadd.s32 s3, s9;
	s6 =	sadd.s32 @!p0 $0x88, s6;
	s7 =	simm.s32 @p2 $0x1082  }
0x22: {  	[simem:s7], [sflag:s8] =	dma.local @!p0 [hbm:s6], $0xF7A  }
0x23: {  	s9 =	sor.u32 $0xD0000000, s2;
	s6 =	simm.s32 $0x108;
	_ =	swait.ge @!p0 [sflag:s8], $0x0  }
0x24: {  	s3 =	sadd.s32 $0x88, s3;
	s6 =	simm.s32 @!p1 $0x1082;
	[sflag:s4] =	ssyncset.s32 $0xFFFFF086  }
0x25: {  	[simem:s6], [sflag:s4] =	dma.local [hbm:s3], $0xF7A  }
0x26: {  	[smem:$0x3F99] =	sst s1;
	(tag) =	ssettag s2;
	_ =	strace s9  }
0x27: {  	s1 =	sld [smem:$0x3FA9]  }
0x28: {  	s2 =	sld [smem:$0x3FAA]  }
0x29: {  	s4 =	sld [smem:$0x3FAC]  }
0x2a: {  	p0 =	seq.s32 s5, $0x0;
	s5 =	sld [smem:$0x3FAD]  }
0x2b: {  	s6 =	sld [smem:$0x3FAE]  }
0x2c: {  	s7 =	sld [smem:$0x3FAF]  }
0x2d: {  	s3 =	simm.s32 $0x108;
	s8 =	sld [smem:$0x3FB0]  }
0x2e: {  	s3 =	simm.s32 @!p0 $0x1082;
	s9 =	sld [smem:$0x3FB1]  }
0x2f: {  	lr =	sadd.s32 s0, s3;
	s0 =	sld [smem:$0x3FA8]  }
0x30: {  	s3 =	sld [smem:$0x3FAB]  }
0x31: {  	[smem:$0x3FB4] =	sst s10  }
0x32: {  	s10 =	sld [smem:$0x3FB2];
	_ =	sdelay $0x3  }
0x33: {  	p0 =	seq.s32 s10, $0x1;
	s10 =	sld [smem:$0x3FB4];
	_ =	sdelay $0x3  }
0x34: {  	[smem:$0x3FB4] =	sst s10  }
0x35: {  	s10 =	sld [smem:$0x3FB3];
	_ =	sdelay $0x3  }
0x36: {  	p1 =	seq.s32 s10, $0x1;
	s10 =	sld [smem:$0x3FB4];
	_ =	sdelay $0x3  }
0x37: {  	[smem:$0x3FB4] =	sst s10  }
0x38: {  	s10 =	sld [smem:$0x3FB5]  }
0x39: {  	_ = 	snop;
	(pc) =	sbr.ind lr, $3  }
0x3a: {  	_ = 	snop  }
0x3b: {  	_ = 	snop  }
0x3c: {  	p2 =	seq.s32 s10, $0x1;
	s10 =	sld [smem:$0x3FB4]  }
0x3d: {  	_ =	shalt  }
0x3e: {  	_ =	shalt  }
0x3f: {  	_ =	shalt  }
0x40: {  	_ =	shalt  }
0x41: {  	_ =	shalt  }
0x42: {  	_ =	shalt  }
0x43: {  	_ =	shalt  }
0x44: {  	_ =	shalt  }
0x45: {  	_ =	shalt  }
0x46: {  	_ =	shalt  }
0x47: {  	_ =	shalt  }
0x48: {  	_ =	shalt  }
0x49: {  	_ =	shalt  }
0x4a: {  	_ =	shalt  }
0x4b: {  	_ =	shalt  }
0x4c: {  	_ =	shalt  }
0x4d: {  	_ =	shalt  }
0x4e: {  	_ =	shalt  }
0x4f: {  	_ =	shalt  }
0x50: {  	_ =	shalt  }
0x51: {  	_ =	shalt  }
0x52: {  	_ =	shalt  }
0x53: {  	_ =	shalt  }
0x54: {  	_ =	shalt  }
0x55: {  	_ =	shalt  }
0x56: {  	_ =	shalt  }
0x57: {  	_ =	shalt  }
0x58: {  	_ =	shalt  }
0x59: {  	_ =	shalt  }
0x5a: {  	_ =	shalt  }
0x5b: {  	_ =	shalt  }
0x5c: {  	_ =	shalt  }
0x5d: {  	_ =	shalt  }
0x5e: {  	_ =	shalt  }
0x5f: {  	_ =	shalt  }
0x60: {  	_ =	shalt  }
0x61: {  	_ =	shalt  }
0x62: {  	_ =	shalt  }
0x63: {  	_ =	shalt  }
0x64: {  	_ =	shalt  }
0x65: {  	_ =	shalt  }
0x66: {  	_ =	shalt  }
0x67: {  	_ =	shalt  }
0x68: {  	_ =	shalt  }
0x69: {  	_ =	shalt  }
0x6a: {  	_ =	shalt  }
0x6b: {  	_ =	shalt  }
0x6c: {  	_ =	shalt  }
0x6d: {  	_ =	shalt  }
0x6e: {  	_ =	shalt  }
0x6f: {  	_ =	shalt  }
0x70: {  	_ =	shalt  }
0x71: {  	_ =	shalt  }
0x72: {  	_ =	shalt  }
0x73: {  	_ =	shalt  }
0x74: {  	_ =	shalt  }
0x75: {  	_ =	shalt  }
0x76: {  	_ =	shalt  }
0x77: {  	_ =	shalt  }
0x78: {  	_ =	shalt  }
0x79: {  	_ =	shalt  }
0x7a: {  	_ =	shalt  }
0x7b: {  	_ =	shalt  }
0x7c: {  	_ =	shalt  }
0x7d: {  	_ =	shalt  }
0x7e: {  	_ =	shalt  }
0x7f: {  	_ =	shalt  }
0x80: {  	_ =	shalt  }
0x81: {  	_ =	shalt  }
0x82: {  	_ =	shalt  }
0x83: {  	_ =	shalt  }
0x84: {  	_ =	shalt  }
0x85: {  	_ =	shalt  }
0x86: {  	_ =	shalt  }
0x87: {  	_ =	shalt  }
.Lfunc_end0:
.L_simem_size_0:
called_computation.1_lowered:
.L_overlay_start_0:
0x88: {  	s2 =	sld [smem:$0x3FD9]  }
0x89: {  	s3 =	sld [smem:$0x3FFE];
	_ =	sdelay $0x1  }
0x8a: {  	s1 =	srdreg.scid  }
0x8b: {  	s0 =	sand.u32 $0x1, s1  }
0x8c: {  	s17 =	sshll.u32 s0, $0xA;
	s2 =	sadd.s32 s3, s2  }
0x8d: {  	s2 =	sadd.s32 s2, s17  }
0x8e: {  	[smem:$0x3FC0] =	sst s2  }
0x8f: {  	_ = 	snop  }
0x90: {  	s2 =	sld [smem:$0x3FD0];
	(tm) =	ssettm $0x1  }
0x91: {  	s18 =	sld [smem:$0x3FFB];
	_ =	sdelay $0x3  }
0x92: {  	_ =	strace s18  }
0x93: {  	s3 =	sld [smem:$0x3FFC];
	_ =	sdelay $0x3  }
0x94: {  	_ =	strace s3  }
0x95: {  	s3 =	sld [smem:$0x3FFD];
	_ =	sdelay $0x3  }
0x96: {  	_ =	strace s3  }
0x97: {  	_ =	strace $0x8FFFFFFF  }
0x98: {  	s19 =	sld [smem:$0x3FDB];
	_ =	sdelay $0x1  }
0x99: {  	s4 =	simm.s32 $_scs_section_size  }
0x9a: {  	s5 =	simm.s32 $_size__tile_overlayer_lowered;
	s6 =	simm.s32 $_tile_overlayer_lowered  }
0x9b: {  	s22 =	simm.s32 $0x1BFF;
	s21 =	sshll.u32 s6, $0x1;
	s3 =	sadd.s32 s4, s19  }
0x9c: {  	s7 =	simm.s32 $0x0;
	s20 =	sshll.u32 s5, $0x1;
	s5 =	sadd.s32 s21, s3  }
0x9d: {  	[timem:s7], [sflag:s22] =	dma.local [hbm:s5], s20  }
0x9e: {  	_ =	swait.ge [sflag:s22], s20  }
0x9f: {  	s4 =	ssub.s32 $0x0, s20;
	[sflag:s22] =	ssyncset.done $0x0  }
0xa0: {  	[sflag:s22] =	ssyncadd.s32 s4;
	_ =	sdelay $0x1  }
0xa1: {  	s23 =	simm.s32 $0x1B8B  }
0xa2: {  	_ =	swait.ge [sflag:s23], $0x1  }
0xa3: {  	[sflag:s23] =	ssyncset.done $0x0  }
0xa4: {  	s25 =	simm.s32 $0x1B8E;
	s24 =	sld [smem:$0x3FFE];
	[sflag:s23] =	ssyncadd.s32 $0xFFFFFFFF  }
0xa5: {  	s26 =	simm.s32 $execute0_lowered;
	[smem:$0x3FD2] =	sst s25  }
0xa6: {  	s5 =	sshll.u32 s26, $0x1;
	_ =	strace $0x80000049;
	[dreg:$0x1] =	wrdreg $0xFFFFFFFF  }
0xa7: {  	s28 =	simm.s32 $_size_execute0_lowered;
	s3 =	sadd.s32 s3, s5;
	[dreg:$0x0] =	wrdreg $0x0  }
0xa8: {  	s5 =	sshll.u32 s28, $0x1;
	[dreg:$0x2] =	wrdreg s3  }
0xa9: {  	[dreg:$0x3] =	wrdreg s5  }
0xaa: {  	[dreg:$0x4] =	wrdreg $0xC0  }
0xab: {  	_ =	task [dreg:s7], $0x5FFFF  }
0xac: {  	[dreg:$0x1] =	wrdreg $0xFFFFFFFF  }
0xad: {  	[dreg:$0x0] =	wrdreg $0x60  }
0xae: {  	[dreg:$0x2] =	wrdreg s24  }
0xaf: {  	[dreg:$0x3] =	wrdreg s2  }
0xb0: {  	[dreg:$0x4] =	wrdreg $0x83800  }
0xb1: {  	[dreg:$0x5] =	wrdreg $0x9  }
0xb2: {  	_ =	task.clear_ibuf [dreg:s7], $0x6FFFF;
	_ =	strace $0x90000049  }
0xb3: {  	s29 =	simm.s32 $0x9;
	_ =	strace $0x8000004B  }
0xb4: {  	_ =	swait.ge [sflag:s29], $0x1  }
0xb5: {  	[sflag:s29] =	ssyncadd.s32 $0xFFFFFFFF  }
0xb6: {  	_ =	strace $0x9000004B  }
0xb7: {  	_ =	sfence  }
0xb8: {  	s30 =	sld [smem:$0x0];
	_ =	sdelay $0x2  }
0xb9: {  	s31 =	sshll.u32 s1, $0xD;
	s1 =	sshrl.u32 s1, $0x2  }
0xba: {  	s3 =	sand.u32 $0x4000, s31;
	s1 =	sadd.s32 s1, s30  }
0xbb: {  	s0 =	sor.u32 s3, s0;
	s1 =	sshll.u32 s1, $0x11  }
0xbc: {  	s0 =	sor.u32 s1, s0  }
0xbd: {  	s0 =	sadd.s32 $0x8F2B, s0  }
0xbe: {  	[sflag:s0] =	ssyncadd.remote.s32 $0x1  }
0xbf: {  	_ =	sfence.sel $0xFFFF  }
0xc0: {  	[dreg:$0x0] =	wrdreg $0xFFFFFFFF;
	(pc) =	sbr.abs _section_cstart, $3  }
0xc1: {  	[dreg:$0x1] =	wrdreg $0xFFFFFFFF  }
0xc2: {  	_ =	task.clear_ibuf [dreg:s7], $0x2FFFF;
	_ =	strace $0x9FFFFFFF  }
0xc3: {  	(tm) =	ssettm $0x7FFFFFFF  }
tec
execute0_lowered:
.L_overlay_start_1:
0x0: {  	(tag) =	ssettag $0x1  }
0x1: {  	s8 =	rddreg [dreg:$0x0]  }
0x2: {  	s1 =	rddreg [dreg:$0x1]  }
0x3: {  	s2 =	rddreg [dreg:$0x2]  }
0x4: {  	s0 =	rddreg [dreg:$0x3];
	s3 =	simm.s32 $0x0;
	s7 =	srdreg.scid  }
0x5: {  	s4 =	stileid.u32;
	s23 =	simm.s32 $0x380;
	s24 =	simm.s32 $0x1  }
0x6: {  	[smem:$0x7FF] =	sst s3;
	s5 =	sadd.s32 $0x16600, s8;
	s6 =	sadd.s32 $0x2800, s8  }
0x7: {  	s9 =	sand.u32 $0x1, s7;
	s7 =	sadd.s32 $0x40E00, s8;
	s11 =	smul.u32 $0x50000, s4  }
0x8: {  	s18 =	sadd.s32 $0xB8600, s8;
	s12 =	smul.u32 $0x14000, s4;
	s30 =	sshll.u32 s4, $0x1  }
0x9: {  	_ =	strace $0x8000004A;
	s10 =	ssub.s32 $0x2, s9;
	s13 =	sor.u32 s9, s30  }
0xa: {  	s20 =	smul.u32 $0x140000, s9;
	s29 =	sshrl.u32 s10, $0x1;
	s31 =	sshrl.u32 s11, $0x2  }
0xb: {  	s14 =	sadd.s32 $0x4000, s12;
	s16 =	sadd.s32 $0x8000, s12;
	s17 =	sadd.s32 $0xC000, s12  }
0xc: {  	s21 =	sadd.s32 $0x10000, s12;
	s13 =	smul.u32 $0x4F80, s13;
	s19 =	ssub.s32 s10, s29  }
0xd: {  	s8 =	sadd.s32 s31, s2;
	s9 =	sadd.s32 s14, s2;
	s10 =	sadd.s32 s16, s2  }
0xe: {  	s11 =	sadd.s32 s17, s2;
	s15 =	sadd.s32 s12, s20;
	s14 =	sadd.s32 s20, s14  }
0xf: {  	s12 =	sadd.s32 s21, s2;
	s16 =	sadd.s32 s20, s16;
	s17 =	sadd.s32 s20, s17  }
0x10: {  	s20 =	sadd.s32 s20, s21;
	s21 =	simm.s32 $0x2;
	s15 =	sshrl.u32 s15, $0x3  }
0x11: {  	s22 =	sshrl.u32 s14, $0x3;
	s16 =	sshrl.u32 s16, $0x3;
	s17 =	sshrl.u32 s17, $0x3  }
0x12: {  	s20 =	sshrl.u32 s20, $0x3;
	s19 =	smax.u32 s19, $0x1;
	s14 =	sadd.s32 s18, s15  }
0x13: {  	s15 =	sadd.s32 s18, s22;
	s16 =	sadd.s32 s18, s16;
	s17 =	sadd.s32 s18, s17  }
0x14: {  	v0 =	vimm.f32 $0.0e+00;
	s18 =	sadd.s32 s18, s20;
	s20 =	simm.s32 $0x4380;
	s22 =	simm.s32 $0x80  }
.LBB2_1:
0x15: {  	s25 =	simm.s32 $0x0;
	s26 =	simm.s32 $0x200  }
.LBB2_2:
0x16: {  	p0 =	sne.s32 s26, $0xFE00;
	[tilespmem:s25+$0x43F0] =	vst v0  }
0x17: {  	[tilespmem:s25+$0x4380] =	vst v0  }
0x18: {  	[tilespmem:s25+$0x4390] =	vst v0  }
.Ltmp0:
0x19: {  	[tilespmem:s25+$0x43A0] =	vst v0;
	(pc) =	sbr.rel @p0 .LBB2_2-.Ltmp0, $4  }
0x1a: {  	[tilespmem:s25+$0x43B0] =	vst v0  }
0x1b: {  	[tilespmem:s25+$0x43C0] =	vst v0  }
0x1c: {  	[tilespmem:s25+$0x43D0] =	vst v0  }
0x1d: {  	[tilespmem:s25+$0x43E0] =	vst v0;
	s25 =	sshra.s32 s26, $0x2;
	s26 =	sadd.s32 $0x200, s26  }
0x1e: {  	[tilespmem:s25+$0x43F0] =	vst v0  }
0x1f: {  	[tilespmem:s25+$0x4380] =	vst v0  }
0x20: {  	[tilespmem:s25+$0x4390] =	vst v0  }
0x21: {  	[tilespmem:s25+$0x43A0] =	vst v0  }
0x22: {  	[tilespmem:s25+$0x43B0] =	vst v0  }
0x23: {  	[tilespmem:s25+$0x43C0] =	vst v0  }
0x24: {  	[tilespmem:s25+$0x43D0] =	vst v0  }
0x25: {  	[tilespmem:s25+$0x43E0] =	vst v0  }
0x26: {  	[spmem:s8] =	stream.linear.scatter [tilespmem:s20], [sflag:$0x2], $0x4000, $0x38;
	[tilespmem:$0x1C380] =	vst v63  }
0x27: {  	_ =	swait.ge [sflag:s21], $0x4000  }
0x28: {  	[sflag:s21] =	ssyncset.done $0x0  }
0x29: {  	[sflag:s21] =	ssyncadd.s32 $0xFFFFC000  }
0x2a: {  	[spmem:s9] =	stream.linear.scatter [tilespmem:s20], [sflag:$0x2], $0x4000, $0x38;
	[tilespmem:$0x1C380] =	vst v63  }
0x2b: {  	_ =	swait.ge [sflag:s21], $0x4000  }
0x2c: {  	[sflag:s21] =	ssyncset.done $0x0  }
0x2d: {  	[sflag:s21] =	ssyncadd.s32 $0xFFFFC000  }
0x2e: {  	[spmem:s10] =	stream.linear.scatter [tilespmem:s20], [sflag:$0x2], $0x4000, $0x38;
	[tilespmem:$0x1C380] =	vst v63  }
0x2f: {  	_ =	swait.ge [sflag:s21], $0x4000  }
0x30: {  	[sflag:s21] =	ssyncset.done $0x0  }
0x31: {  	[sflag:s21] =	ssyncadd.s32 $0xFFFFC000  }
0x32: {  	[spmem:s11] =	stream.linear.scatter [tilespmem:s20], [sflag:$0x2], $0x4000, $0x38;
	[tilespmem:$0x1C380] =	vst v63  }
0x33: {  	_ =	swait.ge [sflag:s21], $0x4000  }
0x34: {  	[sflag:s21] =	ssyncset.done $0x0  }
0x35: {  	[sflag:s21] =	ssyncadd.s32 $0xFFFFC000  }
0x36: {  	[spmem:s12] =	stream.linear.scatter [tilespmem:s20], [sflag:$0x2], $0x4000, $0x38;
	[tilespmem:$0x1C380] =	vst v63  }
0x37: {  	_ =	swait.ge [sflag:s21], $0x4000  }
0x38: {  	[sflag:s21] =	ssyncset.done $0x0  }
0x39: {  	[sflag:s21] =	ssyncadd.s32 $0xFFFFC000  }
0x3a: {  	s25 =	simm.s32 $0x0;
	s26 =	simm.s32 $0x0;
	[bflag:$0x0] =	sbarrier.arrive $0xFFFF  }
.LBB2_4:
0x3b: {  	s28 =	sshll.u32 s26, $0x7  }
0x3c: {  	s28 =	sadd.s32 s13, s28  }
0x3d: {  	s29 =	sshrl.u32 s28, $0x3  }
0x3e: {  	s30 =	sadd.s32 s1, s29  }
0x3f: {  	[tilespmem:s25], [sflag:$0x2] =	stream.linear.gather [hbm4b:s30+s25], $0x80, $0x38;
	[tilespmem:$0x1C380] =	vst v63  }
0x40: {  	_ =	swait.ge [sflag:s21], $0x80  }
0x41: {  	[sflag:s21] =	ssyncset.done $0x0  }
0x42: {  	s29 =	sadd.s32 s6, s29;
	[sflag:s21] =	ssyncadd.s32 $0xFFFFFF80  }
0x43: {  	[tilespmem:s22], [sflag:$0x2] =	stream.linear.gather [hbm4b:s29+s25], $0x80, $0x38;
	[tilespmem:$0x1C380] =	vst v63  }
0x44: {  	_ =	swait.ge [sflag:s21], $0x80  }
0x45: {  	s28 =	sshrl.u32 s28, $0x1;
	[sflag:s21] =	ssyncset.done $0x0  }
0x46: {  	s28 =	sadd.s32 s7, s28;
	s29 =	simm.s32 $0x100;
	[sflag:s21] =	ssyncadd.s32 $0xFFFFFF80  }
0x47: {  	[tilespmem:s29], [sflag:$0x2] =	stream.linear.gather [hbm4b:s28+s25], $0x200, $0x38;
	[tilespmem:$0x1C380] =	vst v63  }
0x48: {  	_ =	swait.ge [sflag:s21], $0x200  }
0x49: {  	[sflag:s21] =	ssyncset.done $0x0  }
0x4a: {  	[sflag:s21] =	ssyncadd.s32 $0xFFFFFE00  }
0x4b: {  	[tilespmem:s23], [sflag:$0x1] =	stream.indirect.gather [hbm4b:s5+s22], $0x80, s25, s22, $0xb8;
	[tilespmem:$0x1C380] =	vst v63  }
0x4c: {  	_ =	swait.ge [sflag:s24], $0x4000  }
0x4d: {  	[sflag:s24] =	ssyncset.done $0x0  }
0x4e: {  	s28 =	simm.s32 $0x0;
	[sflag:s24] =	ssyncadd.s32 $0xFFFFC000  }
0x4f: {  	v1 =	vld [tilespmem:s28+$0x380]  }
0x50: {  	v2 =	vld [tilespmem:s28+$0x390]  }
0x51: {  	v3 =	vld [tilespmem:s28+$0x3A0]  }
0x52: {  	s30 =	simm.s32 $0x200;
	v4 =	vld [tilespmem:s29+$0x0]  }
.LBB2_5:
0x53: {  	p0 =	sne.s32 s30, $0xFE00;
	v5 =	vld [tilespmem:s28+$0x3B0]  }
0x54: {  	v6 =	vld [tilespmem:s28+$0x3C0]  }
0x55: {  	v7 =	vld [tilespmem:s28+$0x3D0]  }
0x56: {  	v8 =	vld [tilespmem:s28+$0x3E0]  }
0x57: {  	v9 =	vbroadcast v4, $0x0;
	v10 =	vbroadcast v4, $0x1;
	v11 =	vld [tilespmem:s28+$0x3F0]  }
0x58: {  	v12 =	vbroadcast v4, $0x2;
	v4 =	vbroadcast v4, $0x3  }
0x59: {  	v1 =	vmul.f32 v9, v1;
	v2 =	vmul.f32 v2, v9  }
0x5a: {  	v3 =	vmul.f32 v3, v10;
	v5 =	vmul.f32 v5, v10  }
0x5b: {  	[tilespmem:s28+$0x4380] =	vst v1;
	v1 =	vmul.f32 v6, v12;
	v6 =	vmul.f32 v7, v12  }
0x5c: {  	v7 =	vmul.f32 v8, v4;
	[tilespmem:s28+$0x4390] =	vst v2;
	v4 =	vmul.f32 v11, v4  }
0x5d: {  	[tilespmem:s28+$0x43A0] =	vst v3  }
0x5e: {  	[tilespmem:s28+$0x43B0] =	vst v5  }
.Ltmp1:
0x5f: {  	s31 =	sshra.s32 s30, $0x2;
	[tilespmem:s28+$0x43C0] =	vst v1;
	(pc) =	sbr.rel @p0 .LBB2_5-.Ltmp1, $4  }
0x60: {  	v1 =	vld [tilespmem:s31+$0x380];
	[tilespmem:s28+$0x43D0] =	vst v6  }
0x61: {  	v2 =	vld [tilespmem:s31+$0x390];
	[tilespmem:s28+$0x43E0] =	vst v7  }
0x62: {  	s29 =	sadd.s32 $0x4, s29;
	v3 =	vld [tilespmem:s31+$0x3A0];
	[tilespmem:s28+$0x43F0] =	vst v4;
	s28 =	smov.u32 s31  }
0x63: {  	s30 =	sadd.s32 $0x200, s30;
	v4 =	vld [tilespmem:s29+$0x0]  }
0x64: {  	_ =	sdelay $0x3  }
0x65: {  	v6 =	vld [tilespmem:s28+$0x3C0];
	v7 =	vbroadcast v4, $0x0  }
0x66: {  	v5 =	vld [tilespmem:s28+$0x3B0]  }
0x67: {  	v8 =	vld [tilespmem:s28+$0x3D0];
	v10 =	vbroadcast v4, $0x1;
	v1 =	vmul.f32 v7, v1  }
0x68: {  	v9 =	vld [tilespmem:s28+$0x3E0];
	v62 =	vbroadcast v4, $0x2;
	v2 =	vmul.f32 v2, v7  }
0x69: {  	v11 =	vld [tilespmem:s28+$0x3F0];
	v3 =	vmul.f32 v3, v10;
	[tilespmem:s28+$0x4380] =	vst v1  }
0x6a: {  	v63 =	vmul.f32 v6, v62;
	[tilespmem:s28+$0x4390] =	vst v2  }
0x6b: {  	v1 =	vmul.f32 v5, v10;
	v2 =	vbroadcast v4, $0x3;
	[tilespmem:s28+$0x43A0] =	vst v3  }
0x6c: {  	v3 =	vmul.f32 v8, v62;
	[tilespmem:s28+$0x43C0] =	vst v63  }
0x6d: {  	[tilespmem:s28+$0x43B0] =	vst v1;
	v1 =	vmul.f32 v9, v2  }
0x6e: {  	s26 =	sadd.s32 $0x1, s26;
	v2 =	vmul.f32 v11, v2;
	[tilespmem:s28+$0x43D0] =	vst v3  }
0x6f: {  	p0 =	sne.s32 s26, $0x9F;
	[tilespmem:s28+$0x43E0] =	vst v1  }
.Ltmp2:
0x70: {  	[tilespmem:s28+$0x43F0] =	vst v2;
	(pc) =	sbr.rel @p0 .LBB2_4-.Ltmp2, $4  }
0x71: {  	[spmem:s2] =	stream.indirect.scatter.add.f32 [tilespmem:s20], [sflag:$0x2], $0x80, s22, s22, $0xb8;
	[tilespmem:$0x1C380] =	vst v63  }
0x72: {  	_ =	swait.ge [sflag:s21], $0x4000  }
0x73: {  	[sflag:s21] =	ssyncset.done $0x0  }
0x74: {  	[sflag:s21] =	ssyncadd.s32 $0xFFFFC000  }
0x75: {  	s25 =	sshll.u32 s4, $0x6  }
0x76: {  	[bflag:$0x0] =	sbarrier.arrive $0xFFFF;
	s26 =	sshrl.u32 s8, $0x3;
	s25 =	sor.u32 $0x1C02, s25  }
0x77: {  	[hbm:s14], [sflag:s25] =	dma.local [spmem:s26], $0x800  }
0x78: {  	_ =	swait.ge [sflag:s21], $0x800  }
0x79: {  	[sflag:s21] =	ssyncset.done $0x0  }
0x7a: {  	s28 =	sshrl.u32 s9, $0x3;
	[sflag:s21] =	ssyncadd.s32 $0xFFFFF800  }
0x7b: {  	[hbm:s15], [sflag:s25] =	dma.local [spmem:s28], $0x800  }
0x7c: {  	_ =	swait.ge [sflag:s21], $0x800  }
0x7d: {  	[sflag:s21] =	ssyncset.done $0x0  }
0x7e: {  	s29 =	sshrl.u32 s10, $0x3;
	[sflag:s21] =	ssyncadd.s32 $0xFFFFF800  }
0x7f: {  	[hbm:s16], [sflag:s25] =	dma.local [spmem:s29], $0x800  }
0x80: {  	_ =	swait.ge [sflag:s21], $0x800  }
0x81: {  	[sflag:s21] =	ssyncset.done $0x0  }
0x82: {  	s30 =	sshrl.u32 s11, $0x3;
	[sflag:s21] =	ssyncadd.s32 $0xFFFFF800  }
0x83: {  	[hbm:s17], [sflag:s25] =	dma.local [spmem:s30], $0x800  }
0x84: {  	s3 =	sadd.s32 $0x1, s3;
	_ =	swait.ge [sflag:s21], $0x800  }
0x85: {  	p0 =	sne.s32 s3, s19;
	[sflag:s21] =	ssyncset.done $0x0  }
.Ltmp3:
0x86: {  	s31 =	sshrl.u32 s12, $0x3;
	[sflag:s21] =	ssyncadd.s32 $0xFFFFF800;
	(pc) =	sbr.rel @p0 .LBB2_1-.Ltmp3, $4  }
0x87: {  	[hbm:s18], [sflag:s25] =	dma.local [spmem:s31], $0x800  }
0x88: {  	_ =	swait.ge [sflag:s21], $0x800  }
0x89: {  	[sflag:s21] =	ssyncset.done $0x0  }
0x8a: {  	[sflag:s21] =	ssyncadd.s32 $0xFFFFF800  }
0x8b: {  	_ =	sfence.sel $0x180000  }
0x8c: {  	[bflag:$0x0] =	sbarrier.arrive $0xFFFF  }
0x8d: {  	p0 =	sne.s32 s4, $0x0;
	_ =	strace $0x9000004A  }
0x8e: {  	s0 =	sadd.s32 @!p0 $0x100000, s0;
	[bflag:$0x2] =	sbarrier.arrive $0xFFFF  }
0x8f: {  	[sflag:s0] =	ssyncadd.tile.s32 @!p0 $0x1;
	_ =	shalt  }
.Lfunc_end2:
_tile_overlayer_lowered:
.L_overlay_start_2:
0x90: {  	(tag) =	ssettag $0x2  }
0x91: {  	s0 =	rddreg [dreg:$0x0];
	s2 =	stileid.u32  }
0x92: {  	s1 =	rddreg [dreg:$0x1];
	p0 =	sne.s32 s2, $0x0  }
0x93: {  	s3 =	rddreg [dreg:$0x2];
	[bflag:$0x3] =	sbarrier.arrive $0xFFFF;
	s2 =	simm.s32 @!p0 $0x1C02  }
0x94: {  	[timem:s3], [sflag:s2] =	dma.local @!p0 [hbm:s0], s1  }
0x95: {  	s0 =	simm.s32 @!p0 $0x2  }
0x96: {  	_ =	swait.ge @!p0 [sflag:s0], s1  }
0x97: {  	s1 =	ssub.s32 @!p0 $0x0, s1;
	[sflag:s0] =	ssyncset.done @!p0 $0x0  }
0x98: {  	[sflag:s0] =	ssyncadd.s32 @!p0 s1  }
0x99: {  	[bflag:$0x3] =	sbarrier.arrive $0xFFFF  }
0x9a: {  	_ =	shalt  }

</sc_bundles>
